<compile_context>
chip_gen: v7x
topology: tpu7x:2x2x1
jax: 0.10.2.dev20260603
libtpu: 0.0.44.dev20260713+nightly
codegen_flags: <defaults>
</compile_context>

<pallas_src>
import jax
import jax.numpy as jnp
import numpy as np
from jax import lax
from jax.experimental import pallas as pl
from jax.experimental.pallas import tpu as pltpu

B = 2
C = 96
H = 224
W = 224
E = 8
K = 2
TH = 32
NT = H // TH
HALO = TH + 6
RB = 8
NW = W // 8
EPS = float(np.finfo(float).eps)


def _rbconv(xp_ref, slab_scr, convs):
    zero = jnp.zeros((TH, W, C), jnp.float32)
    for acc_ref, _ in convs:
        acc_ref[...] = zero

    def jstep(j, carry):
        slab_scr[...] = xp_ref[0, :, pl.ds(j, W), :]
        wjs = [get_wj(j) for _, get_wj in convs]

        def wchunk(wc, carry2):
            wof = pl.multiple_of(wc * 8, 8)

            def rowchunk(rc, carry3):
                rof = pl.multiple_of(rc * RB, RB)
                base = slab_scr[pl.ds(rof, RB + 6), pl.ds(wof, 8), :]
                for (acc_ref, _), wv in zip(convs, wjs):
                    acc = acc_ref[pl.ds(rof, RB), pl.ds(wof, 8), :]
                    for i in range(7):
                        acc = acc + base[i:i + RB] * wv[i][None, None, :]
                    acc_ref[pl.ds(rof, RB), pl.ds(wof, 8), :] = acc
                return carry3

            return lax.fori_loop(0, TH // RB, rowchunk, carry2,
                                 unroll=TH // RB)

        return lax.fori_loop(0, NW, wchunk, carry, unroll=2)

    lax.fori_loop(0, 7, jstep, 0)


def _router_body(xp_ref, rw_ref, g_ref, rb_ref, topk_ref, loss_ref,
                 logits_scr, slab_scr, acc_scr):
    b = pl.program_id(0)
    t = pl.program_id(1)

    _rbconv(xp_ref, slab_scr, [(acc_scr, lambda j: rw_ref[j])])
    acc2 = acc_scr[...].reshape(TH * W, C)
    g2 = g_ref[0]
    m2 = lax.dot_general(acc2, g2, (((0,), (0,)), ((), ())),
                         preferred_element_type=jnp.float32)
    partial = jnp.sum(m2, axis=0) + rb_ref[0, 0] * jnp.sum(g2, axis=0)

    rows = lax.broadcasted_iota(jnp.int32, (B, 16), 0)
    cols = lax.broadcasted_iota(jnp.int32, (B, 16), 1)

    @pl.when(jnp.logical_and(b == 0, t == 0))
    def _init():
        logits_scr[...] = jnp.where(cols < E, 0.0, -3.0e38)

    pad = jnp.concatenate([partial.reshape(1, E), jnp.zeros((1, 16 - E),
                                                            jnp.float32)], 1)
    logits_scr[...] += jnp.where(rows == b, pad, 0.0)

    @pl.when(jnp.logical_and(b == B - 1, t == NT - 1))
    def _gating():
        lg = logits_scr[...]
        m0 = jnp.max(lg, axis=1, keepdims=True)
        i0 = jnp.min(jnp.where(lg == m0, cols, 16), axis=1, keepdims=True)
        masked = jnp.where(cols == i0, -3.0e38, lg)
        m1 = jnp.max(masked, axis=1, keepdims=True)
        i1 = jnp.min(jnp.where(masked == m1, cols, 16), axis=1, keepdims=True)
        t1 = jnp.exp(m1 - m0)
        g0 = 1.0 / (1.0 + t1)
        g1 = t1 / (1.0 + t1)
        gates = jnp.where(cols == i0, g0, jnp.where(cols == i1, g1, 0.0))
        topk_ref[...] = jnp.where(cols == 0, i0, jnp.where(cols == 1, i1, 0)
                                  ).astype(jnp.int32)

        imp = jnp.sum(gates, axis=0)
        ld = jnp.sum((gates > 0.0).astype(jnp.float32), axis=0)

        def cv2(v):
            mean = jnp.sum(v) / E
            dv = jnp.where(cols[0] < E, v - mean, 0.0)
            return jnp.sum(dv * dv) / (E - 1) / (mean * mean + 1e-10)

        loss_ref[...] = ((cv2(imp) + cv2(ld)) * 1e-2).reshape(1, 1)


def _expert_body(xp_ref, topk_ref, we_ref, eb_ref, ws_ref, sb_ref, y_ref,
                 slab_scr, a0_scr, a1_scr, as_scr):
    b = pl.program_id(0)

    i0 = topk_ref[b, 0]
    i1 = topk_ref[b, 1]

    _rbconv(xp_ref, slab_scr,
            [(a0_scr, lambda j: we_ref[i0, j]),
             (a1_scr, lambda j: we_ref[i1, j]),
             (as_scr, lambda j: ws_ref[j])])

    st = jnp.exp(a0_scr[...] + eb_ref[i0, 0, :])
    st = st + jnp.exp(a1_scr[...] + eb_ref[i1, 0, :])
    st = jnp.where(st == 0.0, EPS, st)
    y_ref[0] = jnp.log(st) + (as_scr[...] + sb_ref[0, :])


def kernel(x, router_w, router_b, expert_w, expert_b, shared_w, shared_b,
           w_gate):
    f32 = jnp.float32
    xp = jnp.pad(jnp.transpose(x, (0, 2, 3, 1)),
                 ((0, 0), (3, 3), (3, 3), (0, 0)))
    rw = jnp.transpose(router_w.reshape(C, 7, 7), (2, 1, 0))
    g_t = w_gate.reshape(NT, TH * W, E)
    rb = router_b.reshape(1, 1)
    we = jnp.transpose(expert_w.reshape(E, C, 7, 7), (0, 3, 2, 1))
    eb = expert_b.reshape(E, 1, C)
    ws = jnp.transpose(shared_w.reshape(C, 7, 7), (2, 1, 0))
    sb = shared_b.reshape(1, C)

    topk, loss = pl.pallas_call(
        _router_body,
        grid=(B, NT),
        in_specs=[
            pl.BlockSpec((pl.Element(1), pl.Element(HALO), pl.Element(W + 6),
                          pl.Element(C)),
                         lambda b, t: (b, t * TH, 0, 0)),
            pl.BlockSpec((7, 7, C), lambda b, t: (0, 0, 0)),
            pl.BlockSpec((1, TH * W, E), lambda b, t: (t, 0, 0)),
            pl.BlockSpec(memory_space=pltpu.SMEM),
        ],
        out_specs=[
            pl.BlockSpec((B, 16), lambda b, t: (0, 0)),
            pl.BlockSpec((1, 1), lambda b, t: (0, 0)),
        ],
        out_shape=[
            jax.ShapeDtypeStruct((B, 16), jnp.int32),
            jax.ShapeDtypeStruct((1, 1), f32),
        ],
        scratch_shapes=[pltpu.VMEM((B, 16), f32),
                        pltpu.VMEM((HALO, W, C), f32),
                        pltpu.VMEM((TH, W, C), f32)],
    )(xp, rw, g_t, rb)

    y4 = pl.pallas_call(
        _expert_body,
        grid=(B, NT),
        in_specs=[
            pl.BlockSpec((pl.Element(1), pl.Element(HALO), pl.Element(W + 6),
                          pl.Element(C)),
                         lambda b, t: (b, t * TH, 0, 0)),
            pl.BlockSpec(memory_space=pltpu.SMEM),
            pl.BlockSpec((E, 7, 7, C), lambda b, t: (0, 0, 0, 0)),
            pl.BlockSpec((E, 1, C), lambda b, t: (0, 0, 0)),
            pl.BlockSpec((7, 7, C), lambda b, t: (0, 0, 0)),
            pl.BlockSpec((1, C), lambda b, t: (0, 0)),
        ],
        out_specs=pl.BlockSpec((1, TH, W, C), lambda b, t: (b, t, 0, 0)),
        out_shape=jax.ShapeDtypeStruct((B, H, W, C), f32),
        scratch_shapes=[pltpu.VMEM((HALO, W, C), f32),
                        pltpu.VMEM((TH, W, C), f32),
                        pltpu.VMEM((TH, W, C), f32),
                        pltpu.VMEM((TH, W, C), f32)],
    )(xp, topk, we, eb, ws, sb)

    y = y4.reshape(B, H * W, C)
    return y, loss.reshape(())

# --- scband reference (transcript-rebuilt; emitter-appended) ---
"""Pipeline reference for scband-mo-e-66202625901112 (READ-ONLY COPY).

The authoritative reference and input builder live on the scoring server;
editing this copy changes nothing except your own understanding.
"""

import jax, jax.numpy as jnp
import numpy as np

IMG = 224
DIM = 96
E = 8
K = 2
B = 2


def _depthwise(x, w, b):
    # x [B,C,H,W], w [C,1,7,7] depthwise (groups=C), pad 3 -> same spatial size
    out = jax.lax.conv_general_dilated(
        x, w, window_strides=(1, 1), padding=((3, 3), (3, 3)),
        dimension_numbers=('NCHW', 'OIHW', 'NCHW'),
        feature_group_count=x.shape[1])
    return out + b[None, :, None, None]


def _router_conv(x, w, b):
    # x [B,C,H,W], w [1,C,7,7] -> [B,1,H,W]
    out = jax.lax.conv_general_dilated(
        x, w, window_strides=(1, 1), padding=((3, 3), (3, 3)),
        dimension_numbers=('NCHW', 'OIHW', 'NCHW'))
    return out + b[None, :, None, None]


def setup_inputs(seed: int = 0):
    key = jax.random.key(seed)
    ks = jax.random.split(key, 8)
    x = jax.random.normal(ks[0], (B, DIM, IMG, IMG), dtype=jnp.float32)
    router_w = jax.random.normal(ks[1], (1, DIM, 7, 7), dtype=jnp.float32) * 0.02
    router_b = jnp.zeros((1,), dtype=jnp.float32)
    expert_w = jax.random.normal(ks[2], (E, DIM, 1, 7, 7), dtype=jnp.float32) * 0.05
    expert_b = jax.random.normal(ks[3], (E, DIM), dtype=jnp.float32) * 0.01
    shared_w = jax.random.normal(ks[4], (DIM, 1, 7, 7), dtype=jnp.float32) * 0.05
    shared_b = jax.random.normal(ks[5], (DIM,), dtype=jnp.float32) * 0.01
    w_gate = jax.random.normal(ks[6], (IMG * IMG, E), dtype=jnp.float32) * 0.01
    return {'x': x, 'router_w': router_w, 'router_b': router_b,
            'expert_w': expert_w, 'expert_b': expert_b,
            'shared_w': shared_w, 'shared_b': shared_b, 'w_gate': w_gate}


def reference(x, router_w, router_b, expert_w, expert_b, shared_w, shared_b, w_gate):
    Bq, C, H, W = x.shape
    # router PatchEmbed (ifRouter=True): conv dim->1, flatten -> [B, H*W]
    r = _router_conv(x, router_w, router_b).reshape(Bq, H * W)
    # clean top-k gating (noisy_gating=False)
    logits = r @ w_gate  # [B, E]
    n_top = min(K + 1, E)
    top_logits, top_idx = jax.lax.top_k(logits, n_top)
    topk_l = top_logits[:, :K]
    topk_i = top_idx[:, :K]
    topk_g = jax.nn.softmax(topk_l, axis=1)
    gates = jnp.zeros_like(logits).at[jnp.arange(Bq)[:, None], topk_i].set(topk_g)
    importance = gates.sum(0)
    load = (gates > 0).sum(0).astype(jnp.float32)

    def cv_squared(v):
        return jnp.var(v, ddof=1) / (jnp.mean(v) ** 2 + 1e-10)

    loss = (cv_squared(importance) + cv_squared(load)) * 1e-2

    # SparseDispatcher.dispatch/combine (multiply_by_gates=False default):
    # combined[b] = log(sum over experts e with gates[b,e] > 0 of exp(expert_e(x[b])))
    # Dense masked evaluation is mathematically equivalent.
    maskT = (gates > 0).astype(x.dtype).T  # [E, B]

    def body(carry, inp):
        w, b, m = inp
        o = _depthwise(x, w, b).reshape(Bq, C, H * W).transpose(0, 2, 1)  # [B,HW,C]
        return carry + m[:, None, None] * jnp.exp(o), None

    stitched, _ = jax.lax.scan(body, jnp.zeros((Bq, H * W, C), x.dtype),
                               (expert_w, expert_b, maskT))
    eps = jnp.asarray(np.finfo(float).eps, x.dtype)
    combined = jnp.where(stitched == 0.0, eps, stitched)
    y = jnp.log(combined)
    # shared expert (PatchEmbed depthwise) added to combined output
    shared = _depthwise(x, shared_w, shared_b).reshape(Bq, C, H * W).transpose(0, 2, 1)
    y = y + shared
    return y, loss

if __name__ == "__main__":
    import jax
    _d = setup_inputs()
    print(jax.jit(kernel)(*tuple(_d.values())))

</pallas_src>

<mosaic_0001>
module attributes {stable_mosaic.version = 14 : i64} {
  func.func @_router_body(%arg0: i32, %arg1: i32, %arg2: memref<1x38x230x96xf32, #tpu.memory_space<vmem>>, %arg3: memref<7x7x96xf32, #tpu.memory_space<vmem>>, %arg4: memref<1x7168x8xf32, #tpu.memory_space<vmem>>, %arg5: memref<1x1xf32, #tpu.memory_space<smem>>, %arg6: memref<2x16xi32, #tpu.memory_space<vmem>>, %arg7: memref<1x1xf32, #tpu.memory_space<vmem>>, %arg8: memref<2x16xf32, #tpu.memory_space<vmem>>, %arg9: memref<38x224x96xf32, #tpu.memory_space<vmem>>, %arg10: memref<32x224x96xf32, #tpu.memory_space<vmem>>) attributes {dimension_semantics = [#tpu.dimension_semantics<arbitrary>, #tpu.dimension_semantics<arbitrary>], iteration_bounds = array<i64: 2, 7>, scalar_prefetch = 0 : i64, scratch_operands = 3 : i64, tpu.core_type = #tpu.core_type<tc>, window_params = [{transform_indices = @transform_0, window_bounds = array<i64: 1, 38, 230, 96>, window_kind = #tpu.element_window<[0, 0, 0, 0], [0, 0, 0, 0]>}, {pipeline_mode = #tpu.pipeline_mode<synchronous>, transform_indices = @transform_1, window_bounds = array<i64: 7, 7, 96>}, {transform_indices = @transform_2, window_bounds = array<i64: 1, 7168, 8>}, {transform_indices = @transform_3, window_bounds = array<i64: 1, 1>}, {pipeline_mode = #tpu.pipeline_mode<synchronous>, transform_indices = @transform_4, window_bounds = array<i64: 2, 16>}, {pipeline_mode = #tpu.pipeline_mode<synchronous>, transform_indices = @transform_5, window_bounds = array<i64: 1, 1>}]} {
    %broadcast_in_dim3A = arith.constant 0.000000e+00 : f32
    %broadcast_in_dim3A_0 = vector.broadcast %broadcast_in_dim3A : f32 to vector<32x224x96xf32>
    %swap3A = arith.constant 0 : index
    %swap3A_1 = arith.constant 0 : index
    %swap3A_2 = arith.constant 0 : index
    %swap3A_3 = vector.load %arg10[%swap3A, %swap3A_1, %swap3A_2] : memref<32x224x96xf32, #tpu.memory_space<vmem>>, vector<32x224x96xf32>
    tpu.vector_store %arg10[%swap3A, %swap3A_1, %swap3A_2], %broadcast_in_dim3A_0 {strides = array<i32>} : memref<32x224x96xf32, #tpu.memory_space<vmem>>, vector<32x224x96xf32>,
    %scan3A = arith.constant 0 : i32
    %scan3A_4 = arith.constant 7 : i32
    %scan3A_5 = arith.addi %scan3A, %scan3A_4 : i32
    %scan3A_6 = arith.constant 1 : i32
    scf.for %scan3A_52 = %scan3A to %scan3A_5 step %scan3A_6  : i32 {
      %get3A_53 = arith.constant 0 : index
      %get3A_54 = arith.constant 0 : index
      %get3A_55 = arith.index_cast %scan3A_52 : i32 to index
      %get3A_56 = arith.constant 0 : index
      %get3A_57 = vector.load %arg2[%get3A_53, %get3A_54, %get3A_55, %get3A_56] : memref<1x38x230x96xf32, #tpu.memory_space<vmem>>, vector<1x38x224x96xf32>
      %get3A_58 = vector.shape_cast %get3A_57 : vector<1x38x224x96xf32> to vector<38x224x96xf32>
      %swap3A_59 = arith.constant 0 : index
      %swap3A_60 = arith.constant 0 : index
      %swap3A_61 = arith.constant 0 : index
      %swap3A_62 = vector.load %arg9[%swap3A_59, %swap3A_60, %swap3A_61] : memref<38x224x96xf32, #tpu.memory_space<vmem>>, vector<38x224x96xf32>
      tpu.vector_store %arg9[%swap3A_59, %swap3A_60, %swap3A_61], %get3A_58 {strides = array<i32>} : memref<38x224x96xf32, #tpu.memory_space<vmem>>, vector<38x224x96xf32>,
      %get3A_63 = arith.index_cast %scan3A_52 : i32 to index
      %get3A_64 = arith.constant 0 : index
      %get3A_65 = arith.constant 0 : index
      %get3A_66 = vector.load %arg3[%get3A_63, %get3A_64, %get3A_65] : memref<7x7x96xf32, #tpu.memory_space<vmem>>, vector<1x7x96xf32>
      %get3A_67 = vector.shape_cast %get3A_66 : vector<1x7x96xf32> to vector<7x96xf32>
      %scan3A_68 = arith.constant 0 : i32
      %scan3A_69 = arith.constant 28 : i32
      %scan3A_70 = arith.addi %scan3A_68, %scan3A_69 : i32
      %scan3A_71 = arith.constant 2 : i32
      scf.for %scan3A_73 = %scan3A_68 to %scan3A_70 step %scan3A_71  : i32 {
        %mul3A_74 = arith.constant 8 : i32
        %mul3A_75 = arith.muli %scan3A_73, %mul3A_74 : i32
        %multiple_of3A = tpu.assume_multiple %mul3A_75, 8 : i32
        %scan3A_76 = arith.constant 0 : i32
        %mul3A_77 = arith.constant 8 : i32
        %mul3A_78 = arith.muli %scan3A_76, %mul3A_77 : i32
        %multiple_of3A_79 = tpu.assume_multiple %mul3A_78, 8 : i32
        %get3A_80 = arith.index_cast %multiple_of3A_79 : i32 to index
        %get3A_81 = arith.index_cast %multiple_of3A : i32 to index
        %get3A_82 = arith.constant 0 : index
        %get3A_83 = vector.load %arg9[%get3A_80, %get3A_81, %get3A_82] : memref<38x224x96xf32, #tpu.memory_space<vmem>>, vector<14x8x96xf32>
        %get3A_84 = arith.index_cast %multiple_of3A_79 : i32 to index
        %get3A_85 = arith.index_cast %multiple_of3A : i32 to index
        %get3A_86 = arith.constant 0 : index
        %get3A_87 = vector.load %arg10[%get3A_84, %get3A_85, %get3A_86] : memref<32x224x96xf32, #tpu.memory_space<vmem>>, vector<8x8x96xf32>
        %slice3A = vector.extract_strided_slice %get3A_83 {offsets = [0, 0, 0], sizes = [8, 8, 96], strides = [1, 1, 1]} : vector<14x8x96xf32> to vector<8x8x96xf32>
        %slice3A_88 = vector.extract_strided_slice %get3A_67 {offsets = [0, 0], sizes = [1, 96], strides = [1, 1]} : vector<7x96xf32> to vector<1x96xf32>
        %squeeze3A = vector.shape_cast %slice3A_88 : vector<1x96xf32> to vector<96xf32>
        %broadcast_in_dim3A_89 = vector.shape_cast %squeeze3A : vector<96xf32> to vector<1x1x96xf32>
        %mul3A_90 = vector.broadcast %broadcast_in_dim3A_89 : vector<1x1x96xf32> to vector<8x8x96xf32>
        %mul3A_91 = arith.mulf %slice3A, %mul3A_90 : vector<8x8x96xf32>
        %add3A_92 = arith.addf %get3A_87, %mul3A_91 : vector<8x8x96xf32>
        %slice3A_93 = vector.extract_strided_slice %get3A_83 {offsets = [1, 0, 0], sizes = [8, 8, 96], strides = [1, 1, 1]} : vector<14x8x96xf32> to vector<8x8x96xf32>
        %slice3A_94 = vector.extract_strided_slice %get3A_67 {offsets = [1, 0], sizes = [1, 96], strides = [1, 1]} : vector<7x96xf32> to vector<1x96xf32>
        %squeeze3A_95 = vector.shape_cast %slice3A_94 : vector<1x96xf32> to vector<96xf32>
        %broadcast_in_dim3A_96 = vector.shape_cast %squeeze3A_95 : vector<96xf32> to vector<1x1x96xf32>
        %mul3A_97 = vector.broadcast %broadcast_in_dim3A_96 : vector<1x1x96xf32> to vector<8x8x96xf32>
        %mul3A_98 = arith.mulf %slice3A_93, %mul3A_97 : vector<8x8x96xf32>
        %add3A_99 = arith.addf %add3A_92, %mul3A_98 : vector<8x8x96xf32>
        %slice3A_100 = vector.extract_strided_slice %get3A_83 {offsets = [2, 0, 0], sizes = [8, 8, 96], strides = [1, 1, 1]} : vector<14x8x96xf32> to vector<8x8x96xf32>
        %slice3A_101 = vector.extract_strided_slice %get3A_67 {offsets = [2, 0], sizes = [1, 96], strides = [1, 1]} : vector<7x96xf32> to vector<1x96xf32>
        %squeeze3A_102 = vector.shape_cast %slice3A_101 : vector<1x96xf32> to vector<96xf32>
        %broadcast_in_dim3A_103 = vector.shape_cast %squeeze3A_102 : vector<96xf32> to vector<1x1x96xf32>
        %mul3A_104 = vector.broadcast %broadcast_in_dim3A_103 : vector<1x1x96xf32> to vector<8x8x96xf32>
        %mul3A_105 = arith.mulf %slice3A_100, %mul3A_104 : vector<8x8x96xf32>
        %add3A_106 = arith.addf %add3A_99, %mul3A_105 : vector<8x8x96xf32>
        %slice3A_107 = vector.extract_strided_slice %get3A_83 {offsets = [3, 0, 0], sizes = [8, 8, 96], strides = [1, 1, 1]} : vector<14x8x96xf32> to vector<8x8x96xf32>
        %slice3A_108 = vector.extract_strided_slice %get3A_67 {offsets = [3, 0], sizes = [1, 96], strides = [1, 1]} : vector<7x96xf32> to vector<1x96xf32>
        %squeeze3A_109 = vector.shape_cast %slice3A_108 : vector<1x96xf32> to vector<96xf32>
        %broadcast_in_dim3A_110 = vector.shape_cast %squeeze3A_109 : vector<96xf32> to vector<1x1x96xf32>
        %mul3A_111 = vector.broadcast %broadcast_in_dim3A_110 : vector<1x1x96xf32> to vector<8x8x96xf32>
        %mul3A_112 = arith.mulf %slice3A_107, %mul3A_111 : vector<8x8x96xf32>
        %add3A_113 = arith.addf %add3A_106, %mul3A_112 : vector<8x8x96xf32>
        %slice3A_114 = vector.extract_strided_slice %get3A_83 {offsets = [4, 0, 0], sizes = [8, 8, 96], strides = [1, 1, 1]} : vector<14x8x96xf32> to vector<8x8x96xf32>
        %slice3A_115 = vector.extract_strided_slice %get3A_67 {offsets = [4, 0], sizes = [1, 96], strides = [1, 1]} : vector<7x96xf32> to vector<1x96xf32>
        %squeeze3A_116 = vector.shape_cast %slice3A_115 : vector<1x96xf32> to vector<96xf32>
        %broadcast_in_dim3A_117 = vector.shape_cast %squeeze3A_116 : vector<96xf32> to vector<1x1x96xf32>
        %mul3A_118 = vector.broadcast %broadcast_in_dim3A_117 : vector<1x1x96xf32> to vector<8x8x96xf32>
        %mul3A_119 = arith.mulf %slice3A_114, %mul3A_118 : vector<8x8x96xf32>
        %add3A_120 = arith.addf %add3A_113, %mul3A_119 : vector<8x8x96xf32>
        %slice3A_121 = vector.extract_strided_slice %get3A_83 {offsets = [5, 0, 0], sizes = [8, 8, 96], strides = [1, 1, 1]} : vector<14x8x96xf32> to vector<8x8x96xf32>
        %slice3A_122 = vector.extract_strided_slice %get3A_67 {offsets = [5, 0], sizes = [1, 96], strides = [1, 1]} : vector<7x96xf32> to vector<1x96xf32>
        %squeeze3A_123 = vector.shape_cast %slice3A_122 : vector<1x96xf32> to vector<96xf32>
        %broadcast_in_dim3A_124 = vector.shape_cast %squeeze3A_123 : vector<96xf32> to vector<1x1x96xf32>
        %mul3A_125 = vector.broadcast %broadcast_in_dim3A_124 : vector<1x1x96xf32> to vector<8x8x96xf32>
        %mul3A_126 = arith.mulf %slice3A_121, %mul3A_125 : vector<8x8x96xf32>
        %add3A_127 = arith.addf %add3A_120, %mul3A_126 : vector<8x8x96xf32>
        %slice3A_128 = vector.extract_strided_slice %get3A_83 {offsets = [6, 0, 0], sizes = [8, 8, 96], strides = [1, 1, 1]} : vector<14x8x96xf32> to vector<8x8x96xf32>
        %slice3A_129 = vector.extract_strided_slice %get3A_67 {offsets = [6, 0], sizes = [1, 96], strides = [1, 1]} : vector<7x96xf32> to vector<1x96xf32>
        %squeeze3A_130 = vector.shape_cast %slice3A_129 : vector<1x96xf32> to vector<96xf32>
        %broadcast_in_dim3A_131 = vector.shape_cast %squeeze3A_130 : vector<96xf32> to vector<1x1x96xf32>
        %mul3A_132 = vector.broadcast %broadcast_in_dim3A_131 : vector<1x1x96xf32> to vector<8x8x96xf32>
        %mul3A_133 = arith.mulf %slice3A_128, %mul3A_132 : vector<8x8x96xf32>
        %add3A_134 = arith.addf %add3A_127, %mul3A_133 : vector<8x8x96xf32>
        %swap3A_135 = arith.index_cast %multiple_of3A_79 : i32 to index
        %swap3A_136 = arith.index_cast %multiple_of3A : i32 to index
        %swap3A_137 = arith.constant 0 : index
        %swap3A_138 = vector.load %arg10[%swap3A_135, %swap3A_136, %swap3A_137] : memref<32x224x96xf32, #tpu.memory_space<vmem>>, vector<8x8x96xf32>
        tpu.vector_store %arg10[%swap3A_135, %swap3A_136, %swap3A_137], %add3A_134 {strides = array<i32>} : memref<32x224x96xf32, #tpu.memory_space<vmem>>, vector<8x8x96xf32>,
        %scan3A_139 = arith.constant 1 : i32
        %mul3A_140 = arith.constant 8 : i32
        %mul3A_141 = arith.muli %scan3A_139, %mul3A_140 : i32
        %multiple_of3A_142 = tpu.assume_multiple %mul3A_141, 8 : i32
        %get3A_143 = arith.index_cast %multiple_of3A_142 : i32 to index
        %get3A_144 = arith.index_cast %multiple_of3A : i32 to index
        %get3A_145 = arith.constant 0 : index
        %get3A_146 = vector.load %arg9[%get3A_143, %get3A_144, %get3A_145] : memref<38x224x96xf32, #tpu.memory_space<vmem>>, vector<14x8x96xf32>
        %get3A_147 = arith.index_cast %multiple_of3A_142 : i32 to index
        %get3A_148 = arith.index_cast %multiple_of3A : i32 to index
        %get3A_149 = arith.constant 0 : index
        %get3A_150 = vector.load %arg10[%get3A_147, %get3A_148, %get3A_149] : memref<32x224x96xf32, #tpu.memory_space<vmem>>, vector<8x8x96xf32>
        %slice3A_151 = vector.extract_strided_slice %get3A_146 {offsets = [0, 0, 0], sizes = [8, 8, 96], strides = [1, 1, 1]} : vector<14x8x96xf32> to vector<8x8x96xf32>
        %slice3A_152 = vector.extract_strided_slice %get3A_67 {offsets = [0, 0], sizes = [1, 96], strides = [1, 1]} : vector<7x96xf32> to vector<1x96xf32>
        %squeeze3A_153 = vector.shape_cast %slice3A_152 : vector<1x96xf32> to vector<96xf32>
        %broadcast_in_dim3A_154 = vector.shape_cast %squeeze3A_153 : vector<96xf32> to vector<1x1x96xf32>
        %mul3A_155 = vector.broadcast %broadcast_in_dim3A_154 : vector<1x1x96xf32> to vector<8x8x96xf32>
        %mul3A_156 = arith.mulf %slice3A_151, %mul3A_155 : vector<8x8x96xf32>
        %add3A_157 = arith.addf %get3A_150, %mul3A_156 : vector<8x8x96xf32>
        %slice3A_158 = vector.extract_strided_slice %get3A_146 {offsets = [1, 0, 0], sizes = [8, 8, 96], strides = [1, 1, 1]} : vector<14x8x96xf32> to vector<8x8x96xf32>
        %slice3A_159 = vector.extract_strided_slice %get3A_67 {offsets = [1, 0], sizes = [1, 96], strides = [1, 1]} : vector<7x96xf32> to vector<1x96xf32>
        %squeeze3A_160 = vector.shape_cast %slice3A_159 : vector<1x96xf32> to vector<96xf32>
        %broadcast_in_dim3A_161 = vector.shape_cast %squeeze3A_160 : vector<96xf32> to vector<1x1x96xf32>
        %mul3A_162 = vector.broadcast %broadcast_in_dim3A_161 : vector<1x1x96xf32> to vector<8x8x96xf32>
        %mul3A_163 = arith.mulf %slice3A_158, %mul3A_162 : vector<8x8x96xf32>
        %add3A_164 = arith.addf %add3A_157, %mul3A_163 : vector<8x8x96xf32>
        %slice3A_165 = vector.extract_strided_slice %get3A_146 {offsets = [2, 0, 0], sizes = [8, 8, 96], strides = [1, 1, 1]} : vector<14x8x96xf32> to vector<8x8x96xf32>
        %slice3A_166 = vector.extract_strided_slice %get3A_67 {offsets = [2, 0], sizes = [1, 96], strides = [1, 1]} : vector<7x96xf32> to vector<1x96xf32>
        %squeeze3A_167 = vector.shape_cast %slice3A_166 : vector<1x96xf32> to vector<96xf32>
        %broadcast_in_dim3A_168 = vector.shape_cast %squeeze3A_167 : vector<96xf32> to vector<1x1x96xf32>
        %mul3A_169 = vector.broadcast %broadcast_in_dim3A_168 : vector<1x1x96xf32> to vector<8x8x96xf32>
        %mul3A_170 = arith.mulf %slice3A_165, %mul3A_169 : vector<8x8x96xf32>
        %add3A_171 = arith.addf %add3A_164, %mul3A_170 : vector<8x8x96xf32>
        %slice3A_172 = vector.extract_strided_slice %get3A_146 {offsets = [3, 0, 0], sizes = [8, 8, 96], strides = [1, 1, 1]} : vector<14x8x96xf32> to vector<8x8x96xf32>
        %slice3A_173 = vector.extract_strided_slice %get3A_67 {offsets = [3, 0], sizes = [1, 96], strides = [1, 1]} : vector<7x96xf32> to vector<1x96xf32>
        %squeeze3A_174 = vector.shape_cast %slice3A_173 : vector<1x96xf32> to vector<96xf32>
        %broadcast_in_dim3A_175 = vector.shape_cast %squeeze3A_174 : vector<96xf32> to vector<1x1x96xf32>
        %mul3A_176 = vector.broadcast %broadcast_in_dim3A_175 : vector<1x1x96xf32> to vector<8x8x96xf32>
        %mul3A_177 = arith.mulf %slice3A_172, %mul3A_176 : vector<8x8x96xf32>
        %add3A_178 = arith.addf %add3A_171, %mul3A_177 : vector<8x8x96xf32>
        %slice3A_179 = vector.extract_strided_slice %get3A_146 {offsets = [4, 0, 0], sizes = [8, 8, 96], strides = [1, 1, 1]} : vector<14x8x96xf32> to vector<8x8x96xf32>
        %slice3A_180 = vector.extract_strided_slice %get3A_67 {offsets = [4, 0], sizes = [1, 96], strides = [1, 1]} : vector<7x96xf32> to vector<1x96xf32>
        %squeeze3A_181 = vector.shape_cast %slice3A_180 : vector<1x96xf32> to vector<96xf32>
        %broadcast_in_dim3A_182 = vector.shape_cast %squeeze3A_181 : vector<96xf32> to vector<1x1x96xf32>
        %mul3A_183 = vector.broadcast %broadcast_in_dim3A_182 : vector<1x1x96xf32> to vector<8x8x96xf32>
        %mul3A_184 = arith.mulf %slice3A_179, %mul3A_183 : vector<8x8x96xf32>
        %add3A_185 = arith.addf %add3A_178, %mul3A_184 : vector<8x8x96xf32>
        %slice3A_186 = vector.extract_strided_slice %get3A_146 {offsets = [5, 0, 0], sizes = [8, 8, 96], strides = [1, 1, 1]} : vector<14x8x96xf32> to vector<8x8x96xf32>
        %slice3A_187 = vector.extract_strided_slice %get3A_67 {offsets = [5, 0], sizes = [1, 96], strides = [1, 1]} : vector<7x96xf32> to vector<1x96xf32>
        %squeeze3A_188 = vector.shape_cast %slice3A_187 : vector<1x96xf32> to vector<96xf32>
        %broadcast_in_dim3A_189 = vector.shape_cast %squeeze3A_188 : vector<96xf32> to vector<1x1x96xf32>
        %mul3A_190 = vector.broadcast %broadcast_in_dim3A_189 : vector<1x1x96xf32> to vector<8x8x96xf32>
        %mul3A_191 = arith.mulf %slice3A_186, %mul3A_190 : vector<8x8x96xf32>
        %add3A_192 = arith.addf %add3A_185, %mul3A_191 : vector<8x8x96xf32>
        %slice3A_193 = vector.extract_strided_slice %get3A_146 {offsets = [6, 0, 0], sizes = [8, 8, 96], strides = [1, 1, 1]} : vector<14x8x96xf32> to vector<8x8x96xf32>
        %slice3A_194 = vector.extract_strided_slice %get3A_67 {offsets = [6, 0], sizes = [1, 96], strides = [1, 1]} : vector<7x96xf32> to vector<1x96xf32>
        %squeeze3A_195 = vector.shape_cast %slice3A_194 : vector<1x96xf32> to vector<96xf32>
        %broadcast_in_dim3A_196 = vector.shape_cast %squeeze3A_195 : vector<96xf32> to vector<1x1x96xf32>
        %mul3A_197 = vector.broadcast %broadcast_in_dim3A_196 : vector<1x1x96xf32> to vector<8x8x96xf32>
        %mul3A_198 = arith.mulf %slice3A_193, %mul3A_197 : vector<8x8x96xf32>
        %add3A_199 = arith.addf %add3A_192, %mul3A_198 : vector<8x8x96xf32>
        %swap3A_200 = arith.index_cast %multiple_of3A_142 : i32 to index
        %swap3A_201 = arith.index_cast %multiple_of3A : i32 to index
        %swap3A_202 = arith.constant 0 : index
        %swap3A_203 = vector.load %arg10[%swap3A_200, %swap3A_201, %swap3A_202] : memref<32x224x96xf32, #tpu.memory_space<vmem>>, vector<8x8x96xf32>
        tpu.vector_store %arg10[%swap3A_200, %swap3A_201, %swap3A_202], %add3A_199 {strides = array<i32>} : memref<32x224x96xf32, #tpu.memory_space<vmem>>, vector<8x8x96xf32>,
        %scan3A_204 = arith.constant 2 : i32
        %mul3A_205 = arith.constant 8 : i32
        %mul3A_206 = arith.muli %scan3A_204, %mul3A_205 : i32
        %multiple_of3A_207 = tpu.assume_multiple %mul3A_206, 8 : i32
        %get3A_208 = arith.index_cast %multiple_of3A_207 : i32 to index
        %get3A_209 = arith.index_cast %multiple_of3A : i32 to index
        %get3A_210 = arith.constant 0 : index
        %get3A_211 = vector.load %arg9[%get3A_208, %get3A_209, %get3A_210] : memref<38x224x96xf32, #tpu.memory_space<vmem>>, vector<14x8x96xf32>
        %get3A_212 = arith.index_cast %multiple_of3A_207 : i32 to index
        %get3A_213 = arith.index_cast %multiple_of3A : i32 to index
        %get3A_214 = arith.constant 0 : index
        %get3A_215 = vector.load %arg10[%get3A_212, %get3A_213, %get3A_214] : memref<32x224x96xf32, #tpu.memory_space<vmem>>, vector<8x8x96xf32>
        %slice3A_216 = vector.extract_strided_slice %get3A_211 {offsets = [0, 0, 0], sizes = [8, 8, 96], strides = [1, 1, 1]} : vector<14x8x96xf32> to vector<8x8x96xf32>
        %slice3A_217 = vector.extract_strided_slice %get3A_67 {offsets = [0, 0], sizes = [1, 96], strides = [1, 1]} : vector<7x96xf32> to vector<1x96xf32>
        %squeeze3A_218 = vector.shape_cast %slice3A_217 : vector<1x96xf32> to vector<96xf32>
        %broadcast_in_dim3A_219 = vector.shape_cast %squeeze3A_218 : vector<96xf32> to vector<1x1x96xf32>
        %mul3A_220 = vector.broadcast %broadcast_in_dim3A_219 : vector<1x1x96xf32> to vector<8x8x96xf32>
        %mul3A_221 = arith.mulf %slice3A_216, %mul3A_220 : vector<8x8x96xf32>
        %add3A_222 = arith.addf %get3A_215, %mul3A_221 : vector<8x8x96xf32>
        %slice3A_223 = vector.extract_strided_slice %get3A_211 {offsets = [1, 0, 0], sizes = [8, 8, 96], strides = [1, 1, 1]} : vector<14x8x96xf32> to vector<8x8x96xf32>
        %slice3A_224 = vector.extract_strided_slice %get3A_67 {offsets = [1, 0], sizes = [1, 96], strides = [1, 1]} : vector<7x96xf32> to vector<1x96xf32>
        %squeeze3A_225 = vector.shape_cast %slice3A_224 : vector<1x96xf32> to vector<96xf32>
        %broadcast_in_dim3A_226 = vector.shape_cast %squeeze3A_225 : vector<96xf32> to vector<1x1x96xf32>
        %mul3A_227 = vector.broadcast %broadcast_in_dim3A_226 : vector<1x1x96xf32> to vector<8x8x96xf32>
        %mul3A_228 = arith.mulf %slice3A_223, %mul3A_227 : vector<8x8x96xf32>
        %add3A_229 = arith.addf %add3A_222, %mul3A_228 : vector<8x8x96xf32>
        %slice3A_230 = vector.extract_strided_slice %get3A_211 {offsets = [2, 0, 0], sizes = [8, 8, 96], strides = [1, 1, 1]} : vector<14x8x96xf32> to vector<8x8x96xf32>
        %slice3A_231 = vector.extract_strided_slice %get3A_67 {offsets = [2, 0], sizes = [1, 96], strides = [1, 1]} : vector<7x96xf32> to vector<1x96xf32>
        %squeeze3A_232 = vector.shape_cast %slice3A_231 : vector<1x96xf32> to vector<96xf32>
        %broadcast_in_dim3A_233 = vector.shape_cast %squeeze3A_232 : vector<96xf32> to vector<1x1x96xf32>
        %mul3A_234 = vector.broadcast %broadcast_in_dim3A_233 : vector<1x1x96xf32> to vector<8x8x96xf32>
        %mul3A_235 = arith.mulf %slice3A_230, %mul3A_234 : vector<8x8x96xf32>
        %add3A_236 = arith.addf %add3A_229, %mul3A_235 : vector<8x8x96xf32>
        %slice3A_237 = vector.extract_strided_slice %get3A_211 {offsets = [3, 0, 0], sizes = [8, 8, 96], strides = [1, 1, 1]} : vector<14x8x96xf32> to vector<8x8x96xf32>
        %slice3A_238 = vector.extract_strided_slice %get3A_67 {offsets = [3, 0], sizes = [1, 96], strides = [1, 1]} : vector<7x96xf32> to vector<1x96xf32>
        %squeeze3A_239 = vector.shape_cast %slice3A_238 : vector<1x96xf32> to vector<96xf32>
        %broadcast_in_dim3A_240 = vector.shape_cast %squeeze3A_239 : vector<96xf32> to vector<1x1x96xf32>
        %mul3A_241 = vector.broadcast %broadcast_in_dim3A_240 : vector<1x1x96xf32> to vector<8x8x96xf32>
        %mul3A_242 = arith.mulf %slice3A_237, %mul3A_241 : vector<8x8x96xf32>
        %add3A_243 = arith.addf %add3A_236, %mul3A_242 : vector<8x8x96xf32>
        %slice3A_244 = vector.extract_strided_slice %get3A_211 {offsets = [4, 0, 0], sizes = [8, 8, 96], strides = [1, 1, 1]} : vector<14x8x96xf32> to vector<8x8x96xf32>
        %slice3A_245 = vector.extract_strided_slice %get3A_67 {offsets = [4, 0], sizes = [1, 96], strides = [1, 1]} : vector<7x96xf32> to vector<1x96xf32>
        %squeeze3A_246 = vector.shape_cast %slice3A_245 : vector<1x96xf32> to vector<96xf32>
        %broadcast_in_dim3A_247 = vector.shape_cast %squeeze3A_246 : vector<96xf32> to vector<1x1x96xf32>
        %mul3A_248 = vector.broadcast %broadcast_in_dim3A_247 : vector<1x1x96xf32> to vector<8x8x96xf32>
        %mul3A_249 = arith.mulf %slice3A_244, %mul3A_248 : vector<8x8x96xf32>
        %add3A_250 = arith.addf %add3A_243, %mul3A_249 : vector<8x8x96xf32>
        %slice3A_251 = vector.extract_strided_slice %get3A_211 {offsets = [5, 0, 0], sizes = [8, 8, 96], strides = [1, 1, 1]} : vector<14x8x96xf32> to vector<8x8x96xf32>
        %slice3A_252 = vector.extract_strided_slice %get3A_67 {offsets = [5, 0], sizes = [1, 96], strides = [1, 1]} : vector<7x96xf32> to vector<1x96xf32>
        %squeeze3A_253 = vector.shape_cast %slice3A_252 : vector<1x96xf32> to vector<96xf32>
        %broadcast_in_dim3A_254 = vector.shape_cast %squeeze3A_253 : vector<96xf32> to vector<1x1x96xf32>
        %mul3A_255 = vector.broadcast %broadcast_in_dim3A_254 : vector<1x1x96xf32> to vector<8x8x96xf32>
        %mul3A_256 = arith.mulf %slice3A_251, %mul3A_255 : vector<8x8x96xf32>
        %add3A_257 = arith.addf %add3A_250, %mul3A_256 : vector<8x8x96xf32>
        %slice3A_258 = vector.extract_strided_slice %get3A_211 {offsets = [6, 0, 0], sizes = [8, 8, 96], strides = [1, 1, 1]} : vector<14x8x96xf32> to vector<8x8x96xf32>
        %slice3A_259 = vector.extract_strided_slice %get3A_67 {offsets = [6, 0], sizes = [1, 96], strides = [1, 1]} : vector<7x96xf32> to vector<1x96xf32>
        %squeeze3A_260 = vector.shape_cast %slice3A_259 : vector<1x96xf32> to vector<96xf32>
        %broadcast_in_dim3A_261 = vector.shape_cast %squeeze3A_260 : vector<96xf32> to vector<1x1x96xf32>
        %mul3A_262 = vector.broadcast %broadcast_in_dim3A_261 : vector<1x1x96xf32> to vector<8x8x96xf32>
        %mul3A_263 = arith.mulf %slice3A_258, %mul3A_262 : vector<8x8x96xf32>
        %add3A_264 = arith.addf %add3A_257, %mul3A_263 : vector<8x8x96xf32>
        %swap3A_265 = arith.index_cast %multiple_of3A_207 : i32 to index
        %swap3A_266 = arith.index_cast %multiple_of3A : i32 to index
        %swap3A_267 = arith.constant 0 : index
        %swap3A_268 = vector.load %arg10[%swap3A_265, %swap3A_266, %swap3A_267] : memref<32x224x96xf32, #tpu.memory_space<vmem>>, vector<8x8x96xf32>
        tpu.vector_store %arg10[%swap3A_265, %swap3A_266, %swap3A_267], %add3A_264 {strides = array<i32>} : memref<32x224x96xf32, #tpu.memory_space<vmem>>, vector<8x8x96xf32>,
        %scan3A_269 = arith.constant 3 : i32
        %mul3A_270 = arith.constant 8 : i32
        %mul3A_271 = arith.muli %scan3A_269, %mul3A_270 : i32
        %multiple_of3A_272 = tpu.assume_multiple %mul3A_271, 8 : i32
        %get3A_273 = arith.index_cast %multiple_of3A_272 : i32 to index
        %get3A_274 = arith.index_cast %multiple_of3A : i32 to index
        %get3A_275 = arith.constant 0 : index
        %get3A_276 = vector.load %arg9[%get3A_273, %get3A_274, %get3A_275] : memref<38x224x96xf32, #tpu.memory_space<vmem>>, vector<14x8x96xf32>
        %get3A_277 = arith.index_cast %multiple_of3A_272 : i32 to index
        %get3A_278 = arith.index_cast %multiple_of3A : i32 to index
        %get3A_279 = arith.constant 0 : index
        %get3A_280 = vector.load %arg10[%get3A_277, %get3A_278, %get3A_279] : memref<32x224x96xf32, #tpu.memory_space<vmem>>, vector<8x8x96xf32>
        %slice3A_281 = vector.extract_strided_slice %get3A_276 {offsets = [0, 0, 0], sizes = [8, 8, 96], strides = [1, 1, 1]} : vector<14x8x96xf32> to vector<8x8x96xf32>
        %slice3A_282 = vector.extract_strided_slice %get3A_67 {offsets = [0, 0], sizes = [1, 96], strides = [1, 1]} : vector<7x96xf32> to vector<1x96xf32>
        %squeeze3A_283 = vector.shape_cast %slice3A_282 : vector<1x96xf32> to vector<96xf32>
        %broadcast_in_dim3A_284 = vector.shape_cast %squeeze3A_283 : vector<96xf32> to vector<1x1x96xf32>
        %mul3A_285 = vector.broadcast %broadcast_in_dim3A_284 : vector<1x1x96xf32> to vector<8x8x96xf32>
        %mul3A_286 = arith.mulf %slice3A_281, %mul3A_285 : vector<8x8x96xf32>
        %add3A_287 = arith.addf %get3A_280, %mul3A_286 : vector<8x8x96xf32>
        %slice3A_288 = vector.extract_strided_slice %get3A_276 {offsets = [1, 0, 0], sizes = [8, 8, 96], strides = [1, 1, 1]} : vector<14x8x96xf32> to vector<8x8x96xf32>
        %slice3A_289 = vector.extract_strided_slice %get3A_67 {offsets = [1, 0], sizes = [1, 96], strides = [1, 1]} : vector<7x96xf32> to vector<1x96xf32>
        %squeeze3A_290 = vector.shape_cast %slice3A_289 : vector<1x96xf32> to vector<96xf32>
        %broadcast_in_dim3A_291 = vector.shape_cast %squeeze3A_290 : vector<96xf32> to vector<1x1x96xf32>
        %mul3A_292 = vector.broadcast %broadcast_in_dim3A_291 : vector<1x1x96xf32> to vector<8x8x96xf32>
        %mul3A_293 = arith.mulf %slice3A_288, %mul3A_292 : vector<8x8x96xf32>
        %add3A_294 = arith.addf %add3A_287, %mul3A_293 : vector<8x8x96xf32>
        %slice3A_295 = vector.extract_strided_slice %get3A_276 {offsets = [2, 0, 0], sizes = [8, 8, 96], strides = [1, 1, 1]} : vector<14x8x96xf32> to vector<8x8x96xf32>
        %slice3A_296 = vector.extract_strided_slice %get3A_67 {offsets = [2, 0], sizes = [1, 96], strides = [1, 1]} : vector<7x96xf32> to vector<1x96xf32>
        %squeeze3A_297 = vector.shape_cast %slice3A_296 : vector<1x96xf32> to vector<96xf32>
        %broadcast_in_dim3A_298 = vector.shape_cast %squeeze3A_297 : vector<96xf32> to vector<1x1x96xf32>
        %mul3A_299 = vector.broadcast %broadcast_in_dim3A_298 : vector<1x1x96xf32> to vector<8x8x96xf32>
        %mul3A_300 = arith.mulf %slice3A_295, %mul3A_299 : vector<8x8x96xf32>
        %add3A_301 = arith.addf %add3A_294, %mul3A_300 : vector<8x8x96xf32>
        %slice3A_302 = vector.extract_strided_slice %get3A_276 {offsets = [3, 0, 0], sizes = [8, 8, 96], strides = [1, 1, 1]} : vector<14x8x96xf32> to vector<8x8x96xf32>
        %slice3A_303 = vector.extract_strided_slice %get3A_67 {offsets = [3, 0], sizes = [1, 96], strides = [1, 1]} : vector<7x96xf32> to vector<1x96xf32>
        %squeeze3A_304 = vector.shape_cast %slice3A_303 : vector<1x96xf32> to vector<96xf32>
        %broadcast_in_dim3A_305 = vector.shape_cast %squeeze3A_304 : vector<96xf32> to vector<1x1x96xf32>
        %mul3A_306 = vector.broadcast %broadcast_in_dim3A_305 : vector<1x1x96xf32> to vector<8x8x96xf32>
        %mul3A_307 = arith.mulf %slice3A_302, %mul3A_306 : vector<8x8x96xf32>
        %add3A_308 = arith.addf %add3A_301, %mul3A_307 : vector<8x8x96xf32>
        %slice3A_309 = vector.extract_strided_slice %get3A_276 {offsets = [4, 0, 0], sizes = [8, 8, 96], strides = [1, 1, 1]} : vector<14x8x96xf32> to vector<8x8x96xf32>
        %slice3A_310 = vector.extract_strided_slice %get3A_67 {offsets = [4, 0], sizes = [1, 96], strides = [1, 1]} : vector<7x96xf32> to vector<1x96xf32>
        %squeeze3A_311 = vector.shape_cast %slice3A_310 : vector<1x96xf32> to vector<96xf32>
        %broadcast_in_dim3A_312 = vector.shape_cast %squeeze3A_311 : vector<96xf32> to vector<1x1x96xf32>
        %mul3A_313 = vector.broadcast %broadcast_in_dim3A_312 : vector<1x1x96xf32> to vector<8x8x96xf32>
        %mul3A_314 = arith.mulf %slice3A_309, %mul3A_313 : vector<8x8x96xf32>
        %add3A_315 = arith.addf %add3A_308, %mul3A_314 : vector<8x8x96xf32>
        %slice3A_316 = vector.extract_strided_slice %get3A_276 {offsets = [5, 0, 0], sizes = [8, 8, 96], strides = [1, 1, 1]} : vector<14x8x96xf32> to vector<8x8x96xf32>
        %slice3A_317 = vector.extract_strided_slice %get3A_67 {offsets = [5, 0], sizes = [1, 96], strides = [1, 1]} : vector<7x96xf32> to vector<1x96xf32>
        %squeeze3A_318 = vector.shape_cast %slice3A_317 : vector<1x96xf32> to vector<96xf32>
        %broadcast_in_dim3A_319 = vector.shape_cast %squeeze3A_318 : vector<96xf32> to vector<1x1x96xf32>
        %mul3A_320 = vector.broadcast %broadcast_in_dim3A_319 : vector<1x1x96xf32> to vector<8x8x96xf32>
        %mul3A_321 = arith.mulf %slice3A_316, %mul3A_320 : vector<8x8x96xf32>
        %add3A_322 = arith.addf %add3A_315, %mul3A_321 : vector<8x8x96xf32>
        %slice3A_323 = vector.extract_strided_slice %get3A_276 {offsets = [6, 0, 0], sizes = [8, 8, 96], strides = [1, 1, 1]} : vector<14x8x96xf32> to vector<8x8x96xf32>
        %slice3A_324 = vector.extract_strided_slice %get3A_67 {offsets = [6, 0], sizes = [1, 96], strides = [1, 1]} : vector<7x96xf32> to vector<1x96xf32>
        %squeeze3A_325 = vector.shape_cast %slice3A_324 : vector<1x96xf32> to vector<96xf32>
        %broadcast_in_dim3A_326 = vector.shape_cast %squeeze3A_325 : vector<96xf32> to vector<1x1x96xf32>
        %mul3A_327 = vector.broadcast %broadcast_in_dim3A_326 : vector<1x1x96xf32> to vector<8x8x96xf32>
        %mul3A_328 = arith.mulf %slice3A_323, %mul3A_327 : vector<8x8x96xf32>
        %add3A_329 = arith.addf %add3A_322, %mul3A_328 : vector<8x8x96xf32>
        %swap3A_330 = arith.index_cast %multiple_of3A_272 : i32 to index
        %swap3A_331 = arith.index_cast %multiple_of3A : i32 to index
        %swap3A_332 = arith.constant 0 : index
        %swap3A_333 = vector.load %arg10[%swap3A_330, %swap3A_331, %swap3A_332] : memref<32x224x96xf32, #tpu.memory_space<vmem>>, vector<8x8x96xf32>
        tpu.vector_store %arg10[%swap3A_330, %swap3A_331, %swap3A_332], %add3A_329 {strides = array<i32>} : memref<32x224x96xf32, #tpu.memory_space<vmem>>, vector<8x8x96xf32>,
        %scan3A_334 = arith.constant 4 : i32
        %scan3A_335 = arith.constant 1 : i32
        %scan3A_336 = arith.addi %scan3A_73, %scan3A_335 : i32
        %mul3A_337 = arith.constant 8 : i32
        %mul3A_338 = arith.muli %scan3A_336, %mul3A_337 : i32
        %multiple_of3A_339 = tpu.assume_multiple %mul3A_338, 8 : i32
        %scan3A_340 = arith.constant 0 : i32
        %mul3A_341 = arith.constant 8 : i32
        %mul3A_342 = arith.muli %scan3A_340, %mul3A_341 : i32
        %multiple_of3A_343 = tpu.assume_multiple %mul3A_342, 8 : i32
        %get3A_344 = arith.index_cast %multiple_of3A_343 : i32 to index
        %get3A_345 = arith.index_cast %multiple_of3A_339 : i32 to index
        %get3A_346 = arith.constant 0 : index
        %get3A_347 = vector.load %arg9[%get3A_344, %get3A_345, %get3A_346] : memref<38x224x96xf32, #tpu.memory_space<vmem>>, vector<14x8x96xf32>
        %get3A_348 = arith.index_cast %multiple_of3A_343 : i32 to index
        %get3A_349 = arith.index_cast %multiple_of3A_339 : i32 to index
        %get3A_350 = arith.constant 0 : index
        %get3A_351 = vector.load %arg10[%get3A_348, %get3A_349, %get3A_350] : memref<32x224x96xf32, #tpu.memory_space<vmem>>, vector<8x8x96xf32>
        %slice3A_352 = vector.extract_strided_slice %get3A_347 {offsets = [0, 0, 0], sizes = [8, 8, 96], strides = [1, 1, 1]} : vector<14x8x96xf32> to vector<8x8x96xf32>
        %slice3A_353 = vector.extract_strided_slice %get3A_67 {offsets = [0, 0], sizes = [1, 96], strides = [1, 1]} : vector<7x96xf32> to vector<1x96xf32>
        %squeeze3A_354 = vector.shape_cast %slice3A_353 : vector<1x96xf32> to vector<96xf32>
        %broadcast_in_dim3A_355 = vector.shape_cast %squeeze3A_354 : vector<96xf32> to vector<1x1x96xf32>
        %mul3A_356 = vector.broadcast %broadcast_in_dim3A_355 : vector<1x1x96xf32> to vector<8x8x96xf32>
        %mul3A_357 = arith.mulf %slice3A_352, %mul3A_356 : vector<8x8x96xf32>
        %add3A_358 = arith.addf %get3A_351, %mul3A_357 : vector<8x8x96xf32>
        %slice3A_359 = vector.extract_strided_slice %get3A_347 {offsets = [1, 0, 0], sizes = [8, 8, 96], strides = [1, 1, 1]} : vector<14x8x96xf32> to vector<8x8x96xf32>
        %slice3A_360 = vector.extract_strided_slice %get3A_67 {offsets = [1, 0], sizes = [1, 96], strides = [1, 1]} : vector<7x96xf32> to vector<1x96xf32>
        %squeeze3A_361 = vector.shape_cast %slice3A_360 : vector<1x96xf32> to vector<96xf32>
        %broadcast_in_dim3A_362 = vector.shape_cast %squeeze3A_361 : vector<96xf32> to vector<1x1x96xf32>
        %mul3A_363 = vector.broadcast %broadcast_in_dim3A_362 : vector<1x1x96xf32> to vector<8x8x96xf32>
        %mul3A_364 = arith.mulf %slice3A_359, %mul3A_363 : vector<8x8x96xf32>
        %add3A_365 = arith.addf %add3A_358, %mul3A_364 : vector<8x8x96xf32>
        %slice3A_366 = vector.extract_strided_slice %get3A_347 {offsets = [2, 0, 0], sizes = [8, 8, 96], strides = [1, 1, 1]} : vector<14x8x96xf32> to vector<8x8x96xf32>
        %slice3A_367 = vector.extract_strided_slice %get3A_67 {offsets = [2, 0], sizes = [1, 96], strides = [1, 1]} : vector<7x96xf32> to vector<1x96xf32>
        %squeeze3A_368 = vector.shape_cast %slice3A_367 : vector<1x96xf32> to vector<96xf32>
        %broadcast_in_dim3A_369 = vector.shape_cast %squeeze3A_368 : vector<96xf32> to vector<1x1x96xf32>
        %mul3A_370 = vector.broadcast %broadcast_in_dim3A_369 : vector<1x1x96xf32> to vector<8x8x96xf32>
        %mul3A_371 = arith.mulf %slice3A_366, %mul3A_370 : vector<8x8x96xf32>
        %add3A_372 = arith.addf %add3A_365, %mul3A_371 : vector<8x8x96xf32>
        %slice3A_373 = vector.extract_strided_slice %get3A_347 {offsets = [3, 0, 0], sizes = [8, 8, 96], strides = [1, 1, 1]} : vector<14x8x96xf32> to vector<8x8x96xf32>
        %slice3A_374 = vector.extract_strided_slice %get3A_67 {offsets = [3, 0], sizes = [1, 96], strides = [1, 1]} : vector<7x96xf32> to vector<1x96xf32>
        %squeeze3A_375 = vector.shape_cast %slice3A_374 : vector<1x96xf32> to vector<96xf32>
        %broadcast_in_dim3A_376 = vector.shape_cast %squeeze3A_375 : vector<96xf32> to vector<1x1x96xf32>
        %mul3A_377 = vector.broadcast %broadcast_in_dim3A_376 : vector<1x1x96xf32> to vector<8x8x96xf32>
        %mul3A_378 = arith.mulf %slice3A_373, %mul3A_377 : vector<8x8x96xf32>
        %add3A_379 = arith.addf %add3A_372, %mul3A_378 : vector<8x8x96xf32>
        %slice3A_380 = vector.extract_strided_slice %get3A_347 {offsets = [4, 0, 0], sizes = [8, 8, 96], strides = [1, 1, 1]} : vector<14x8x96xf32> to vector<8x8x96xf32>
        %slice3A_381 = vector.extract_strided_slice %get3A_67 {offsets = [4, 0], sizes = [1, 96], strides = [1, 1]} : vector<7x96xf32> to vector<1x96xf32>
        %squeeze3A_382 = vector.shape_cast %slice3A_381 : vector<1x96xf32> to vector<96xf32>
        %broadcast_in_dim3A_383 = vector.shape_cast %squeeze3A_382 : vector<96xf32> to vector<1x1x96xf32>
        %mul3A_384 = vector.broadcast %broadcast_in_dim3A_383 : vector<1x1x96xf32> to vector<8x8x96xf32>
        %mul3A_385 = arith.mulf %slice3A_380, %mul3A_384 : vector<8x8x96xf32>
        %add3A_386 = arith.addf %add3A_379, %mul3A_385 : vector<8x8x96xf32>
        %slice3A_387 = vector.extract_strided_slice %get3A_347 {offsets = [5, 0, 0], sizes = [8, 8, 96], strides = [1, 1, 1]} : vector<14x8x96xf32> to vector<8x8x96xf32>
        %slice3A_388 = vector.extract_strided_slice %get3A_67 {offsets = [5, 0], sizes = [1, 96], strides = [1, 1]} : vector<7x96xf32> to vector<1x96xf32>
        %squeeze3A_389 = vector.shape_cast %slice3A_388 : vector<1x96xf32> to vector<96xf32>
        %broadcast_in_dim3A_390 = vector.shape_cast %squeeze3A_389 : vector<96xf32> to vector<1x1x96xf32>
        %mul3A_391 = vector.broadcast %broadcast_in_dim3A_390 : vector<1x1x96xf32> to vector<8x8x96xf32>
        %mul3A_392 = arith.mulf %slice3A_387, %mul3A_391 : vector<8x8x96xf32>
        %add3A_393 = arith.addf %add3A_386, %mul3A_392 : vector<8x8x96xf32>
        %slice3A_394 = vector.extract_strided_slice %get3A_347 {offsets = [6, 0, 0], sizes = [8, 8, 96], strides = [1, 1, 1]} : vector<14x8x96xf32> to vector<8x8x96xf32>
        %slice3A_395 = vector.extract_strided_slice %get3A_67 {offsets = [6, 0], sizes = [1, 96], strides = [1, 1]} : vector<7x96xf32> to vector<1x96xf32>
        %squeeze3A_396 = vector.shape_cast %slice3A_395 : vector<1x96xf32> to vector<96xf32>
        %broadcast_in_dim3A_397 = vector.shape_cast %squeeze3A_396 : vector<96xf32> to vector<1x1x96xf32>
        %mul3A_398 = vector.broadcast %broadcast_in_dim3A_397 : vector<1x1x96xf32> to vector<8x8x96xf32>
        %mul3A_399 = arith.mulf %slice3A_394, %mul3A_398 : vector<8x8x96xf32>
        %add3A_400 = arith.addf %add3A_393, %mul3A_399 : vector<8x8x96xf32>
        %swap3A_401 = arith.index_cast %multiple_of3A_343 : i32 to index
        %swap3A_402 = arith.index_cast %multiple_of3A_339 : i32 to index
        %swap3A_403 = arith.constant 0 : index
        %swap3A_404 = vector.load %arg10[%swap3A_401, %swap3A_402, %swap3A_403] : memref<32x224x96xf32, #tpu.memory_space<vmem>>, vector<8x8x96xf32>
        tpu.vector_store %arg10[%swap3A_401, %swap3A_402, %swap3A_403], %add3A_400 {strides = array<i32>} : memref<32x224x96xf32, #tpu.memory_space<vmem>>, vector<8x8x96xf32>,
        %scan3A_405 = arith.constant 1 : i32
        %mul3A_406 = arith.constant 8 : i32
        %mul3A_407 = arith.muli %scan3A_405, %mul3A_406 : i32
        %multiple_of3A_408 = tpu.assume_multiple %mul3A_407, 8 : i32
        %get3A_409 = arith.index_cast %multiple_of3A_408 : i32 to index
        %get3A_410 = arith.index_cast %multiple_of3A_339 : i32 to index
        %get3A_411 = arith.constant 0 : index
        %get3A_412 = vector.load %arg9[%get3A_409, %get3A_410, %get3A_411] : memref<38x224x96xf32, #tpu.memory_space<vmem>>, vector<14x8x96xf32>
        %get3A_413 = arith.index_cast %multiple_of3A_408 : i32 to index
        %get3A_414 = arith.index_cast %multiple_of3A_339 : i32 to index
        %get3A_415 = arith.constant 0 : index
        %get3A_416 = vector.load %arg10[%get3A_413, %get3A_414, %get3A_415] : memref<32x224x96xf32, #tpu.memory_space<vmem>>, vector<8x8x96xf32>
        %slice3A_417 = vector.extract_strided_slice %get3A_412 {offsets = [0, 0, 0], sizes = [8, 8, 96], strides = [1, 1, 1]} : vector<14x8x96xf32> to vector<8x8x96xf32>
        %slice3A_418 = vector.extract_strided_slice %get3A_67 {offsets = [0, 0], sizes = [1, 96], strides = [1, 1]} : vector<7x96xf32> to vector<1x96xf32>
        %squeeze3A_419 = vector.shape_cast %slice3A_418 : vector<1x96xf32> to vector<96xf32>
        %broadcast_in_dim3A_420 = vector.shape_cast %squeeze3A_419 : vector<96xf32> to vector<1x1x96xf32>
        %mul3A_421 = vector.broadcast %broadcast_in_dim3A_420 : vector<1x1x96xf32> to vector<8x8x96xf32>
        %mul3A_422 = arith.mulf %slice3A_417, %mul3A_421 : vector<8x8x96xf32>
        %add3A_423 = arith.addf %get3A_416, %mul3A_422 : vector<8x8x96xf32>
        %slice3A_424 = vector.extract_strided_slice %get3A_412 {offsets = [1, 0, 0], sizes = [8, 8, 96], strides = [1, 1, 1]} : vector<14x8x96xf32> to vector<8x8x96xf32>
        %slice3A_425 = vector.extract_strided_slice %get3A_67 {offsets = [1, 0], sizes = [1, 96], strides = [1, 1]} : vector<7x96xf32> to vector<1x96xf32>
        %squeeze3A_426 = vector.shape_cast %slice3A_425 : vector<1x96xf32> to vector<96xf32>
        %broadcast_in_dim3A_427 = vector.shape_cast %squeeze3A_426 : vector<96xf32> to vector<1x1x96xf32>
        %mul3A_428 = vector.broadcast %broadcast_in_dim3A_427 : vector<1x1x96xf32> to vector<8x8x96xf32>
        %mul3A_429 = arith.mulf %slice3A_424, %mul3A_428 : vector<8x8x96xf32>
        %add3A_430 = arith.addf %add3A_423, %mul3A_429 : vector<8x8x96xf32>
        %slice3A_431 = vector.extract_strided_slice %get3A_412 {offsets = [2, 0, 0], sizes = [8, 8, 96], strides = [1, 1, 1]} : vector<14x8x96xf32> to vector<8x8x96xf32>
        %slice3A_432 = vector.extract_strided_slice %get3A_67 {offsets = [2, 0], sizes = [1, 96], strides = [1, 1]} : vector<7x96xf32> to vector<1x96xf32>
        %squeeze3A_433 = vector.shape_cast %slice3A_432 : vector<1x96xf32> to vector<96xf32>
        %broadcast_in_dim3A_434 = vector.shape_cast %squeeze3A_433 : vector<96xf32> to vector<1x1x96xf32>
        %mul3A_435 = vector.broadcast %broadcast_in_dim3A_434 : vector<1x1x96xf32> to vector<8x8x96xf32>
        %mul3A_436 = arith.mulf %slice3A_431, %mul3A_435 : vector<8x8x96xf32>
        %add3A_437 = arith.addf %add3A_430, %mul3A_436 : vector<8x8x96xf32>
        %slice3A_438 = vector.extract_strided_slice %get3A_412 {offsets = [3, 0, 0], sizes = [8, 8, 96], strides = [1, 1, 1]} : vector<14x8x96xf32> to vector<8x8x96xf32>
        %slice3A_439 = vector.extract_strided_slice %get3A_67 {offsets = [3, 0], sizes = [1, 96], strides = [1, 1]} : vector<7x96xf32> to vector<1x96xf32>
        %squeeze3A_440 = vector.shape_cast %slice3A_439 : vector<1x96xf32> to vector<96xf32>
        %broadcast_in_dim3A_441 = vector.shape_cast %squeeze3A_440 : vector<96xf32> to vector<1x1x96xf32>
        %mul3A_442 = vector.broadcast %broadcast_in_dim3A_441 : vector<1x1x96xf32> to vector<8x8x96xf32>
        %mul3A_443 = arith.mulf %slice3A_438, %mul3A_442 : vector<8x8x96xf32>
        %add3A_444 = arith.addf %add3A_437, %mul3A_443 : vector<8x8x96xf32>
        %slice3A_445 = vector.extract_strided_slice %get3A_412 {offsets = [4, 0, 0], sizes = [8, 8, 96], strides = [1, 1, 1]} : vector<14x8x96xf32> to vector<8x8x96xf32>
        %slice3A_446 = vector.extract_strided_slice %get3A_67 {offsets = [4, 0], sizes = [1, 96], strides = [1, 1]} : vector<7x96xf32> to vector<1x96xf32>
        %squeeze3A_447 = vector.shape_cast %slice3A_446 : vector<1x96xf32> to vector<96xf32>
        %broadcast_in_dim3A_448 = vector.shape_cast %squeeze3A_447 : vector<96xf32> to vector<1x1x96xf32>
        %mul3A_449 = vector.broadcast %broadcast_in_dim3A_448 : vector<1x1x96xf32> to vector<8x8x96xf32>
        %mul3A_450 = arith.mulf %slice3A_445, %mul3A_449 : vector<8x8x96xf32>
        %add3A_451 = arith.addf %add3A_444, %mul3A_450 : vector<8x8x96xf32>
        %slice3A_452 = vector.extract_strided_slice %get3A_412 {offsets = [5, 0, 0], sizes = [8, 8, 96], strides = [1, 1, 1]} : vector<14x8x96xf32> to vector<8x8x96xf32>
        %slice3A_453 = vector.extract_strided_slice %get3A_67 {offsets = [5, 0], sizes = [1, 96], strides = [1, 1]} : vector<7x96xf32> to vector<1x96xf32>
        %squeeze3A_454 = vector.shape_cast %slice3A_453 : vector<1x96xf32> to vector<96xf32>
        %broadcast_in_dim3A_455 = vector.shape_cast %squeeze3A_454 : vector<96xf32> to vector<1x1x96xf32>
        %mul3A_456 = vector.broadcast %broadcast_in_dim3A_455 : vector<1x1x96xf32> to vector<8x8x96xf32>
        %mul3A_457 = arith.mulf %slice3A_452, %mul3A_456 : vector<8x8x96xf32>
        %add3A_458 = arith.addf %add3A_451, %mul3A_457 : vector<8x8x96xf32>
        %slice3A_459 = vector.extract_strided_slice %get3A_412 {offsets = [6, 0, 0], sizes = [8, 8, 96], strides = [1, 1, 1]} : vector<14x8x96xf32> to vector<8x8x96xf32>
        %slice3A_460 = vector.extract_strided_slice %get3A_67 {offsets = [6, 0], sizes = [1, 96], strides = [1, 1]} : vector<7x96xf32> to vector<1x96xf32>
        %squeeze3A_461 = vector.shape_cast %slice3A_460 : vector<1x96xf32> to vector<96xf32>
        %broadcast_in_dim3A_462 = vector.shape_cast %squeeze3A_461 : vector<96xf32> to vector<1x1x96xf32>
        %mul3A_463 = vector.broadcast %broadcast_in_dim3A_462 : vector<1x1x96xf32> to vector<8x8x96xf32>
        %mul3A_464 = arith.mulf %slice3A_459, %mul3A_463 : vector<8x8x96xf32>
        %add3A_465 = arith.addf %add3A_458, %mul3A_464 : vector<8x8x96xf32>
        %swap3A_466 = arith.index_cast %multiple_of3A_408 : i32 to index
        %swap3A_467 = arith.index_cast %multiple_of3A_339 : i32 to index
        %swap3A_468 = arith.constant 0 : index
        %swap3A_469 = vector.load %arg10[%swap3A_466, %swap3A_467, %swap3A_468] : memref<32x224x96xf32, #tpu.memory_space<vmem>>, vector<8x8x96xf32>
        tpu.vector_store %arg10[%swap3A_466, %swap3A_467, %swap3A_468], %add3A_465 {strides = array<i32>} : memref<32x224x96xf32, #tpu.memory_space<vmem>>, vector<8x8x96xf32>,
        %scan3A_470 = arith.constant 2 : i32
        %mul3A_471 = arith.constant 8 : i32
        %mul3A_472 = arith.muli %scan3A_470, %mul3A_471 : i32
        %multiple_of3A_473 = tpu.assume_multiple %mul3A_472, 8 : i32
        %get3A_474 = arith.index_cast %multiple_of3A_473 : i32 to index
        %get3A_475 = arith.index_cast %multiple_of3A_339 : i32 to index
        %get3A_476 = arith.constant 0 : index
        %get3A_477 = vector.load %arg9[%get3A_474, %get3A_475, %get3A_476] : memref<38x224x96xf32, #tpu.memory_space<vmem>>, vector<14x8x96xf32>
        %get3A_478 = arith.index_cast %multiple_of3A_473 : i32 to index
        %get3A_479 = arith.index_cast %multiple_of3A_339 : i32 to index
        %get3A_480 = arith.constant 0 : index
        %get3A_481 = vector.load %arg10[%get3A_478, %get3A_479, %get3A_480] : memref<32x224x96xf32, #tpu.memory_space<vmem>>, vector<8x8x96xf32>
        %slice3A_482 = vector.extract_strided_slice %get3A_477 {offsets = [0, 0, 0], sizes = [8, 8, 96], strides = [1, 1, 1]} : vector<14x8x96xf32> to vector<8x8x96xf32>
        %slice3A_483 = vector.extract_strided_slice %get3A_67 {offsets = [0, 0], sizes = [1, 96], strides = [1, 1]} : vector<7x96xf32> to vector<1x96xf32>
        %squeeze3A_484 = vector.shape_cast %slice3A_483 : vector<1x96xf32> to vector<96xf32>
        %broadcast_in_dim3A_485 = vector.shape_cast %squeeze3A_484 : vector<96xf32> to vector<1x1x96xf32>
        %mul3A_486 = vector.broadcast %broadcast_in_dim3A_485 : vector<1x1x96xf32> to vector<8x8x96xf32>
        %mul3A_487 = arith.mulf %slice3A_482, %mul3A_486 : vector<8x8x96xf32>
        %add3A_488 = arith.addf %get3A_481, %mul3A_487 : vector<8x8x96xf32>
        %slice3A_489 = vector.extract_strided_slice %get3A_477 {offsets = [1, 0, 0], sizes = [8, 8, 96], strides = [1, 1, 1]} : vector<14x8x96xf32> to vector<8x8x96xf32>
        %slice3A_490 = vector.extract_strided_slice %get3A_67 {offsets = [1, 0], sizes = [1, 96], strides = [1, 1]} : vector<7x96xf32> to vector<1x96xf32>
        %squeeze3A_491 = vector.shape_cast %slice3A_490 : vector<1x96xf32> to vector<96xf32>
        %broadcast_in_dim3A_492 = vector.shape_cast %squeeze3A_491 : vector<96xf32> to vector<1x1x96xf32>
        %mul3A_493 = vector.broadcast %broadcast_in_dim3A_492 : vector<1x1x96xf32> to vector<8x8x96xf32>
        %mul3A_494 = arith.mulf %slice3A_489, %mul3A_493 : vector<8x8x96xf32>
        %add3A_495 = arith.addf %add3A_488, %mul3A_494 : vector<8x8x96xf32>
        %slice3A_496 = vector.extract_strided_slice %get3A_477 {offsets = [2, 0, 0], sizes = [8, 8, 96], strides = [1, 1, 1]} : vector<14x8x96xf32> to vector<8x8x96xf32>
        %slice3A_497 = vector.extract_strided_slice %get3A_67 {offsets = [2, 0], sizes = [1, 96], strides = [1, 1]} : vector<7x96xf32> to vector<1x96xf32>
        %squeeze3A_498 = vector.shape_cast %slice3A_497 : vector<1x96xf32> to vector<96xf32>
        %broadcast_in_dim3A_499 = vector.shape_cast %squeeze3A_498 : vector<96xf32> to vector<1x1x96xf32>
        %mul3A_500 = vector.broadcast %broadcast_in_dim3A_499 : vector<1x1x96xf32> to vector<8x8x96xf32>
        %mul3A_501 = arith.mulf %slice3A_496, %mul3A_500 : vector<8x8x96xf32>
        %add3A_502 = arith.addf %add3A_495, %mul3A_501 : vector<8x8x96xf32>
        %slice3A_503 = vector.extract_strided_slice %get3A_477 {offsets = [3, 0, 0], sizes = [8, 8, 96], strides = [1, 1, 1]} : vector<14x8x96xf32> to vector<8x8x96xf32>
        %slice3A_504 = vector.extract_strided_slice %get3A_67 {offsets = [3, 0], sizes = [1, 96], strides = [1, 1]} : vector<7x96xf32> to vector<1x96xf32>
        %squeeze3A_505 = vector.shape_cast %slice3A_504 : vector<1x96xf32> to vector<96xf32>
        %broadcast_in_dim3A_506 = vector.shape_cast %squeeze3A_505 : vector<96xf32> to vector<1x1x96xf32>
        %mul3A_507 = vector.broadcast %broadcast_in_dim3A_506 : vector<1x1x96xf32> to vector<8x8x96xf32>
        %mul3A_508 = arith.mulf %slice3A_503, %mul3A_507 : vector<8x8x96xf32>
        %add3A_509 = arith.addf %add3A_502, %mul3A_508 : vector<8x8x96xf32>
        %slice3A_510 = vector.extract_strided_slice %get3A_477 {offsets = [4, 0, 0], sizes = [8, 8, 96], strides = [1, 1, 1]} : vector<14x8x96xf32> to vector<8x8x96xf32>
        %slice3A_511 = vector.extract_strided_slice %get3A_67 {offsets = [4, 0], sizes = [1, 96], strides = [1, 1]} : vector<7x96xf32> to vector<1x96xf32>
        %squeeze3A_512 = vector.shape_cast %slice3A_511 : vector<1x96xf32> to vector<96xf32>
        %broadcast_in_dim3A_513 = vector.shape_cast %squeeze3A_512 : vector<96xf32> to vector<1x1x96xf32>
        %mul3A_514 = vector.broadcast %broadcast_in_dim3A_513 : vector<1x1x96xf32> to vector<8x8x96xf32>
        %mul3A_515 = arith.mulf %slice3A_510, %mul3A_514 : vector<8x8x96xf32>
        %add3A_516 = arith.addf %add3A_509, %mul3A_515 : vector<8x8x96xf32>
        %slice3A_517 = vector.extract_strided_slice %get3A_477 {offsets = [5, 0, 0], sizes = [8, 8, 96], strides = [1, 1, 1]} : vector<14x8x96xf32> to vector<8x8x96xf32>
        %slice3A_518 = vector.extract_strided_slice %get3A_67 {offsets = [5, 0], sizes = [1, 96], strides = [1, 1]} : vector<7x96xf32> to vector<1x96xf32>
        %squeeze3A_519 = vector.shape_cast %slice3A_518 : vector<1x96xf32> to vector<96xf32>
        %broadcast_in_dim3A_520 = vector.shape_cast %squeeze3A_519 : vector<96xf32> to vector<1x1x96xf32>
        %mul3A_521 = vector.broadcast %broadcast_in_dim3A_520 : vector<1x1x96xf32> to vector<8x8x96xf32>
        %mul3A_522 = arith.mulf %slice3A_517, %mul3A_521 : vector<8x8x96xf32>
        %add3A_523 = arith.addf %add3A_516, %mul3A_522 : vector<8x8x96xf32>
        %slice3A_524 = vector.extract_strided_slice %get3A_477 {offsets = [6, 0, 0], sizes = [8, 8, 96], strides = [1, 1, 1]} : vector<14x8x96xf32> to vector<8x8x96xf32>
        %slice3A_525 = vector.extract_strided_slice %get3A_67 {offsets = [6, 0], sizes = [1, 96], strides = [1, 1]} : vector<7x96xf32> to vector<1x96xf32>
        %squeeze3A_526 = vector.shape_cast %slice3A_525 : vector<1x96xf32> to vector<96xf32>
        %broadcast_in_dim3A_527 = vector.shape_cast %squeeze3A_526 : vector<96xf32> to vector<1x1x96xf32>
        %mul3A_528 = vector.broadcast %broadcast_in_dim3A_527 : vector<1x1x96xf32> to vector<8x8x96xf32>
        %mul3A_529 = arith.mulf %slice3A_524, %mul3A_528 : vector<8x8x96xf32>
        %add3A_530 = arith.addf %add3A_523, %mul3A_529 : vector<8x8x96xf32>
        %swap3A_531 = arith.index_cast %multiple_of3A_473 : i32 to index
        %swap3A_532 = arith.index_cast %multiple_of3A_339 : i32 to index
        %swap3A_533 = arith.constant 0 : index
        %swap3A_534 = vector.load %arg10[%swap3A_531, %swap3A_532, %swap3A_533] : memref<32x224x96xf32, #tpu.memory_space<vmem>>, vector<8x8x96xf32>
        tpu.vector_store %arg10[%swap3A_531, %swap3A_532, %swap3A_533], %add3A_530 {strides = array<i32>} : memref<32x224x96xf32, #tpu.memory_space<vmem>>, vector<8x8x96xf32>,
        %scan3A_535 = arith.constant 3 : i32
        %mul3A_536 = arith.constant 8 : i32
        %mul3A_537 = arith.muli %scan3A_535, %mul3A_536 : i32
        %multiple_of3A_538 = tpu.assume_multiple %mul3A_537, 8 : i32
        %get3A_539 = arith.index_cast %multiple_of3A_538 : i32 to index
        %get3A_540 = arith.index_cast %multiple_of3A_339 : i32 to index
        %get3A_541 = arith.constant 0 : index
        %get3A_542 = vector.load %arg9[%get3A_539, %get3A_540, %get3A_541] : memref<38x224x96xf32, #tpu.memory_space<vmem>>, vector<14x8x96xf32>
        %get3A_543 = arith.index_cast %multiple_of3A_538 : i32 to index
        %get3A_544 = arith.index_cast %multiple_of3A_339 : i32 to index
        %get3A_545 = arith.constant 0 : index
        %get3A_546 = vector.load %arg10[%get3A_543, %get3A_544, %get3A_545] : memref<32x224x96xf32, #tpu.memory_space<vmem>>, vector<8x8x96xf32>
        %slice3A_547 = vector.extract_strided_slice %get3A_542 {offsets = [0, 0, 0], sizes = [8, 8, 96], strides = [1, 1, 1]} : vector<14x8x96xf32> to vector<8x8x96xf32>
        %slice3A_548 = vector.extract_strided_slice %get3A_67 {offsets = [0, 0], sizes = [1, 96], strides = [1, 1]} : vector<7x96xf32> to vector<1x96xf32>
        %squeeze3A_549 = vector.shape_cast %slice3A_548 : vector<1x96xf32> to vector<96xf32>
        %broadcast_in_dim3A_550 = vector.shape_cast %squeeze3A_549 : vector<96xf32> to vector<1x1x96xf32>
        %mul3A_551 = vector.broadcast %broadcast_in_dim3A_550 : vector<1x1x96xf32> to vector<8x8x96xf32>
        %mul3A_552 = arith.mulf %slice3A_547, %mul3A_551 : vector<8x8x96xf32>
        %add3A_553 = arith.addf %get3A_546, %mul3A_552 : vector<8x8x96xf32>
        %slice3A_554 = vector.extract_strided_slice %get3A_542 {offsets = [1, 0, 0], sizes = [8, 8, 96], strides = [1, 1, 1]} : vector<14x8x96xf32> to vector<8x8x96xf32>
        %slice3A_555 = vector.extract_strided_slice %get3A_67 {offsets = [1, 0], sizes = [1, 96], strides = [1, 1]} : vector<7x96xf32> to vector<1x96xf32>
        %squeeze3A_556 = vector.shape_cast %slice3A_555 : vector<1x96xf32> to vector<96xf32>
        %broadcast_in_dim3A_557 = vector.shape_cast %squeeze3A_556 : vector<96xf32> to vector<1x1x96xf32>
        %mul3A_558 = vector.broadcast %broadcast_in_dim3A_557 : vector<1x1x96xf32> to vector<8x8x96xf32>
        %mul3A_559 = arith.mulf %slice3A_554, %mul3A_558 : vector<8x8x96xf32>
        %add3A_560 = arith.addf %add3A_553, %mul3A_559 : vector<8x8x96xf32>
        %slice3A_561 = vector.extract_strided_slice %get3A_542 {offsets = [2, 0, 0], sizes = [8, 8, 96], strides = [1, 1, 1]} : vector<14x8x96xf32> to vector<8x8x96xf32>
        %slice3A_562 = vector.extract_strided_slice %get3A_67 {offsets = [2, 0], sizes = [1, 96], strides = [1, 1]} : vector<7x96xf32> to vector<1x96xf32>
        %squeeze3A_563 = vector.shape_cast %slice3A_562 : vector<1x96xf32> to vector<96xf32>
        %broadcast_in_dim3A_564 = vector.shape_cast %squeeze3A_563 : vector<96xf32> to vector<1x1x96xf32>
        %mul3A_565 = vector.broadcast %broadcast_in_dim3A_564 : vector<1x1x96xf32> to vector<8x8x96xf32>
        %mul3A_566 = arith.mulf %slice3A_561, %mul3A_565 : vector<8x8x96xf32>
        %add3A_567 = arith.addf %add3A_560, %mul3A_566 : vector<8x8x96xf32>
        %slice3A_568 = vector.extract_strided_slice %get3A_542 {offsets = [3, 0, 0], sizes = [8, 8, 96], strides = [1, 1, 1]} : vector<14x8x96xf32> to vector<8x8x96xf32>
        %slice3A_569 = vector.extract_strided_slice %get3A_67 {offsets = [3, 0], sizes = [1, 96], strides = [1, 1]} : vector<7x96xf32> to vector<1x96xf32>
        %squeeze3A_570 = vector.shape_cast %slice3A_569 : vector<1x96xf32> to vector<96xf32>
        %broadcast_in_dim3A_571 = vector.shape_cast %squeeze3A_570 : vector<96xf32> to vector<1x1x96xf32>
        %mul3A_572 = vector.broadcast %broadcast_in_dim3A_571 : vector<1x1x96xf32> to vector<8x8x96xf32>
        %mul3A_573 = arith.mulf %slice3A_568, %mul3A_572 : vector<8x8x96xf32>
        %add3A_574 = arith.addf %add3A_567, %mul3A_573 : vector<8x8x96xf32>
        %slice3A_575 = vector.extract_strided_slice %get3A_542 {offsets = [4, 0, 0], sizes = [8, 8, 96], strides = [1, 1, 1]} : vector<14x8x96xf32> to vector<8x8x96xf32>
        %slice3A_576 = vector.extract_strided_slice %get3A_67 {offsets = [4, 0], sizes = [1, 96], strides = [1, 1]} : vector<7x96xf32> to vector<1x96xf32>
        %squeeze3A_577 = vector.shape_cast %slice3A_576 : vector<1x96xf32> to vector<96xf32>
        %broadcast_in_dim3A_578 = vector.shape_cast %squeeze3A_577 : vector<96xf32> to vector<1x1x96xf32>
        %mul3A_579 = vector.broadcast %broadcast_in_dim3A_578 : vector<1x1x96xf32> to vector<8x8x96xf32>
        %mul3A_580 = arith.mulf %slice3A_575, %mul3A_579 : vector<8x8x96xf32>
        %add3A_581 = arith.addf %add3A_574, %mul3A_580 : vector<8x8x96xf32>
        %slice3A_582 = vector.extract_strided_slice %get3A_542 {offsets = [5, 0, 0], sizes = [8, 8, 96], strides = [1, 1, 1]} : vector<14x8x96xf32> to vector<8x8x96xf32>
        %slice3A_583 = vector.extract_strided_slice %get3A_67 {offsets = [5, 0], sizes = [1, 96], strides = [1, 1]} : vector<7x96xf32> to vector<1x96xf32>
        %squeeze3A_584 = vector.shape_cast %slice3A_583 : vector<1x96xf32> to vector<96xf32>
        %broadcast_in_dim3A_585 = vector.shape_cast %squeeze3A_584 : vector<96xf32> to vector<1x1x96xf32>
        %mul3A_586 = vector.broadcast %broadcast_in_dim3A_585 : vector<1x1x96xf32> to vector<8x8x96xf32>
        %mul3A_587 = arith.mulf %slice3A_582, %mul3A_586 : vector<8x8x96xf32>
        %add3A_588 = arith.addf %add3A_581, %mul3A_587 : vector<8x8x96xf32>
        %slice3A_589 = vector.extract_strided_slice %get3A_542 {offsets = [6, 0, 0], sizes = [8, 8, 96], strides = [1, 1, 1]} : vector<14x8x96xf32> to vector<8x8x96xf32>
        %slice3A_590 = vector.extract_strided_slice %get3A_67 {offsets = [6, 0], sizes = [1, 96], strides = [1, 1]} : vector<7x96xf32> to vector<1x96xf32>
        %squeeze3A_591 = vector.shape_cast %slice3A_590 : vector<1x96xf32> to vector<96xf32>
        %broadcast_in_dim3A_592 = vector.shape_cast %squeeze3A_591 : vector<96xf32> to vector<1x1x96xf32>
        %mul3A_593 = vector.broadcast %broadcast_in_dim3A_592 : vector<1x1x96xf32> to vector<8x8x96xf32>
        %mul3A_594 = arith.mulf %slice3A_589, %mul3A_593 : vector<8x8x96xf32>
        %add3A_595 = arith.addf %add3A_588, %mul3A_594 : vector<8x8x96xf32>
        %swap3A_596 = arith.index_cast %multiple_of3A_538 : i32 to index
        %swap3A_597 = arith.index_cast %multiple_of3A_339 : i32 to index
        %swap3A_598 = arith.constant 0 : index
        %swap3A_599 = vector.load %arg10[%swap3A_596, %swap3A_597, %swap3A_598] : memref<32x224x96xf32, #tpu.memory_space<vmem>>, vector<8x8x96xf32>
        tpu.vector_store %arg10[%swap3A_596, %swap3A_597, %swap3A_598], %add3A_595 {strides = array<i32>} : memref<32x224x96xf32, #tpu.memory_space<vmem>>, vector<8x8x96xf32>,
        %scan3A_600 = arith.constant 4 : i32
      }
      %scan3A_72 = arith.constant 28 : i32
    }
    %scan3A_7 = arith.constant 7 : i32
    %get3A = arith.constant 0 : index
    %get3A_8 = arith.constant 0 : index
    %get3A_9 = arith.constant 0 : index
    %get3A_10 = vector.load %arg10[%get3A, %get3A_8, %get3A_9] : memref<32x224x96xf32, #tpu.memory_space<vmem>>, vector<32x224x96xf32>
    %reshape3A = vector.shape_cast %get3A_10 : vector<32x224x96xf32> to vector<7168x96xf32>
    %get3A_11 = arith.constant 0 : index
    %get3A_12 = arith.constant 0 : index
    %get3A_13 = arith.constant 0 : index
    %get3A_14 = vector.load %arg4[%get3A_11, %get3A_12, %get3A_13] : memref<1x7168x8xf32, #tpu.memory_space<vmem>>, vector<1x7168x8xf32>
    %get3A_15 = vector.shape_cast %get3A_14 : vector<1x7168x8xf32> to vector<7168x8xf32>
    %dot_general3A = arith.constant dense<0.000000e+00> : vector<96x8xf32>
    %dot_general3A_16 = tpu.matmul %reshape3A, %get3A_15, %dot_general3A {dimension_numbers = #tpu.dot_dimension_numbers<[0], [0], [1], [1], [0, 1, 1, 1], [], []>, transpose_lhs_hint = false} : vector<7168x96xf32>, vector<7168x8xf32>, vector<96x8xf32> -> vector<96x8xf32>
    %reduce_sum3A = arith.constant dense<0.000000e+00> : vector<8xf32>
    %reduce_sum3A_17 = vector.multi_reduction <add>, %dot_general3A_16, %reduce_sum3A [0] : vector<96x8xf32> to vector<8xf32>
    %get3A_18 = arith.constant 0 : index
    %get3A_19 = arith.constant 0 : index
    %get3A_20 = memref.load %arg5[%get3A_18, %get3A_19] : memref<1x1xf32, #tpu.memory_space<smem>>
    %reduce_sum3A_21 = arith.constant dense<0.000000e+00> : vector<8xf32>
    %reduce_sum3A_22 = vector.multi_reduction <add>, %get3A_15, %reduce_sum3A_21 [0] : vector<7168x8xf32> to vector<8xf32>
    %mul3A = vector.broadcast %get3A_20 : f32 to vector<8xf32>
    %mul3A_23 = arith.mulf %mul3A, %reduce_sum3A_22 : vector<8xf32>
    %add3A = arith.addf %reduce_sum3A_17, %mul3A_23 : vector<8xf32>
    %iota3A = tpu.iota {dimensions = array<i32: 0>} : vector<2x16xi32>
    %iota3A_24 = tpu.iota {dimensions = array<i32: 1>} : vector<2x16xi32>
    %eq3A = arith.constant 0 : i32
    %eq3A_25 = arith.cmpi eq, %arg0, %eq3A : i32
    %eq3A_26 = arith.constant 0 : i32
    %eq3A_27 = arith.cmpi eq, %arg1, %eq3A_26 : i32
    %and3A = arith.andi %eq3A_25, %eq3A_27 : i1
    %convert_element_type3A = arith.extui %and3A : i1 to i32
    %cond3A = arith.constant 0 : i32
    %cond3A_28 = arith.cmpi ne, %convert_element_type3A, %cond3A : i32
    scf.if %cond3A_28 {
      %lt3A = arith.constant 8 : i32
      %lt3A_52 = vector.broadcast %lt3A : i32 to vector<2x16xi32>
      %lt3A_53 = arith.cmpi slt, %iota3A_24, %lt3A_52 : vector<2x16xi32>
      %jit3A_54 = arith.constant 0.000000e+00 : f32
      %jit3A_55 = arith.constant -3.000000e+38 : f32
      %broadcast_in_dim3A_56 = vector.broadcast %jit3A_54 : f32 to vector<2x16xf32>
      %broadcast_in_dim3A_57 = vector.broadcast %jit3A_55 : f32 to vector<2x16xf32>
      %select_n3A_58 = arith.select %lt3A_53, %broadcast_in_dim3A_56, %broadcast_in_dim3A_57 : vector<2x16xi1>, vector<2x16xf32>
      %swap3A_59 = arith.constant 0 : index
      %swap3A_60 = arith.constant 0 : index
      %swap3A_61 = vector.load %arg8[%swap3A_59, %swap3A_60] : memref<2x16xf32, #tpu.memory_space<vmem>>, vector<2x16xf32>
      tpu.vector_store %arg8[%swap3A_59, %swap3A_60], %select_n3A_58 {strides = array<i32>} : memref<2x16xf32, #tpu.memory_space<vmem>>, vector<2x16xf32>,
    } else {
    }
    %reshape3A_29 = vector.shape_cast %add3A : vector<8xf32> to vector<1x8xf32>
    %broadcast_in_dim3A_30 = arith.constant 0.000000e+00 : f32
    %broadcast_in_dim3A_31 = vector.broadcast %broadcast_in_dim3A_30 : f32 to vector<1x8xf32>
    %concatenate3A = tpu.concatenate %reshape3A_29, %broadcast_in_dim3A_31 in 1 : vector<1x8xf32>, vector<1x8xf32> -> vector<1x16xf32>
    %get3A_32 = arith.constant 0 : index
    %get3A_33 = arith.constant 0 : index
    %get3A_34 = vector.load %arg8[%get3A_32, %get3A_33] : memref<2x16xf32, #tpu.memory_space<vmem>>, vector<2x16xf32>
    %eq3A_35 = vector.broadcast %arg0 : i32 to vector<2x16xi32>
    %eq3A_36 = arith.cmpi eq, %iota3A, %eq3A_35 : vector<2x16xi32>
    %jit3A = arith.constant 0.000000e+00 : f32
    %broadcast_in_dim3A_37 = vector.shape_cast %concatenate3A : vector<1x16xf32> to vector<1x16xf32>
    %broadcast_in_dim3A_38 = vector.broadcast %broadcast_in_dim3A_37 : vector<1x16xf32> to vector<2x16xf32>
    %broadcast_in_dim3A_39 = vector.broadcast %jit3A : f32 to vector<2x16xf32>
    %select_n3A = arith.select %eq3A_36, %broadcast_in_dim3A_38, %broadcast_in_dim3A_39 : vector<2x16xi1>, vector<2x16xf32>
    %add3A_40 = arith.addf %get3A_34, %select_n3A : vector<2x16xf32>
    %swap3A_41 = arith.constant 0 : index
    %swap3A_42 = arith.constant 0 : index
    %swap3A_43 = vector.load %arg8[%swap3A_41, %swap3A_42] : memref<2x16xf32, #tpu.memory_space<vmem>>, vector<2x16xf32>
    tpu.vector_store %arg8[%swap3A_41, %swap3A_42], %add3A_40 {strides = array<i32>} : memref<2x16xf32, #tpu.memory_space<vmem>>, vector<2x16xf32>,
    %eq3A_44 = arith.constant 1 : i32
    %eq3A_45 = arith.cmpi eq, %arg0, %eq3A_44 : i32
    %eq3A_46 = arith.constant 6 : i32
    %eq3A_47 = arith.cmpi eq, %arg1, %eq3A_46 : i32
    %and3A_48 = arith.andi %eq3A_45, %eq3A_47 : i1
    %convert_element_type3A_49 = arith.extui %and3A_48 : i1 to i32
    %cond3A_50 = arith.constant 0 : i32
    %cond3A_51 = arith.cmpi ne, %convert_element_type3A_49, %cond3A_50 : i32
    scf.if %cond3A_51 {
      %get3A_52 = arith.constant 0 : index
      %get3A_53 = arith.constant 0 : index
      %get3A_54 = vector.load %arg8[%get3A_52, %get3A_53] : memref<2x16xf32, #tpu.memory_space<vmem>>, vector<2x16xf32>
      %reduce_max3A = arith.constant dense<0xFF800000> : vector<2xf32>
      %reduce_max3A_55 = vector.multi_reduction <maximumf>, %get3A_54, %reduce_max3A [1] : vector<2x16xf32> to vector<2xf32>
      %broadcast_in_dim3A_56 = vector.shape_cast %reduce_max3A_55 : vector<2xf32> to vector<2x1xf32>
      %eq3A_57 = vector.broadcast %broadcast_in_dim3A_56 : vector<2x1xf32> to vector<2x16xf32>
      %eq3A_58 = arith.cmpf oeq, %get3A_54, %eq3A_57 : vector<2x16xf32>
      %jit3A_59 = arith.constant 16 : i32
      %broadcast_in_dim3A_60 = vector.broadcast %jit3A_59 : i32 to vector<2x16xi32>
      %select_n3A_61 = arith.select %eq3A_58, %iota3A_24, %broadcast_in_dim3A_60 : vector<2x16xi1>, vector<2x16xi32>
      %reduce_min3A = arith.constant dense<2147483647> : vector<2xi32>
      %reduce_min3A_62 = vector.multi_reduction <minsi>, %select_n3A_61, %reduce_min3A [1] : vector<2x16xi32> to vector<2xi32>
      %broadcast_in_dim3A_63 = vector.shape_cast %reduce_min3A_62 : vector<2xi32> to vector<2x1xi32>
      %eq3A_64 = vector.broadcast %broadcast_in_dim3A_63 : vector<2x1xi32> to vector<2x16xi32>
      %eq3A_65 = arith.cmpi eq, %iota3A_24, %eq3A_64 : vector<2x16xi32>
      %jit3A_66 = arith.constant -3.000000e+38 : f32
      %broadcast_in_dim3A_67 = vector.broadcast %jit3A_66 : f32 to vector<2x16xf32>
      %select_n3A_68 = arith.select %eq3A_65, %broadcast_in_dim3A_67, %get3A_54 : vector<2x16xi1>, vector<2x16xf32>
      %reduce_max3A_69 = arith.constant dense<0xFF800000> : vector<2xf32>
      %reduce_max3A_70 = vector.multi_reduction <maximumf>, %select_n3A_68, %reduce_max3A_69 [1] : vector<2x16xf32> to vector<2xf32>
      %broadcast_in_dim3A_71 = vector.shape_cast %reduce_max3A_70 : vector<2xf32> to vector<2x1xf32>
      %eq3A_72 = vector.broadcast %broadcast_in_dim3A_71 : vector<2x1xf32> to vector<2x16xf32>
      %eq3A_73 = arith.cmpf oeq, %select_n3A_68, %eq3A_72 : vector<2x16xf32>
      %jit3A_74 = arith.constant 16 : i32
      %broadcast_in_dim3A_75 = vector.broadcast %jit3A_74 : i32 to vector<2x16xi32>
      %select_n3A_76 = arith.select %eq3A_73, %iota3A_24, %broadcast_in_dim3A_75 : vector<2x16xi1>, vector<2x16xi32>
      %reduce_min3A_77 = arith.constant dense<2147483647> : vector<2xi32>
      %reduce_min3A_78 = vector.multi_reduction <minsi>, %select_n3A_76, %reduce_min3A_77 [1] : vector<2x16xi32> to vector<2xi32>
      %broadcast_in_dim3A_79 = vector.shape_cast %reduce_min3A_78 : vector<2xi32> to vector<2x1xi32>
      %sub3A = arith.subf %broadcast_in_dim3A_71, %broadcast_in_dim3A_56 : vector<2x1xf32>
      %exp3A = math.exp %sub3A : vector<2x1xf32>
      %add3A_80 = arith.constant 1.000000e+00 : f32
      %add3A_81 = vector.broadcast %add3A_80 : f32 to vector<2x1xf32>
      %add3A_82 = arith.addf %add3A_81, %exp3A : vector<2x1xf32>
      %div3A = arith.constant 1.000000e+00 : f32
      %div3A_83 = vector.broadcast %div3A : f32 to vector<2x1xf32>
      %div3A_84 = arith.divf %div3A_83, %add3A_82 : vector<2x1xf32>
      %add3A_85 = arith.constant 1.000000e+00 : f32
      %add3A_86 = vector.broadcast %add3A_85 : f32 to vector<2x1xf32>
      %add3A_87 = arith.addf %add3A_86, %exp3A : vector<2x1xf32>
      %div3A_88 = arith.divf %exp3A, %add3A_87 : vector<2x1xf32>
      %eq3A_89 = vector.broadcast %broadcast_in_dim3A_63 : vector<2x1xi32> to vector<2x16xi32>
      %eq3A_90 = arith.cmpi eq, %iota3A_24, %eq3A_89 : vector<2x16xi32>
      %eq3A_91 = vector.broadcast %broadcast_in_dim3A_79 : vector<2x1xi32> to vector<2x16xi32>
      %eq3A_92 = arith.cmpi eq, %iota3A_24, %eq3A_91 : vector<2x16xi32>
      %jit3A_93 = arith.constant 0.000000e+00 : f32
      %broadcast_in_dim3A_94 = vector.shape_cast %div3A_88 : vector<2x1xf32> to vector<2x1xf32>
      %broadcast_in_dim3A_95 = vector.broadcast %broadcast_in_dim3A_94 : vector<2x1xf32> to vector<2x16xf32>
      %broadcast_in_dim3A_96 = vector.broadcast %jit3A_93 : f32 to vector<2x16xf32>
      %select_n3A_97 = arith.select %eq3A_92, %broadcast_in_dim3A_95, %broadcast_in_dim3A_96 : vector<2x16xi1>, vector<2x16xf32>
      %broadcast_in_dim3A_98 = vector.shape_cast %div3A_84 : vector<2x1xf32> to vector<2x1xf32>
      %broadcast_in_dim3A_99 = vector.broadcast %broadcast_in_dim3A_98 : vector<2x1xf32> to vector<2x16xf32>
      %select_n3A_100 = arith.select %eq3A_90, %broadcast_in_dim3A_99, %select_n3A_97 : vector<2x16xi1>, vector<2x16xf32>
      %eq3A_101 = arith.constant 0 : i32
      %eq3A_102 = vector.broadcast %eq3A_101 : i32 to vector<2x16xi32>
      %eq3A_103 = arith.cmpi eq, %iota3A_24, %eq3A_102 : vector<2x16xi32>
      %eq3A_104 = arith.constant 1 : i32
      %eq3A_105 = vector.broadcast %eq3A_104 : i32 to vector<2x16xi32>
      %eq3A_106 = arith.cmpi eq, %iota3A_24, %eq3A_105 : vector<2x16xi32>
      %jit3A_107 = arith.constant 0 : i32
      %broadcast_in_dim3A_108 = vector.shape_cast %broadcast_in_dim3A_79 : vector<2x1xi32> to vector<2x1xi32>
      %broadcast_in_dim3A_109 = vector.broadcast %broadcast_in_dim3A_108 : vector<2x1xi32> to vector<2x16xi32>
      %broadcast_in_dim3A_110 = vector.broadcast %jit3A_107 : i32 to vector<2x16xi32>
      %select_n3A_111 = arith.select %eq3A_106, %broadcast_in_dim3A_109, %broadcast_in_dim3A_110 : vector<2x16xi1>, vector<2x16xi32>
      %broadcast_in_dim3A_112 = vector.shape_cast %broadcast_in_dim3A_63 : vector<2x1xi32> to vector<2x1xi32>
      %broadcast_in_dim3A_113 = vector.broadcast %broadcast_in_dim3A_112 : vector<2x1xi32> to vector<2x16xi32>
      %select_n3A_114 = arith.select %eq3A_103, %broadcast_in_dim3A_113, %select_n3A_111 : vector<2x16xi1>, vector<2x16xi32>
      %swap3A_115 = arith.constant 0 : index
      %swap3A_116 = arith.constant 0 : index
      %swap3A_117 = vector.load %arg6[%swap3A_115, %swap3A_116] : memref<2x16xi32, #tpu.memory_space<vmem>>, vector<2x16xi32>
      tpu.vector_store %arg6[%swap3A_115, %swap3A_116], %select_n3A_114 {strides = array<i32>} : memref<2x16xi32, #tpu.memory_space<vmem>>, vector<2x16xi32>,
      %reduce_sum3A_118 = arith.constant dense<0.000000e+00> : vector<16xf32>
      %reduce_sum3A_119 = vector.multi_reduction <add>, %select_n3A_100, %reduce_sum3A_118 [0] : vector<2x16xf32> to vector<16xf32>
      %gt3A = arith.constant 0.000000e+00 : f32
      %gt3A_120 = vector.broadcast %gt3A : f32 to vector<2x16xf32>
      %gt3A_121 = arith.cmpf ogt, %select_n3A_100, %gt3A_120 : vector<2x16xf32>
      %convert_element_type3A_122 = arith.extui %gt3A_121 : vector<2x16xi1> to vector<2x16xi32>
      %convert_element_type3A_123 = arith.sitofp %convert_element_type3A_122 : vector<2x16xi32> to vector<2x16xf32>
      %reduce_sum3A_124 = arith.constant dense<0.000000e+00> : vector<16xf32>
      %reduce_sum3A_125 = vector.multi_reduction <add>, %convert_element_type3A_123, %reduce_sum3A_124 [0] : vector<2x16xf32> to vector<16xf32>
      %reduce_sum3A_126 = vector.shape_cast %reduce_sum3A_119 : vector<16xf32> to vector<1x16xf32>
      %reduce_sum3A_127 = arith.constant dense<0.000000e+00> : vector<1xf32>
      %reduce_sum3A_128 = vector.multi_reduction <add>, %reduce_sum3A_126, %reduce_sum3A_127 [1] : vector<1x16xf32> to vector<1xf32>
      %reduce_sum3A_129 = vector.shape_cast %reduce_sum3A_128 : vector<1xf32> to vector<1x1xf32>
      %reduce_sum3A_130 = vector.extract %reduce_sum3A_129[0, 0] : f32 from vector<1x1xf32>
      %div3A_131 = arith.constant 8.000000e+00 : f32
      %div3A_132 = arith.divf %reduce_sum3A_130, %div3A_131 : f32
      %slice3A = vector.extract_strided_slice %iota3A_24 {offsets = [0, 0], sizes = [1, 16], strides = [1, 1]} : vector<2x16xi32> to vector<1x16xi32>
      %squeeze3A = vector.shape_cast %slice3A : vector<1x16xi32> to vector<16xi32>
      %lt3A = arith.constant 8 : i32
      %lt3A_133 = vector.broadcast %lt3A : i32 to vector<16xi32>
      %lt3A_134 = arith.cmpi slt, %squeeze3A, %lt3A_133 : vector<16xi32>
      %sub3A_135 = vector.broadcast %div3A_132 : f32 to vector<16xf32>
      %sub3A_136 = arith.subf %reduce_sum3A_119, %sub3A_135 : vector<16xf32>
      %jit3A_137 = arith.constant 0.000000e+00 : f32
      %broadcast_in_dim3A_138 = vector.broadcast %jit3A_137 : f32 to vector<16xf32>
      %select_n3A_139 = arith.select %lt3A_134, %sub3A_136, %broadcast_in_dim3A_138 : vector<16xi1>, vector<16xf32>
      %mul3A_140 = arith.mulf %select_n3A_139, %select_n3A_139 : vector<16xf32>
      %reduce_sum3A_141 = vector.shape_cast %mul3A_140 : vector<16xf32> to vector<1x16xf32>
      %reduce_sum3A_142 = arith.constant dense<0.000000e+00> : vector<1xf32>
      %reduce_sum3A_143 = vector.multi_reduction <add>, %reduce_sum3A_141, %reduce_sum3A_142 [1] : vector<1x16xf32> to vector<1xf32>
      %reduce_sum3A_144 = vector.shape_cast %reduce_sum3A_143 : vector<1xf32> to vector<1x1xf32>
      %reduce_sum3A_145 = vector.extract %reduce_sum3A_144[0, 0] : f32 from vector<1x1xf32>
      %div3A_146 = arith.constant 7.000000e+00 : f32
      %div3A_147 = arith.divf %reduce_sum3A_145, %div3A_146 : f32
      %mul3A_148 = arith.mulf %div3A_132, %div3A_132 : f32
      %add3A_149 = arith.constant 1.000000e-10 : f32
      %add3A_150 = arith.addf %mul3A_148, %add3A_149 : f32
      %div3A_151 = arith.divf %div3A_147, %add3A_150 : f32
      %reduce_sum3A_152 = vector.shape_cast %reduce_sum3A_125 : vector<16xf32> to vector<1x16xf32>
      %reduce_sum3A_153 = arith.constant dense<0.000000e+00> : vector<1xf32>
      %reduce_sum3A_154 = vector.multi_reduction <add>, %reduce_sum3A_152, %reduce_sum3A_153 [1] : vector<1x16xf32> to vector<1xf32>
      %reduce_sum3A_155 = vector.shape_cast %reduce_sum3A_154 : vector<1xf32> to vector<1x1xf32>
      %reduce_sum3A_156 = vector.extract %reduce_sum3A_155[0, 0] : f32 from vector<1x1xf32>
      %div3A_157 = arith.constant 8.000000e+00 : f32
      %div3A_158 = arith.divf %reduce_sum3A_156, %div3A_157 : f32
      %slice3A_159 = vector.extract_strided_slice %iota3A_24 {offsets = [0, 0], sizes = [1, 16], strides = [1, 1]} : vector<2x16xi32> to vector<1x16xi32>
      %squeeze3A_160 = vector.shape_cast %slice3A_159 : vector<1x16xi32> to vector<16xi32>
      %lt3A_161 = arith.constant 8 : i32
      %lt3A_162 = vector.broadcast %lt3A_161 : i32 to vector<16xi32>
      %lt3A_163 = arith.cmpi slt, %squeeze3A_160, %lt3A_162 : vector<16xi32>
      %sub3A_164 = vector.broadcast %div3A_158 : f32 to vector<16xf32>
      %sub3A_165 = arith.subf %reduce_sum3A_125, %sub3A_164 : vector<16xf32>
      %jit3A_166 = arith.constant 0.000000e+00 : f32
      %broadcast_in_dim3A_167 = vector.broadcast %jit3A_166 : f32 to vector<16xf32>
      %select_n3A_168 = arith.select %lt3A_163, %sub3A_165, %broadcast_in_dim3A_167 : vector<16xi1>, vector<16xf32>
      %mul3A_169 = arith.mulf %select_n3A_168, %select_n3A_168 : vector<16xf32>
      %reduce_sum3A_170 = vector.shape_cast %mul3A_169 : vector<16xf32> to vector<1x16xf32>
      %reduce_sum3A_171 = arith.constant dense<0.000000e+00> : vector<1xf32>
      %reduce_sum3A_172 = vector.multi_reduction <add>, %reduce_sum3A_170, %reduce_sum3A_171 [1] : vector<1x16xf32> to vector<1xf32>
      %reduce_sum3A_173 = vector.shape_cast %reduce_sum3A_172 : vector<1xf32> to vector<1x1xf32>
      %reduce_sum3A_174 = vector.extract %reduce_sum3A_173[0, 0] : f32 from vector<1x1xf32>
      %div3A_175 = arith.constant 7.000000e+00 : f32
      %div3A_176 = arith.divf %reduce_sum3A_174, %div3A_175 : f32
      %mul3A_177 = arith.mulf %div3A_158, %div3A_158 : f32
      %add3A_178 = arith.constant 1.000000e-10 : f32
      %add3A_179 = arith.addf %mul3A_177, %add3A_178 : f32
      %div3A_180 = arith.divf %div3A_176, %add3A_179 : f32
      %add3A_181 = arith.addf %div3A_151, %div3A_180 : f32
      %mul3A_182 = arith.constant 0.00999999977 : f32
      %mul3A_183 = arith.mulf %add3A_181, %mul3A_182 : f32
      %reshape3A_184 = vector.broadcast %mul3A_183 : f32 to vector<1x1xf32>
      %swap3A_185 = arith.constant 0 : index
      %swap3A_186 = arith.constant 0 : index
      %swap3A_187 = vector.load %arg7[%swap3A_185, %swap3A_186] : memref<1x1xf32, #tpu.memory_space<vmem>>, vector<1x1xf32>
      tpu.vector_store %arg7[%swap3A_185, %swap3A_186], %reshape3A_184 {strides = array<i32>} : memref<1x1xf32, #tpu.memory_space<vmem>>, vector<1x1xf32>,
    } else {
    }
    return
  }
  func.func @transform_0(%arg0: i32, %arg1: i32) -> (i32, i32, i32, i32) {
    %mul3A = arith.constant 32 : i32
    %mul3A_0 = arith.muli %arg1, %mul3A : i32
    %c0_i32 = arith.constant 0 : i32
    %c0_i32_1 = arith.constant 0 : i32
    %c0_i32_2 = arith.constant 0 : i32
    return %arg0, %mul3A_0, %c0_i32, %c0_i32_1 : i32, i32, i32, i32
  }
  func.func @transform_1(%arg0: i32, %arg1: i32) -> (i32, i32, i32) {
    %c0_i32 = arith.constant 0 : i32
    %c0_i32_0 = arith.constant 0 : i32
    %c0_i32_1 = arith.constant 0 : i32
    %c0_i32_2 = arith.constant 0 : i32
    return %c0_i32, %c0_i32_0, %c0_i32_1 : i32, i32, i32
  }
  func.func @transform_2(%arg0: i32, %arg1: i32) -> (i32, i32, i32) {
    %c0_i32 = arith.constant 0 : i32
    %c0_i32_0 = arith.constant 0 : i32
    %c0_i32_1 = arith.constant 0 : i32
    return %arg1, %c0_i32, %c0_i32_0 : i32, i32, i32
  }
  func.func @transform_3(%arg0: i32, %arg1: i32) -> (i32, i32) {
    %c0_i32 = arith.constant 0 : i32
    %c0_i32_0 = arith.constant 0 : i32
    %c0_i32_1 = arith.constant 0 : i32
    return %c0_i32, %c0_i32_0 : i32, i32
  }
  func.func @transform_4(%arg0: i32, %arg1: i32) -> (i32, i32) {
    %c0_i32 = arith.constant 0 : i32
    %c0_i32_0 = arith.constant 0 : i32
    %c0_i32_1 = arith.constant 0 : i32
    return %c0_i32, %c0_i32_0 : i32, i32
  }
  func.func @transform_5(%arg0: i32, %arg1: i32) -> (i32, i32) {
    %c0_i32 = arith.constant 0 : i32
    %c0_i32_0 = arith.constant 0 : i32
    %c0_i32_1 = arith.constant 0 : i32
    return %c0_i32, %c0_i32_0 : i32, i32
  }
}

module attributes {stable_mosaic.version = 14 : i64} {
  func.func @_expert_body(%arg0: i32, %arg1: i32, %arg2: memref<1x38x230x96xf32, #tpu.memory_space<vmem>>, %arg3: memref<2x16xi32, #tpu.memory_space<smem>>, %arg4: memref<8x7x7x96xf32, #tpu.memory_space<vmem>>, %arg5: memref<8x1x96xf32, #tpu.memory_space<vmem>>, %arg6: memref<7x7x96xf32, #tpu.memory_space<vmem>>, %arg7: memref<1x96xf32, #tpu.memory_space<vmem>>, %arg8: memref<1x32x224x96xf32, #tpu.memory_space<vmem>>, %arg9: memref<38x224x96xf32, #tpu.memory_space<vmem>>, %arg10: memref<32x224x96xf32, #tpu.memory_space<vmem>>, %arg11: memref<32x224x96xf32, #tpu.memory_space<vmem>>, %arg12: memref<32x224x96xf32, #tpu.memory_space<vmem>>) attributes {dimension_semantics = [#tpu.dimension_semantics<arbitrary>, #tpu.dimension_semantics<arbitrary>], iteration_bounds = array<i64: 2, 7>, scalar_prefetch = 0 : i64, scratch_operands = 4 : i64, tpu.core_type = #tpu.core_type<tc>, window_params = [{transform_indices = @transform_0, window_bounds = array<i64: 1, 38, 230, 96>, window_kind = #tpu.element_window<[0, 0, 0, 0], [0, 0, 0, 0]>}, {transform_indices = @transform_1, window_bounds = array<i64: 2, 16>}, {pipeline_mode = #tpu.pipeline_mode<synchronous>, transform_indices = @transform_2, window_bounds = array<i64: 8, 7, 7, 96>}, {pipeline_mode = #tpu.pipeline_mode<synchronous>, transform_indices = @transform_3, window_bounds = array<i64: 8, 1, 96>}, {pipeline_mode = #tpu.pipeline_mode<synchronous>, transform_indices = @transform_4, window_bounds = array<i64: 7, 7, 96>}, {pipeline_mode = #tpu.pipeline_mode<synchronous>, transform_indices = @transform_5, window_bounds = array<i64: 1, 96>}, {transform_indices = @transform_6, window_bounds = array<i64: 1, 32, 224, 96>}]} {
    %get3A = arith.index_cast %arg0 : i32 to index
    %get3A_0 = arith.constant 0 : index
    %get3A_1 = memref.load %arg3[%get3A, %get3A_0] : memref<2x16xi32, #tpu.memory_space<smem>>
    %get3A_2 = arith.index_cast %arg0 : i32 to index
    %get3A_3 = arith.constant 1 : index
    %get3A_4 = memref.load %arg3[%get3A_2, %get3A_3] : memref<2x16xi32, #tpu.memory_space<smem>>
    %broadcast_in_dim3A = arith.constant 0.000000e+00 : f32
    %broadcast_in_dim3A_5 = vector.broadcast %broadcast_in_dim3A : f32 to vector<32x224x96xf32>
    %swap3A = arith.constant 0 : index
    %swap3A_6 = arith.constant 0 : index
    %swap3A_7 = arith.constant 0 : index
    %swap3A_8 = vector.load %arg10[%swap3A, %swap3A_6, %swap3A_7] : memref<32x224x96xf32, #tpu.memory_space<vmem>>, vector<32x224x96xf32>
    tpu.vector_store %arg10[%swap3A, %swap3A_6, %swap3A_7], %broadcast_in_dim3A_5 {strides = array<i32>} : memref<32x224x96xf32, #tpu.memory_space<vmem>>, vector<32x224x96xf32>,
    %swap3A_9 = arith.constant 0 : index
    %swap3A_10 = arith.constant 0 : index
    %swap3A_11 = arith.constant 0 : index
    %swap3A_12 = vector.load %arg11[%swap3A_9, %swap3A_10, %swap3A_11] : memref<32x224x96xf32, #tpu.memory_space<vmem>>, vector<32x224x96xf32>
    tpu.vector_store %arg11[%swap3A_9, %swap3A_10, %swap3A_11], %broadcast_in_dim3A_5 {strides = array<i32>} : memref<32x224x96xf32, #tpu.memory_space<vmem>>, vector<32x224x96xf32>,
    %swap3A_13 = arith.constant 0 : index
    %swap3A_14 = arith.constant 0 : index
    %swap3A_15 = arith.constant 0 : index
    %swap3A_16 = vector.load %arg12[%swap3A_13, %swap3A_14, %swap3A_15] : memref<32x224x96xf32, #tpu.memory_space<vmem>>, vector<32x224x96xf32>
    tpu.vector_store %arg12[%swap3A_13, %swap3A_14, %swap3A_15], %broadcast_in_dim3A_5 {strides = array<i32>} : memref<32x224x96xf32, #tpu.memory_space<vmem>>, vector<32x224x96xf32>,
    %scan3A = arith.constant 0 : i32
    %scan3A_17 = arith.constant 7 : i32
    %scan3A_18 = arith.addi %scan3A, %scan3A_17 : i32
    %scan3A_19 = arith.constant 1 : i32
    scf.for %scan3A_68 = %scan3A to %scan3A_18 step %scan3A_19  : i32 {
      %get3A_69 = arith.constant 0 : index
      %get3A_70 = arith.constant 0 : index
      %get3A_71 = arith.index_cast %scan3A_68 : i32 to index
      %get3A_72 = arith.constant 0 : index
      %get3A_73 = vector.load %arg2[%get3A_69, %get3A_70, %get3A_71, %get3A_72] : memref<1x38x230x96xf32, #tpu.memory_space<vmem>>, vector<1x38x224x96xf32>
      %get3A_74 = vector.shape_cast %get3A_73 : vector<1x38x224x96xf32> to vector<38x224x96xf32>
      %swap3A_75 = arith.constant 0 : index
      %swap3A_76 = arith.constant 0 : index
      %swap3A_77 = arith.constant 0 : index
      %swap3A_78 = vector.load %arg9[%swap3A_75, %swap3A_76, %swap3A_77] : memref<38x224x96xf32, #tpu.memory_space<vmem>>, vector<38x224x96xf32>
      tpu.vector_store %arg9[%swap3A_75, %swap3A_76, %swap3A_77], %get3A_74 {strides = array<i32>} : memref<38x224x96xf32, #tpu.memory_space<vmem>>, vector<38x224x96xf32>,
      %get3A_79 = arith.index_cast %get3A_1 : i32 to index
      %get3A_80 = arith.index_cast %scan3A_68 : i32 to index
      %get3A_81 = arith.constant 0 : index
      %get3A_82 = arith.constant 0 : index
      %get3A_83 = vector.load %arg4[%get3A_79, %get3A_80, %get3A_81, %get3A_82] : memref<8x7x7x96xf32, #tpu.memory_space<vmem>>, vector<1x1x7x96xf32>
      %get3A_84 = vector.shape_cast %get3A_83 : vector<1x1x7x96xf32> to vector<7x96xf32>
      %get3A_85 = arith.index_cast %get3A_4 : i32 to index
      %get3A_86 = arith.index_cast %scan3A_68 : i32 to index
      %get3A_87 = arith.constant 0 : index
      %get3A_88 = arith.constant 0 : index
      %get3A_89 = vector.load %arg4[%get3A_85, %get3A_86, %get3A_87, %get3A_88] : memref<8x7x7x96xf32, #tpu.memory_space<vmem>>, vector<1x1x7x96xf32>
      %get3A_90 = vector.shape_cast %get3A_89 : vector<1x1x7x96xf32> to vector<7x96xf32>
      %get3A_91 = arith.index_cast %scan3A_68 : i32 to index
      %get3A_92 = arith.constant 0 : index
      %get3A_93 = arith.constant 0 : index
      %get3A_94 = vector.load %arg6[%get3A_91, %get3A_92, %get3A_93] : memref<7x7x96xf32, #tpu.memory_space<vmem>>, vector<1x7x96xf32>
      %get3A_95 = vector.shape_cast %get3A_94 : vector<1x7x96xf32> to vector<7x96xf32>
      %scan3A_96 = arith.constant 0 : i32
      %scan3A_97 = arith.constant 28 : i32
      %scan3A_98 = arith.addi %scan3A_96, %scan3A_97 : i32
      %scan3A_99 = arith.constant 2 : i32
      scf.for %scan3A_101 = %scan3A_96 to %scan3A_98 step %scan3A_99  : i32 {
        %mul3A = arith.constant 8 : i32
        %mul3A_102 = arith.muli %scan3A_101, %mul3A : i32
        %multiple_of3A = tpu.assume_multiple %mul3A_102, 8 : i32
        %scan3A_103 = arith.constant 0 : i32
        %mul3A_104 = arith.constant 8 : i32
        %mul3A_105 = arith.muli %scan3A_103, %mul3A_104 : i32
        %multiple_of3A_106 = tpu.assume_multiple %mul3A_105, 8 : i32
        %get3A_107 = arith.index_cast %multiple_of3A_106 : i32 to index
        %get3A_108 = arith.index_cast %multiple_of3A : i32 to index
        %get3A_109 = arith.constant 0 : index
        %get3A_110 = vector.load %arg9[%get3A_107, %get3A_108, %get3A_109] : memref<38x224x96xf32, #tpu.memory_space<vmem>>, vector<14x8x96xf32>
        %get3A_111 = arith.index_cast %multiple_of3A_106 : i32 to index
        %get3A_112 = arith.index_cast %multiple_of3A : i32 to index
        %get3A_113 = arith.constant 0 : index
        %get3A_114 = vector.load %arg10[%get3A_111, %get3A_112, %get3A_113] : memref<32x224x96xf32, #tpu.memory_space<vmem>>, vector<8x8x96xf32>
        %slice3A = vector.extract_strided_slice %get3A_110 {offsets = [0, 0, 0], sizes = [8, 8, 96], strides = [1, 1, 1]} : vector<14x8x96xf32> to vector<8x8x96xf32>
        %slice3A_115 = vector.extract_strided_slice %get3A_84 {offsets = [0, 0], sizes = [1, 96], strides = [1, 1]} : vector<7x96xf32> to vector<1x96xf32>
        %squeeze3A = vector.shape_cast %slice3A_115 : vector<1x96xf32> to vector<96xf32>
        %broadcast_in_dim3A_116 = vector.shape_cast %squeeze3A : vector<96xf32> to vector<1x1x96xf32>
        %mul3A_117 = vector.broadcast %broadcast_in_dim3A_116 : vector<1x1x96xf32> to vector<8x8x96xf32>
        %mul3A_118 = arith.mulf %slice3A, %mul3A_117 : vector<8x8x96xf32>
        %add3A_119 = arith.addf %get3A_114, %mul3A_118 : vector<8x8x96xf32>
        %slice3A_120 = vector.extract_strided_slice %get3A_110 {offsets = [1, 0, 0], sizes = [8, 8, 96], strides = [1, 1, 1]} : vector<14x8x96xf32> to vector<8x8x96xf32>
        %slice3A_121 = vector.extract_strided_slice %get3A_84 {offsets = [1, 0], sizes = [1, 96], strides = [1, 1]} : vector<7x96xf32> to vector<1x96xf32>
        %squeeze3A_122 = vector.shape_cast %slice3A_121 : vector<1x96xf32> to vector<96xf32>
        %broadcast_in_dim3A_123 = vector.shape_cast %squeeze3A_122 : vector<96xf32> to vector<1x1x96xf32>
        %mul3A_124 = vector.broadcast %broadcast_in_dim3A_123 : vector<1x1x96xf32> to vector<8x8x96xf32>
        %mul3A_125 = arith.mulf %slice3A_120, %mul3A_124 : vector<8x8x96xf32>
        %add3A_126 = arith.addf %add3A_119, %mul3A_125 : vector<8x8x96xf32>
        %slice3A_127 = vector.extract_strided_slice %get3A_110 {offsets = [2, 0, 0], sizes = [8, 8, 96], strides = [1, 1, 1]} : vector<14x8x96xf32> to vector<8x8x96xf32>
        %slice3A_128 = vector.extract_strided_slice %get3A_84 {offsets = [2, 0], sizes = [1, 96], strides = [1, 1]} : vector<7x96xf32> to vector<1x96xf32>
        %squeeze3A_129 = vector.shape_cast %slice3A_128 : vector<1x96xf32> to vector<96xf32>
        %broadcast_in_dim3A_130 = vector.shape_cast %squeeze3A_129 : vector<96xf32> to vector<1x1x96xf32>
        %mul3A_131 = vector.broadcast %broadcast_in_dim3A_130 : vector<1x1x96xf32> to vector<8x8x96xf32>
        %mul3A_132 = arith.mulf %slice3A_127, %mul3A_131 : vector<8x8x96xf32>
        %add3A_133 = arith.addf %add3A_126, %mul3A_132 : vector<8x8x96xf32>
        %slice3A_134 = vector.extract_strided_slice %get3A_110 {offsets = [3, 0, 0], sizes = [8, 8, 96], strides = [1, 1, 1]} : vector<14x8x96xf32> to vector<8x8x96xf32>
        %slice3A_135 = vector.extract_strided_slice %get3A_84 {offsets = [3, 0], sizes = [1, 96], strides = [1, 1]} : vector<7x96xf32> to vector<1x96xf32>
        %squeeze3A_136 = vector.shape_cast %slice3A_135 : vector<1x96xf32> to vector<96xf32>
        %broadcast_in_dim3A_137 = vector.shape_cast %squeeze3A_136 : vector<96xf32> to vector<1x1x96xf32>
        %mul3A_138 = vector.broadcast %broadcast_in_dim3A_137 : vector<1x1x96xf32> to vector<8x8x96xf32>
        %mul3A_139 = arith.mulf %slice3A_134, %mul3A_138 : vector<8x8x96xf32>
        %add3A_140 = arith.addf %add3A_133, %mul3A_139 : vector<8x8x96xf32>
        %slice3A_141 = vector.extract_strided_slice %get3A_110 {offsets = [4, 0, 0], sizes = [8, 8, 96], strides = [1, 1, 1]} : vector<14x8x96xf32> to vector<8x8x96xf32>
        %slice3A_142 = vector.extract_strided_slice %get3A_84 {offsets = [4, 0], sizes = [1, 96], strides = [1, 1]} : vector<7x96xf32> to vector<1x96xf32>
        %squeeze3A_143 = vector.shape_cast %slice3A_142 : vector<1x96xf32> to vector<96xf32>
        %broadcast_in_dim3A_144 = vector.shape_cast %squeeze3A_143 : vector<96xf32> to vector<1x1x96xf32>
        %mul3A_145 = vector.broadcast %broadcast_in_dim3A_144 : vector<1x1x96xf32> to vector<8x8x96xf32>
        %mul3A_146 = arith.mulf %slice3A_141, %mul3A_145 : vector<8x8x96xf32>
        %add3A_147 = arith.addf %add3A_140, %mul3A_146 : vector<8x8x96xf32>
        %slice3A_148 = vector.extract_strided_slice %get3A_110 {offsets = [5, 0, 0], sizes = [8, 8, 96], strides = [1, 1, 1]} : vector<14x8x96xf32> to vector<8x8x96xf32>
        %slice3A_149 = vector.extract_strided_slice %get3A_84 {offsets = [5, 0], sizes = [1, 96], strides = [1, 1]} : vector<7x96xf32> to vector<1x96xf32>
        %squeeze3A_150 = vector.shape_cast %slice3A_149 : vector<1x96xf32> to vector<96xf32>
        %broadcast_in_dim3A_151 = vector.shape_cast %squeeze3A_150 : vector<96xf32> to vector<1x1x96xf32>
        %mul3A_152 = vector.broadcast %broadcast_in_dim3A_151 : vector<1x1x96xf32> to vector<8x8x96xf32>
        %mul3A_153 = arith.mulf %slice3A_148, %mul3A_152 : vector<8x8x96xf32>
        %add3A_154 = arith.addf %add3A_147, %mul3A_153 : vector<8x8x96xf32>
        %slice3A_155 = vector.extract_strided_slice %get3A_110 {offsets = [6, 0, 0], sizes = [8, 8, 96], strides = [1, 1, 1]} : vector<14x8x96xf32> to vector<8x8x96xf32>
        %slice3A_156 = vector.extract_strided_slice %get3A_84 {offsets = [6, 0], sizes = [1, 96], strides = [1, 1]} : vector<7x96xf32> to vector<1x96xf32>
        %squeeze3A_157 = vector.shape_cast %slice3A_156 : vector<1x96xf32> to vector<96xf32>
        %broadcast_in_dim3A_158 = vector.shape_cast %squeeze3A_157 : vector<96xf32> to vector<1x1x96xf32>
        %mul3A_159 = vector.broadcast %broadcast_in_dim3A_158 : vector<1x1x96xf32> to vector<8x8x96xf32>
        %mul3A_160 = arith.mulf %slice3A_155, %mul3A_159 : vector<8x8x96xf32>
        %add3A_161 = arith.addf %add3A_154, %mul3A_160 : vector<8x8x96xf32>
        %swap3A_162 = arith.index_cast %multiple_of3A_106 : i32 to index
        %swap3A_163 = arith.index_cast %multiple_of3A : i32 to index
        %swap3A_164 = arith.constant 0 : index
        %swap3A_165 = vector.load %arg10[%swap3A_162, %swap3A_163, %swap3A_164] : memref<32x224x96xf32, #tpu.memory_space<vmem>>, vector<8x8x96xf32>
        tpu.vector_store %arg10[%swap3A_162, %swap3A_163, %swap3A_164], %add3A_161 {strides = array<i32>} : memref<32x224x96xf32, #tpu.memory_space<vmem>>, vector<8x8x96xf32>,
        %get3A_166 = arith.index_cast %multiple_of3A_106 : i32 to index
        %get3A_167 = arith.index_cast %multiple_of3A : i32 to index
        %get3A_168 = arith.constant 0 : index
        %get3A_169 = vector.load %arg11[%get3A_166, %get3A_167, %get3A_168] : memref<32x224x96xf32, #tpu.memory_space<vmem>>, vector<8x8x96xf32>
        %slice3A_170 = vector.extract_strided_slice %get3A_110 {offsets = [0, 0, 0], sizes = [8, 8, 96], strides = [1, 1, 1]} : vector<14x8x96xf32> to vector<8x8x96xf32>
        %slice3A_171 = vector.extract_strided_slice %get3A_90 {offsets = [0, 0], sizes = [1, 96], strides = [1, 1]} : vector<7x96xf32> to vector<1x96xf32>
        %squeeze3A_172 = vector.shape_cast %slice3A_171 : vector<1x96xf32> to vector<96xf32>
        %broadcast_in_dim3A_173 = vector.shape_cast %squeeze3A_172 : vector<96xf32> to vector<1x1x96xf32>
        %mul3A_174 = vector.broadcast %broadcast_in_dim3A_173 : vector<1x1x96xf32> to vector<8x8x96xf32>
        %mul3A_175 = arith.mulf %slice3A_170, %mul3A_174 : vector<8x8x96xf32>
        %add3A_176 = arith.addf %get3A_169, %mul3A_175 : vector<8x8x96xf32>
        %slice3A_177 = vector.extract_strided_slice %get3A_110 {offsets = [1, 0, 0], sizes = [8, 8, 96], strides = [1, 1, 1]} : vector<14x8x96xf32> to vector<8x8x96xf32>
        %slice3A_178 = vector.extract_strided_slice %get3A_90 {offsets = [1, 0], sizes = [1, 96], strides = [1, 1]} : vector<7x96xf32> to vector<1x96xf32>
        %squeeze3A_179 = vector.shape_cast %slice3A_178 : vector<1x96xf32> to vector<96xf32>
        %broadcast_in_dim3A_180 = vector.shape_cast %squeeze3A_179 : vector<96xf32> to vector<1x1x96xf32>
        %mul3A_181 = vector.broadcast %broadcast_in_dim3A_180 : vector<1x1x96xf32> to vector<8x8x96xf32>
        %mul3A_182 = arith.mulf %slice3A_177, %mul3A_181 : vector<8x8x96xf32>
        %add3A_183 = arith.addf %add3A_176, %mul3A_182 : vector<8x8x96xf32>
        %slice3A_184 = vector.extract_strided_slice %get3A_110 {offsets = [2, 0, 0], sizes = [8, 8, 96], strides = [1, 1, 1]} : vector<14x8x96xf32> to vector<8x8x96xf32>
        %slice3A_185 = vector.extract_strided_slice %get3A_90 {offsets = [2, 0], sizes = [1, 96], strides = [1, 1]} : vector<7x96xf32> to vector<1x96xf32>
        %squeeze3A_186 = vector.shape_cast %slice3A_185 : vector<1x96xf32> to vector<96xf32>
        %broadcast_in_dim3A_187 = vector.shape_cast %squeeze3A_186 : vector<96xf32> to vector<1x1x96xf32>
        %mul3A_188 = vector.broadcast %broadcast_in_dim3A_187 : vector<1x1x96xf32> to vector<8x8x96xf32>
        %mul3A_189 = arith.mulf %slice3A_184, %mul3A_188 : vector<8x8x96xf32>
        %add3A_190 = arith.addf %add3A_183, %mul3A_189 : vector<8x8x96xf32>
        %slice3A_191 = vector.extract_strided_slice %get3A_110 {offsets = [3, 0, 0], sizes = [8, 8, 96], strides = [1, 1, 1]} : vector<14x8x96xf32> to vector<8x8x96xf32>
        %slice3A_192 = vector.extract_strided_slice %get3A_90 {offsets = [3, 0], sizes = [1, 96], strides = [1, 1]} : vector<7x96xf32> to vector<1x96xf32>
        %squeeze3A_193 = vector.shape_cast %slice3A_192 : vector<1x96xf32> to vector<96xf32>
        %broadcast_in_dim3A_194 = vector.shape_cast %squeeze3A_193 : vector<96xf32> to vector<1x1x96xf32>
        %mul3A_195 = vector.broadcast %broadcast_in_dim3A_194 : vector<1x1x96xf32> to vector<8x8x96xf32>
        %mul3A_196 = arith.mulf %slice3A_191, %mul3A_195 : vector<8x8x96xf32>
        %add3A_197 = arith.addf %add3A_190, %mul3A_196 : vector<8x8x96xf32>
        %slice3A_198 = vector.extract_strided_slice %get3A_110 {offsets = [4, 0, 0], sizes = [8, 8, 96], strides = [1, 1, 1]} : vector<14x8x96xf32> to vector<8x8x96xf32>
        %slice3A_199 = vector.extract_strided_slice %get3A_90 {offsets = [4, 0], sizes = [1, 96], strides = [1, 1]} : vector<7x96xf32> to vector<1x96xf32>
        %squeeze3A_200 = vector.shape_cast %slice3A_199 : vector<1x96xf32> to vector<96xf32>
        %broadcast_in_dim3A_201 = vector.shape_cast %squeeze3A_200 : vector<96xf32> to vector<1x1x96xf32>
        %mul3A_202 = vector.broadcast %broadcast_in_dim3A_201 : vector<1x1x96xf32> to vector<8x8x96xf32>
        %mul3A_203 = arith.mulf %slice3A_198, %mul3A_202 : vector<8x8x96xf32>
        %add3A_204 = arith.addf %add3A_197, %mul3A_203 : vector<8x8x96xf32>
        %slice3A_205 = vector.extract_strided_slice %get3A_110 {offsets = [5, 0, 0], sizes = [8, 8, 96], strides = [1, 1, 1]} : vector<14x8x96xf32> to vector<8x8x96xf32>
        %slice3A_206 = vector.extract_strided_slice %get3A_90 {offsets = [5, 0], sizes = [1, 96], strides = [1, 1]} : vector<7x96xf32> to vector<1x96xf32>
        %squeeze3A_207 = vector.shape_cast %slice3A_206 : vector<1x96xf32> to vector<96xf32>
        %broadcast_in_dim3A_208 = vector.shape_cast %squeeze3A_207 : vector<96xf32> to vector<1x1x96xf32>
        %mul3A_209 = vector.broadcast %broadcast_in_dim3A_208 : vector<1x1x96xf32> to vector<8x8x96xf32>
        %mul3A_210 = arith.mulf %slice3A_205, %mul3A_209 : vector<8x8x96xf32>
        %add3A_211 = arith.addf %add3A_204, %mul3A_210 : vector<8x8x96xf32>
        %slice3A_212 = vector.extract_strided_slice %get3A_110 {offsets = [6, 0, 0], sizes = [8, 8, 96], strides = [1, 1, 1]} : vector<14x8x96xf32> to vector<8x8x96xf32>
        %slice3A_213 = vector.extract_strided_slice %get3A_90 {offsets = [6, 0], sizes = [1, 96], strides = [1, 1]} : vector<7x96xf32> to vector<1x96xf32>
        %squeeze3A_214 = vector.shape_cast %slice3A_213 : vector<1x96xf32> to vector<96xf32>
        %broadcast_in_dim3A_215 = vector.shape_cast %squeeze3A_214 : vector<96xf32> to vector<1x1x96xf32>
        %mul3A_216 = vector.broadcast %broadcast_in_dim3A_215 : vector<1x1x96xf32> to vector<8x8x96xf32>
        %mul3A_217 = arith.mulf %slice3A_212, %mul3A_216 : vector<8x8x96xf32>
        %add3A_218 = arith.addf %add3A_211, %mul3A_217 : vector<8x8x96xf32>
        %swap3A_219 = arith.index_cast %multiple_of3A_106 : i32 to index
        %swap3A_220 = arith.index_cast %multiple_of3A : i32 to index
        %swap3A_221 = arith.constant 0 : index
        %swap3A_222 = vector.load %arg11[%swap3A_219, %swap3A_220, %swap3A_221] : memref<32x224x96xf32, #tpu.memory_space<vmem>>, vector<8x8x96xf32>
        tpu.vector_store %arg11[%swap3A_219, %swap3A_220, %swap3A_221], %add3A_218 {strides = array<i32>} : memref<32x224x96xf32, #tpu.memory_space<vmem>>, vector<8x8x96xf32>,
        %get3A_223 = arith.index_cast %multiple_of3A_106 : i32 to index
        %get3A_224 = arith.index_cast %multiple_of3A : i32 to index
        %get3A_225 = arith.constant 0 : index
        %get3A_226 = vector.load %arg12[%get3A_223, %get3A_224, %get3A_225] : memref<32x224x96xf32, #tpu.memory_space<vmem>>, vector<8x8x96xf32>
        %slice3A_227 = vector.extract_strided_slice %get3A_110 {offsets = [0, 0, 0], sizes = [8, 8, 96], strides = [1, 1, 1]} : vector<14x8x96xf32> to vector<8x8x96xf32>
        %slice3A_228 = vector.extract_strided_slice %get3A_95 {offsets = [0, 0], sizes = [1, 96], strides = [1, 1]} : vector<7x96xf32> to vector<1x96xf32>
        %squeeze3A_229 = vector.shape_cast %slice3A_228 : vector<1x96xf32> to vector<96xf32>
        %broadcast_in_dim3A_230 = vector.shape_cast %squeeze3A_229 : vector<96xf32> to vector<1x1x96xf32>
        %mul3A_231 = vector.broadcast %broadcast_in_dim3A_230 : vector<1x1x96xf32> to vector<8x8x96xf32>
        %mul3A_232 = arith.mulf %slice3A_227, %mul3A_231 : vector<8x8x96xf32>
        %add3A_233 = arith.addf %get3A_226, %mul3A_232 : vector<8x8x96xf32>
        %slice3A_234 = vector.extract_strided_slice %get3A_110 {offsets = [1, 0, 0], sizes = [8, 8, 96], strides = [1, 1, 1]} : vector<14x8x96xf32> to vector<8x8x96xf32>
        %slice3A_235 = vector.extract_strided_slice %get3A_95 {offsets = [1, 0], sizes = [1, 96], strides = [1, 1]} : vector<7x96xf32> to vector<1x96xf32>
        %squeeze3A_236 = vector.shape_cast %slice3A_235 : vector<1x96xf32> to vector<96xf32>
        %broadcast_in_dim3A_237 = vector.shape_cast %squeeze3A_236 : vector<96xf32> to vector<1x1x96xf32>
        %mul3A_238 = vector.broadcast %broadcast_in_dim3A_237 : vector<1x1x96xf32> to vector<8x8x96xf32>
        %mul3A_239 = arith.mulf %slice3A_234, %mul3A_238 : vector<8x8x96xf32>
        %add3A_240 = arith.addf %add3A_233, %mul3A_239 : vector<8x8x96xf32>
        %slice3A_241 = vector.extract_strided_slice %get3A_110 {offsets = [2, 0, 0], sizes = [8, 8, 96], strides = [1, 1, 1]} : vector<14x8x96xf32> to vector<8x8x96xf32>
        %slice3A_242 = vector.extract_strided_slice %get3A_95 {offsets = [2, 0], sizes = [1, 96], strides = [1, 1]} : vector<7x96xf32> to vector<1x96xf32>
        %squeeze3A_243 = vector.shape_cast %slice3A_242 : vector<1x96xf32> to vector<96xf32>
        %broadcast_in_dim3A_244 = vector.shape_cast %squeeze3A_243 : vector<96xf32> to vector<1x1x96xf32>
        %mul3A_245 = vector.broadcast %broadcast_in_dim3A_244 : vector<1x1x96xf32> to vector<8x8x96xf32>
        %mul3A_246 = arith.mulf %slice3A_241, %mul3A_245 : vector<8x8x96xf32>
        %add3A_247 = arith.addf %add3A_240, %mul3A_246 : vector<8x8x96xf32>
        %slice3A_248 = vector.extract_strided_slice %get3A_110 {offsets = [3, 0, 0], sizes = [8, 8, 96], strides = [1, 1, 1]} : vector<14x8x96xf32> to vector<8x8x96xf32>
        %slice3A_249 = vector.extract_strided_slice %get3A_95 {offsets = [3, 0], sizes = [1, 96], strides = [1, 1]} : vector<7x96xf32> to vector<1x96xf32>
        %squeeze3A_250 = vector.shape_cast %slice3A_249 : vector<1x96xf32> to vector<96xf32>
        %broadcast_in_dim3A_251 = vector.shape_cast %squeeze3A_250 : vector<96xf32> to vector<1x1x96xf32>
        %mul3A_252 = vector.broadcast %broadcast_in_dim3A_251 : vector<1x1x96xf32> to vector<8x8x96xf32>
        %mul3A_253 = arith.mulf %slice3A_248, %mul3A_252 : vector<8x8x96xf32>
        %add3A_254 = arith.addf %add3A_247, %mul3A_253 : vector<8x8x96xf32>
        %slice3A_255 = vector.extract_strided_slice %get3A_110 {offsets = [4, 0, 0], sizes = [8, 8, 96], strides = [1, 1, 1]} : vector<14x8x96xf32> to vector<8x8x96xf32>
        %slice3A_256 = vector.extract_strided_slice %get3A_95 {offsets = [4, 0], sizes = [1, 96], strides = [1, 1]} : vector<7x96xf32> to vector<1x96xf32>
        %squeeze3A_257 = vector.shape_cast %slice3A_256 : vector<1x96xf32> to vector<96xf32>
        %broadcast_in_dim3A_258 = vector.shape_cast %squeeze3A_257 : vector<96xf32> to vector<1x1x96xf32>
        %mul3A_259 = vector.broadcast %broadcast_in_dim3A_258 : vector<1x1x96xf32> to vector<8x8x96xf32>
        %mul3A_260 = arith.mulf %slice3A_255, %mul3A_259 : vector<8x8x96xf32>
        %add3A_261 = arith.addf %add3A_254, %mul3A_260 : vector<8x8x96xf32>
        %slice3A_262 = vector.extract_strided_slice %get3A_110 {offsets = [5, 0, 0], sizes = [8, 8, 96], strides = [1, 1, 1]} : vector<14x8x96xf32> to vector<8x8x96xf32>
        %slice3A_263 = vector.extract_strided_slice %get3A_95 {offsets = [5, 0], sizes = [1, 96], strides = [1, 1]} : vector<7x96xf32> to vector<1x96xf32>
        %squeeze3A_264 = vector.shape_cast %slice3A_263 : vector<1x96xf32> to vector<96xf32>
        %broadcast_in_dim3A_265 = vector.shape_cast %squeeze3A_264 : vector<96xf32> to vector<1x1x96xf32>
        %mul3A_266 = vector.broadcast %broadcast_in_dim3A_265 : vector<1x1x96xf32> to vector<8x8x96xf32>
        %mul3A_267 = arith.mulf %slice3A_262, %mul3A_266 : vector<8x8x96xf32>
        %add3A_268 = arith.addf %add3A_261, %mul3A_267 : vector<8x8x96xf32>
        %slice3A_269 = vector.extract_strided_slice %get3A_110 {offsets = [6, 0, 0], sizes = [8, 8, 96], strides = [1, 1, 1]} : vector<14x8x96xf32> to vector<8x8x96xf32>
        %slice3A_270 = vector.extract_strided_slice %get3A_95 {offsets = [6, 0], sizes = [1, 96], strides = [1, 1]} : vector<7x96xf32> to vector<1x96xf32>
        %squeeze3A_271 = vector.shape_cast %slice3A_270 : vector<1x96xf32> to vector<96xf32>
        %broadcast_in_dim3A_272 = vector.shape_cast %squeeze3A_271 : vector<96xf32> to vector<1x1x96xf32>
        %mul3A_273 = vector.broadcast %broadcast_in_dim3A_272 : vector<1x1x96xf32> to vector<8x8x96xf32>
        %mul3A_274 = arith.mulf %slice3A_269, %mul3A_273 : vector<8x8x96xf32>
        %add3A_275 = arith.addf %add3A_268, %mul3A_274 : vector<8x8x96xf32>
        %swap3A_276 = arith.index_cast %multiple_of3A_106 : i32 to index
        %swap3A_277 = arith.index_cast %multiple_of3A : i32 to index
        %swap3A_278 = arith.constant 0 : index
        %swap3A_279 = vector.load %arg12[%swap3A_276, %swap3A_277, %swap3A_278] : memref<32x224x96xf32, #tpu.memory_space<vmem>>, vector<8x8x96xf32>
        tpu.vector_store %arg12[%swap3A_276, %swap3A_277, %swap3A_278], %add3A_275 {strides = array<i32>} : memref<32x224x96xf32, #tpu.memory_space<vmem>>, vector<8x8x96xf32>,
        %scan3A_280 = arith.constant 1 : i32
        %mul3A_281 = arith.constant 8 : i32
        %mul3A_282 = arith.muli %scan3A_280, %mul3A_281 : i32
        %multiple_of3A_283 = tpu.assume_multiple %mul3A_282, 8 : i32
        %get3A_284 = arith.index_cast %multiple_of3A_283 : i32 to index
        %get3A_285 = arith.index_cast %multiple_of3A : i32 to index
        %get3A_286 = arith.constant 0 : index
        %get3A_287 = vector.load %arg9[%get3A_284, %get3A_285, %get3A_286] : memref<38x224x96xf32, #tpu.memory_space<vmem>>, vector<14x8x96xf32>
        %get3A_288 = arith.index_cast %multiple_of3A_283 : i32 to index
        %get3A_289 = arith.index_cast %multiple_of3A : i32 to index
        %get3A_290 = arith.constant 0 : index
        %get3A_291 = vector.load %arg10[%get3A_288, %get3A_289, %get3A_290] : memref<32x224x96xf32, #tpu.memory_space<vmem>>, vector<8x8x96xf32>
        %slice3A_292 = vector.extract_strided_slice %get3A_287 {offsets = [0, 0, 0], sizes = [8, 8, 96], strides = [1, 1, 1]} : vector<14x8x96xf32> to vector<8x8x96xf32>
        %slice3A_293 = vector.extract_strided_slice %get3A_84 {offsets = [0, 0], sizes = [1, 96], strides = [1, 1]} : vector<7x96xf32> to vector<1x96xf32>
        %squeeze3A_294 = vector.shape_cast %slice3A_293 : vector<1x96xf32> to vector<96xf32>
        %broadcast_in_dim3A_295 = vector.shape_cast %squeeze3A_294 : vector<96xf32> to vector<1x1x96xf32>
        %mul3A_296 = vector.broadcast %broadcast_in_dim3A_295 : vector<1x1x96xf32> to vector<8x8x96xf32>
        %mul3A_297 = arith.mulf %slice3A_292, %mul3A_296 : vector<8x8x96xf32>
        %add3A_298 = arith.addf %get3A_291, %mul3A_297 : vector<8x8x96xf32>
        %slice3A_299 = vector.extract_strided_slice %get3A_287 {offsets = [1, 0, 0], sizes = [8, 8, 96], strides = [1, 1, 1]} : vector<14x8x96xf32> to vector<8x8x96xf32>
        %slice3A_300 = vector.extract_strided_slice %get3A_84 {offsets = [1, 0], sizes = [1, 96], strides = [1, 1]} : vector<7x96xf32> to vector<1x96xf32>
        %squeeze3A_301 = vector.shape_cast %slice3A_300 : vector<1x96xf32> to vector<96xf32>
        %broadcast_in_dim3A_302 = vector.shape_cast %squeeze3A_301 : vector<96xf32> to vector<1x1x96xf32>
        %mul3A_303 = vector.broadcast %broadcast_in_dim3A_302 : vector<1x1x96xf32> to vector<8x8x96xf32>
        %mul3A_304 = arith.mulf %slice3A_299, %mul3A_303 : vector<8x8x96xf32>
        %add3A_305 = arith.addf %add3A_298, %mul3A_304 : vector<8x8x96xf32>
        %slice3A_306 = vector.extract_strided_slice %get3A_287 {offsets = [2, 0, 0], sizes = [8, 8, 96], strides = [1, 1, 1]} : vector<14x8x96xf32> to vector<8x8x96xf32>
        %slice3A_307 = vector.extract_strided_slice %get3A_84 {offsets = [2, 0], sizes = [1, 96], strides = [1, 1]} : vector<7x96xf32> to vector<1x96xf32>
        %squeeze3A_308 = vector.shape_cast %slice3A_307 : vector<1x96xf32> to vector<96xf32>
        %broadcast_in_dim3A_309 = vector.shape_cast %squeeze3A_308 : vector<96xf32> to vector<1x1x96xf32>
        %mul3A_310 = vector.broadcast %broadcast_in_dim3A_309 : vector<1x1x96xf32> to vector<8x8x96xf32>
        %mul3A_311 = arith.mulf %slice3A_306, %mul3A_310 : vector<8x8x96xf32>
        %add3A_312 = arith.addf %add3A_305, %mul3A_311 : vector<8x8x96xf32>
        %slice3A_313 = vector.extract_strided_slice %get3A_287 {offsets = [3, 0, 0], sizes = [8, 8, 96], strides = [1, 1, 1]} : vector<14x8x96xf32> to vector<8x8x96xf32>
        %slice3A_314 = vector.extract_strided_slice %get3A_84 {offsets = [3, 0], sizes = [1, 96], strides = [1, 1]} : vector<7x96xf32> to vector<1x96xf32>
        %squeeze3A_315 = vector.shape_cast %slice3A_314 : vector<1x96xf32> to vector<96xf32>
        %broadcast_in_dim3A_316 = vector.shape_cast %squeeze3A_315 : vector<96xf32> to vector<1x1x96xf32>
        %mul3A_317 = vector.broadcast %broadcast_in_dim3A_316 : vector<1x1x96xf32> to vector<8x8x96xf32>
        %mul3A_318 = arith.mulf %slice3A_313, %mul3A_317 : vector<8x8x96xf32>
        %add3A_319 = arith.addf %add3A_312, %mul3A_318 : vector<8x8x96xf32>
        %slice3A_320 = vector.extract_strided_slice %get3A_287 {offsets = [4, 0, 0], sizes = [8, 8, 96], strides = [1, 1, 1]} : vector<14x8x96xf32> to vector<8x8x96xf32>
        %slice3A_321 = vector.extract_strided_slice %get3A_84 {offsets = [4, 0], sizes = [1, 96], strides = [1, 1]} : vector<7x96xf32> to vector<1x96xf32>
        %squeeze3A_322 = vector.shape_cast %slice3A_321 : vector<1x96xf32> to vector<96xf32>
        %broadcast_in_dim3A_323 = vector.shape_cast %squeeze3A_322 : vector<96xf32> to vector<1x1x96xf32>
        %mul3A_324 = vector.broadcast %broadcast_in_dim3A_323 : vector<1x1x96xf32> to vector<8x8x96xf32>
        %mul3A_325 = arith.mulf %slice3A_320, %mul3A_324 : vector<8x8x96xf32>
        %add3A_326 = arith.addf %add3A_319, %mul3A_325 : vector<8x8x96xf32>
        %slice3A_327 = vector.extract_strided_slice %get3A_287 {offsets = [5, 0, 0], sizes = [8, 8, 96], strides = [1, 1, 1]} : vector<14x8x96xf32> to vector<8x8x96xf32>
        %slice3A_328 = vector.extract_strided_slice %get3A_84 {offsets = [5, 0], sizes = [1, 96], strides = [1, 1]} : vector<7x96xf32> to vector<1x96xf32>
        %squeeze3A_329 = vector.shape_cast %slice3A_328 : vector<1x96xf32> to vector<96xf32>
        %broadcast_in_dim3A_330 = vector.shape_cast %squeeze3A_329 : vector<96xf32> to vector<1x1x96xf32>
        %mul3A_331 = vector.broadcast %broadcast_in_dim3A_330 : vector<1x1x96xf32> to vector<8x8x96xf32>
        %mul3A_332 = arith.mulf %slice3A_327, %mul3A_331 : vector<8x8x96xf32>
        %add3A_333 = arith.addf %add3A_326, %mul3A_332 : vector<8x8x96xf32>
        %slice3A_334 = vector.extract_strided_slice %get3A_287 {offsets = [6, 0, 0], sizes = [8, 8, 96], strides = [1, 1, 1]} : vector<14x8x96xf32> to vector<8x8x96xf32>
        %slice3A_335 = vector.extract_strided_slice %get3A_84 {offsets = [6, 0], sizes = [1, 96], strides = [1, 1]} : vector<7x96xf32> to vector<1x96xf32>
        %squeeze3A_336 = vector.shape_cast %slice3A_335 : vector<1x96xf32> to vector<96xf32>
        %broadcast_in_dim3A_337 = vector.shape_cast %squeeze3A_336 : vector<96xf32> to vector<1x1x96xf32>
        %mul3A_338 = vector.broadcast %broadcast_in_dim3A_337 : vector<1x1x96xf32> to vector<8x8x96xf32>
        %mul3A_339 = arith.mulf %slice3A_334, %mul3A_338 : vector<8x8x96xf32>
        %add3A_340 = arith.addf %add3A_333, %mul3A_339 : vector<8x8x96xf32>
        %swap3A_341 = arith.index_cast %multiple_of3A_283 : i32 to index
        %swap3A_342 = arith.index_cast %multiple_of3A : i32 to index
        %swap3A_343 = arith.constant 0 : index
        %swap3A_344 = vector.load %arg10[%swap3A_341, %swap3A_342, %swap3A_343] : memref<32x224x96xf32, #tpu.memory_space<vmem>>, vector<8x8x96xf32>
        tpu.vector_store %arg10[%swap3A_341, %swap3A_342, %swap3A_343], %add3A_340 {strides = array<i32>} : memref<32x224x96xf32, #tpu.memory_space<vmem>>, vector<8x8x96xf32>,
        %get3A_345 = arith.index_cast %multiple_of3A_283 : i32 to index
        %get3A_346 = arith.index_cast %multiple_of3A : i32 to index
        %get3A_347 = arith.constant 0 : index
        %get3A_348 = vector.load %arg11[%get3A_345, %get3A_346, %get3A_347] : memref<32x224x96xf32, #tpu.memory_space<vmem>>, vector<8x8x96xf32>
        %slice3A_349 = vector.extract_strided_slice %get3A_287 {offsets = [0, 0, 0], sizes = [8, 8, 96], strides = [1, 1, 1]} : vector<14x8x96xf32> to vector<8x8x96xf32>
        %slice3A_350 = vector.extract_strided_slice %get3A_90 {offsets = [0, 0], sizes = [1, 96], strides = [1, 1]} : vector<7x96xf32> to vector<1x96xf32>
        %squeeze3A_351 = vector.shape_cast %slice3A_350 : vector<1x96xf32> to vector<96xf32>
        %broadcast_in_dim3A_352 = vector.shape_cast %squeeze3A_351 : vector<96xf32> to vector<1x1x96xf32>
        %mul3A_353 = vector.broadcast %broadcast_in_dim3A_352 : vector<1x1x96xf32> to vector<8x8x96xf32>
        %mul3A_354 = arith.mulf %slice3A_349, %mul3A_353 : vector<8x8x96xf32>
        %add3A_355 = arith.addf %get3A_348, %mul3A_354 : vector<8x8x96xf32>
        %slice3A_356 = vector.extract_strided_slice %get3A_287 {offsets = [1, 0, 0], sizes = [8, 8, 96], strides = [1, 1, 1]} : vector<14x8x96xf32> to vector<8x8x96xf32>
        %slice3A_357 = vector.extract_strided_slice %get3A_90 {offsets = [1, 0], sizes = [1, 96], strides = [1, 1]} : vector<7x96xf32> to vector<1x96xf32>
        %squeeze3A_358 = vector.shape_cast %slice3A_357 : vector<1x96xf32> to vector<96xf32>
        %broadcast_in_dim3A_359 = vector.shape_cast %squeeze3A_358 : vector<96xf32> to vector<1x1x96xf32>
        %mul3A_360 = vector.broadcast %broadcast_in_dim3A_359 : vector<1x1x96xf32> to vector<8x8x96xf32>
        %mul3A_361 = arith.mulf %slice3A_356, %mul3A_360 : vector<8x8x96xf32>
        %add3A_362 = arith.addf %add3A_355, %mul3A_361 : vector<8x8x96xf32>
        %slice3A_363 = vector.extract_strided_slice %get3A_287 {offsets = [2, 0, 0], sizes = [8, 8, 96], strides = [1, 1, 1]} : vector<14x8x96xf32> to vector<8x8x96xf32>
        %slice3A_364 = vector.extract_strided_slice %get3A_90 {offsets = [2, 0], sizes = [1, 96], strides = [1, 1]} : vector<7x96xf32> to vector<1x96xf32>
        %squeeze3A_365 = vector.shape_cast %slice3A_364 : vector<1x96xf32> to vector<96xf32>
        %broadcast_in_dim3A_366 = vector.shape_cast %squeeze3A_365 : vector<96xf32> to vector<1x1x96xf32>
        %mul3A_367 = vector.broadcast %broadcast_in_dim3A_366 : vector<1x1x96xf32> to vector<8x8x96xf32>
        %mul3A_368 = arith.mulf %slice3A_363, %mul3A_367 : vector<8x8x96xf32>
        %add3A_369 = arith.addf %add3A_362, %mul3A_368 : vector<8x8x96xf32>
        %slice3A_370 = vector.extract_strided_slice %get3A_287 {offsets = [3, 0, 0], sizes = [8, 8, 96], strides = [1, 1, 1]} : vector<14x8x96xf32> to vector<8x8x96xf32>
        %slice3A_371 = vector.extract_strided_slice %get3A_90 {offsets = [3, 0], sizes = [1, 96], strides = [1, 1]} : vector<7x96xf32> to vector<1x96xf32>
        %squeeze3A_372 = vector.shape_cast %slice3A_371 : vector<1x96xf32> to vector<96xf32>
        %broadcast_in_dim3A_373 = vector.shape_cast %squeeze3A_372 : vector<96xf32> to vector<1x1x96xf32>
        %mul3A_374 = vector.broadcast %broadcast_in_dim3A_373 : vector<1x1x96xf32> to vector<8x8x96xf32>
        %mul3A_375 = arith.mulf %slice3A_370, %mul3A_374 : vector<8x8x96xf32>
        %add3A_376 = arith.addf %add3A_369, %mul3A_375 : vector<8x8x96xf32>
        %slice3A_377 = vector.extract_strided_slice %get3A_287 {offsets = [4, 0, 0], sizes = [8, 8, 96], strides = [1, 1, 1]} : vector<14x8x96xf32> to vector<8x8x96xf32>
        %slice3A_378 = vector.extract_strided_slice %get3A_90 {offsets = [4, 0], sizes = [1, 96], strides = [1, 1]} : vector<7x96xf32> to vector<1x96xf32>
        %squeeze3A_379 = vector.shape_cast %slice3A_378 : vector<1x96xf32> to vector<96xf32>
        %broadcast_in_dim3A_380 = vector.shape_cast %squeeze3A_379 : vector<96xf32> to vector<1x1x96xf32>
        %mul3A_381 = vector.broadcast %broadcast_in_dim3A_380 : vector<1x1x96xf32> to vector<8x8x96xf32>
        %mul3A_382 = arith.mulf %slice3A_377, %mul3A_381 : vector<8x8x96xf32>
        %add3A_383 = arith.addf %add3A_376, %mul3A_382 : vector<8x8x96xf32>
        %slice3A_384 = vector.extract_strided_slice %get3A_287 {offsets = [5, 0, 0], sizes = [8, 8, 96], strides = [1, 1, 1]} : vector<14x8x96xf32> to vector<8x8x96xf32>
        %slice3A_385 = vector.extract_strided_slice %get3A_90 {offsets = [5, 0], sizes = [1, 96], strides = [1, 1]} : vector<7x96xf32> to vector<1x96xf32>
        %squeeze3A_386 = vector.shape_cast %slice3A_385 : vector<1x96xf32> to vector<96xf32>
        %broadcast_in_dim3A_387 = vector.shape_cast %squeeze3A_386 : vector<96xf32> to vector<1x1x96xf32>
        %mul3A_388 = vector.broadcast %broadcast_in_dim3A_387 : vector<1x1x96xf32> to vector<8x8x96xf32>
        %mul3A_389 = arith.mulf %slice3A_384, %mul3A_388 : vector<8x8x96xf32>
        %add3A_390 = arith.addf %add3A_383, %mul3A_389 : vector<8x8x96xf32>
        %slice3A_391 = vector.extract_strided_slice %get3A_287 {offsets = [6, 0, 0], sizes = [8, 8, 96], strides = [1, 1, 1]} : vector<14x8x96xf32> to vector<8x8x96xf32>
        %slice3A_392 = vector.extract_strided_slice %get3A_90 {offsets = [6, 0], sizes = [1, 96], strides = [1, 1]} : vector<7x96xf32> to vector<1x96xf32>
        %squeeze3A_393 = vector.shape_cast %slice3A_392 : vector<1x96xf32> to vector<96xf32>
        %broadcast_in_dim3A_394 = vector.shape_cast %squeeze3A_393 : vector<96xf32> to vector<1x1x96xf32>
        %mul3A_395 = vector.broadcast %broadcast_in_dim3A_394 : vector<1x1x96xf32> to vector<8x8x96xf32>
        %mul3A_396 = arith.mulf %slice3A_391, %mul3A_395 : vector<8x8x96xf32>
        %add3A_397 = arith.addf %add3A_390, %mul3A_396 : vector<8x8x96xf32>
        %swap3A_398 = arith.index_cast %multiple_of3A_283 : i32 to index
        %swap3A_399 = arith.index_cast %multiple_of3A : i32 to index
        %swap3A_400 = arith.constant 0 : index
        %swap3A_401 = vector.load %arg11[%swap3A_398, %swap3A_399, %swap3A_400] : memref<32x224x96xf32, #tpu.memory_space<vmem>>, vector<8x8x96xf32>
        tpu.vector_store %arg11[%swap3A_398, %swap3A_399, %swap3A_400], %add3A_397 {strides = array<i32>} : memref<32x224x96xf32, #tpu.memory_space<vmem>>, vector<8x8x96xf32>,
        %get3A_402 = arith.index_cast %multiple_of3A_283 : i32 to index
        %get3A_403 = arith.index_cast %multiple_of3A : i32 to index
        %get3A_404 = arith.constant 0 : index
        %get3A_405 = vector.load %arg12[%get3A_402, %get3A_403, %get3A_404] : memref<32x224x96xf32, #tpu.memory_space<vmem>>, vector<8x8x96xf32>
        %slice3A_406 = vector.extract_strided_slice %get3A_287 {offsets = [0, 0, 0], sizes = [8, 8, 96], strides = [1, 1, 1]} : vector<14x8x96xf32> to vector<8x8x96xf32>
        %slice3A_407 = vector.extract_strided_slice %get3A_95 {offsets = [0, 0], sizes = [1, 96], strides = [1, 1]} : vector<7x96xf32> to vector<1x96xf32>
        %squeeze3A_408 = vector.shape_cast %slice3A_407 : vector<1x96xf32> to vector<96xf32>
        %broadcast_in_dim3A_409 = vector.shape_cast %squeeze3A_408 : vector<96xf32> to vector<1x1x96xf32>
        %mul3A_410 = vector.broadcast %broadcast_in_dim3A_409 : vector<1x1x96xf32> to vector<8x8x96xf32>
        %mul3A_411 = arith.mulf %slice3A_406, %mul3A_410 : vector<8x8x96xf32>
        %add3A_412 = arith.addf %get3A_405, %mul3A_411 : vector<8x8x96xf32>
        %slice3A_413 = vector.extract_strided_slice %get3A_287 {offsets = [1, 0, 0], sizes = [8, 8, 96], strides = [1, 1, 1]} : vector<14x8x96xf32> to vector<8x8x96xf32>
        %slice3A_414 = vector.extract_strided_slice %get3A_95 {offsets = [1, 0], sizes = [1, 96], strides = [1, 1]} : vector<7x96xf32> to vector<1x96xf32>
        %squeeze3A_415 = vector.shape_cast %slice3A_414 : vector<1x96xf32> to vector<96xf32>
        %broadcast_in_dim3A_416 = vector.shape_cast %squeeze3A_415 : vector<96xf32> to vector<1x1x96xf32>
        %mul3A_417 = vector.broadcast %broadcast_in_dim3A_416 : vector<1x1x96xf32> to vector<8x8x96xf32>
        %mul3A_418 = arith.mulf %slice3A_413, %mul3A_417 : vector<8x8x96xf32>
        %add3A_419 = arith.addf %add3A_412, %mul3A_418 : vector<8x8x96xf32>
        %slice3A_420 = vector.extract_strided_slice %get3A_287 {offsets = [2, 0, 0], sizes = [8, 8, 96], strides = [1, 1, 1]} : vector<14x8x96xf32> to vector<8x8x96xf32>
        %slice3A_421 = vector.extract_strided_slice %get3A_95 {offsets = [2, 0], sizes = [1, 96], strides = [1, 1]} : vector<7x96xf32> to vector<1x96xf32>
        %squeeze3A_422 = vector.shape_cast %slice3A_421 : vector<1x96xf32> to vector<96xf32>
        %broadcast_in_dim3A_423 = vector.shape_cast %squeeze3A_422 : vector<96xf32> to vector<1x1x96xf32>
        %mul3A_424 = vector.broadcast %broadcast_in_dim3A_423 : vector<1x1x96xf32> to vector<8x8x96xf32>
        %mul3A_425 = arith.mulf %slice3A_420, %mul3A_424 : vector<8x8x96xf32>
        %add3A_426 = arith.addf %add3A_419, %mul3A_425 : vector<8x8x96xf32>
        %slice3A_427 = vector.extract_strided_slice %get3A_287 {offsets = [3, 0, 0], sizes = [8, 8, 96], strides = [1, 1, 1]} : vector<14x8x96xf32> to vector<8x8x96xf32>
        %slice3A_428 = vector.extract_strided_slice %get3A_95 {offsets = [3, 0], sizes = [1, 96], strides = [1, 1]} : vector<7x96xf32> to vector<1x96xf32>
        %squeeze3A_429 = vector.shape_cast %slice3A_428 : vector<1x96xf32> to vector<96xf32>
        %broadcast_in_dim3A_430 = vector.shape_cast %squeeze3A_429 : vector<96xf32> to vector<1x1x96xf32>
        %mul3A_431 = vector.broadcast %broadcast_in_dim3A_430 : vector<1x1x96xf32> to vector<8x8x96xf32>
        %mul3A_432 = arith.mulf %slice3A_427, %mul3A_431 : vector<8x8x96xf32>
        %add3A_433 = arith.addf %add3A_426, %mul3A_432 : vector<8x8x96xf32>
        %slice3A_434 = vector.extract_strided_slice %get3A_287 {offsets = [4, 0, 0], sizes = [8, 8, 96], strides = [1, 1, 1]} : vector<14x8x96xf32> to vector<8x8x96xf32>
        %slice3A_435 = vector.extract_strided_slice %get3A_95 {offsets = [4, 0], sizes = [1, 96], strides = [1, 1]} : vector<7x96xf32> to vector<1x96xf32>
        %squeeze3A_436 = vector.shape_cast %slice3A_435 : vector<1x96xf32> to vector<96xf32>
        %broadcast_in_dim3A_437 = vector.shape_cast %squeeze3A_436 : vector<96xf32> to vector<1x1x96xf32>
        %mul3A_438 = vector.broadcast %broadcast_in_dim3A_437 : vector<1x1x96xf32> to vector<8x8x96xf32>
        %mul3A_439 = arith.mulf %slice3A_434, %mul3A_438 : vector<8x8x96xf32>
        %add3A_440 = arith.addf %add3A_433, %mul3A_439 : vector<8x8x96xf32>
        %slice3A_441 = vector.extract_strided_slice %get3A_287 {offsets = [5, 0, 0], sizes = [8, 8, 96], strides = [1, 1, 1]} : vector<14x8x96xf32> to vector<8x8x96xf32>
        %slice3A_442 = vector.extract_strided_slice %get3A_95 {offsets = [5, 0], sizes = [1, 96], strides = [1, 1]} : vector<7x96xf32> to vector<1x96xf32>
        %squeeze3A_443 = vector.shape_cast %slice3A_442 : vector<1x96xf32> to vector<96xf32>
        %broadcast_in_dim3A_444 = vector.shape_cast %squeeze3A_443 : vector<96xf32> to vector<1x1x96xf32>
        %mul3A_445 = vector.broadcast %broadcast_in_dim3A_444 : vector<1x1x96xf32> to vector<8x8x96xf32>
        %mul3A_446 = arith.mulf %slice3A_441, %mul3A_445 : vector<8x8x96xf32>
        %add3A_447 = arith.addf %add3A_440, %mul3A_446 : vector<8x8x96xf32>
        %slice3A_448 = vector.extract_strided_slice %get3A_287 {offsets = [6, 0, 0], sizes = [8, 8, 96], strides = [1, 1, 1]} : vector<14x8x96xf32> to vector<8x8x96xf32>
        %slice3A_449 = vector.extract_strided_slice %get3A_95 {offsets = [6, 0], sizes = [1, 96], strides = [1, 1]} : vector<7x96xf32> to vector<1x96xf32>
        %squeeze3A_450 = vector.shape_cast %slice3A_449 : vector<1x96xf32> to vector<96xf32>
        %broadcast_in_dim3A_451 = vector.shape_cast %squeeze3A_450 : vector<96xf32> to vector<1x1x96xf32>
        %mul3A_452 = vector.broadcast %broadcast_in_dim3A_451 : vector<1x1x96xf32> to vector<8x8x96xf32>
        %mul3A_453 = arith.mulf %slice3A_448, %mul3A_452 : vector<8x8x96xf32>
        %add3A_454 = arith.addf %add3A_447, %mul3A_453 : vector<8x8x96xf32>
        %swap3A_455 = arith.index_cast %multiple_of3A_283 : i32 to index
        %swap3A_456 = arith.index_cast %multiple_of3A : i32 to index
        %swap3A_457 = arith.constant 0 : index
        %swap3A_458 = vector.load %arg12[%swap3A_455, %swap3A_456, %swap3A_457] : memref<32x224x96xf32, #tpu.memory_space<vmem>>, vector<8x8x96xf32>
        tpu.vector_store %arg12[%swap3A_455, %swap3A_456, %swap3A_457], %add3A_454 {strides = array<i32>} : memref<32x224x96xf32, #tpu.memory_space<vmem>>, vector<8x8x96xf32>,
        %scan3A_459 = arith.constant 2 : i32
        %mul3A_460 = arith.constant 8 : i32
        %mul3A_461 = arith.muli %scan3A_459, %mul3A_460 : i32
        %multiple_of3A_462 = tpu.assume_multiple %mul3A_461, 8 : i32
        %get3A_463 = arith.index_cast %multiple_of3A_462 : i32 to index
        %get3A_464 = arith.index_cast %multiple_of3A : i32 to index
        %get3A_465 = arith.constant 0 : index
        %get3A_466 = vector.load %arg9[%get3A_463, %get3A_464, %get3A_465] : memref<38x224x96xf32, #tpu.memory_space<vmem>>, vector<14x8x96xf32>
        %get3A_467 = arith.index_cast %multiple_of3A_462 : i32 to index
        %get3A_468 = arith.index_cast %multiple_of3A : i32 to index
        %get3A_469 = arith.constant 0 : index
        %get3A_470 = vector.load %arg10[%get3A_467, %get3A_468, %get3A_469] : memref<32x224x96xf32, #tpu.memory_space<vmem>>, vector<8x8x96xf32>
        %slice3A_471 = vector.extract_strided_slice %get3A_466 {offsets = [0, 0, 0], sizes = [8, 8, 96], strides = [1, 1, 1]} : vector<14x8x96xf32> to vector<8x8x96xf32>
        %slice3A_472 = vector.extract_strided_slice %get3A_84 {offsets = [0, 0], sizes = [1, 96], strides = [1, 1]} : vector<7x96xf32> to vector<1x96xf32>
        %squeeze3A_473 = vector.shape_cast %slice3A_472 : vector<1x96xf32> to vector<96xf32>
        %broadcast_in_dim3A_474 = vector.shape_cast %squeeze3A_473 : vector<96xf32> to vector<1x1x96xf32>
        %mul3A_475 = vector.broadcast %broadcast_in_dim3A_474 : vector<1x1x96xf32> to vector<8x8x96xf32>
        %mul3A_476 = arith.mulf %slice3A_471, %mul3A_475 : vector<8x8x96xf32>
        %add3A_477 = arith.addf %get3A_470, %mul3A_476 : vector<8x8x96xf32>
        %slice3A_478 = vector.extract_strided_slice %get3A_466 {offsets = [1, 0, 0], sizes = [8, 8, 96], strides = [1, 1, 1]} : vector<14x8x96xf32> to vector<8x8x96xf32>
        %slice3A_479 = vector.extract_strided_slice %get3A_84 {offsets = [1, 0], sizes = [1, 96], strides = [1, 1]} : vector<7x96xf32> to vector<1x96xf32>
        %squeeze3A_480 = vector.shape_cast %slice3A_479 : vector<1x96xf32> to vector<96xf32>
        %broadcast_in_dim3A_481 = vector.shape_cast %squeeze3A_480 : vector<96xf32> to vector<1x1x96xf32>
        %mul3A_482 = vector.broadcast %broadcast_in_dim3A_481 : vector<1x1x96xf32> to vector<8x8x96xf32>
        %mul3A_483 = arith.mulf %slice3A_478, %mul3A_482 : vector<8x8x96xf32>
        %add3A_484 = arith.addf %add3A_477, %mul3A_483 : vector<8x8x96xf32>
        %slice3A_485 = vector.extract_strided_slice %get3A_466 {offsets = [2, 0, 0], sizes = [8, 8, 96], strides = [1, 1, 1]} : vector<14x8x96xf32> to vector<8x8x96xf32>
        %slice3A_486 = vector.extract_strided_slice %get3A_84 {offsets = [2, 0], sizes = [1, 96], strides = [1, 1]} : vector<7x96xf32> to vector<1x96xf32>
        %squeeze3A_487 = vector.shape_cast %slice3A_486 : vector<1x96xf32> to vector<96xf32>
        %broadcast_in_dim3A_488 = vector.shape_cast %squeeze3A_487 : vector<96xf32> to vector<1x1x96xf32>
        %mul3A_489 = vector.broadcast %broadcast_in_dim3A_488 : vector<1x1x96xf32> to vector<8x8x96xf32>
        %mul3A_490 = arith.mulf %slice3A_485, %mul3A_489 : vector<8x8x96xf32>
        %add3A_491 = arith.addf %add3A_484, %mul3A_490 : vector<8x8x96xf32>
        %slice3A_492 = vector.extract_strided_slice %get3A_466 {offsets = [3, 0, 0], sizes = [8, 8, 96], strides = [1, 1, 1]} : vector<14x8x96xf32> to vector<8x8x96xf32>
        %slice3A_493 = vector.extract_strided_slice %get3A_84 {offsets = [3, 0], sizes = [1, 96], strides = [1, 1]} : vector<7x96xf32> to vector<1x96xf32>
        %squeeze3A_494 = vector.shape_cast %slice3A_493 : vector<1x96xf32> to vector<96xf32>
        %broadcast_in_dim3A_495 = vector.shape_cast %squeeze3A_494 : vector<96xf32> to vector<1x1x96xf32>
        %mul3A_496 = vector.broadcast %broadcast_in_dim3A_495 : vector<1x1x96xf32> to vector<8x8x96xf32>
        %mul3A_497 = arith.mulf %slice3A_492, %mul3A_496 : vector<8x8x96xf32>
        %add3A_498 = arith.addf %add3A_491, %mul3A_497 : vector<8x8x96xf32>
        %slice3A_499 = vector.extract_strided_slice %get3A_466 {offsets = [4, 0, 0], sizes = [8, 8, 96], strides = [1, 1, 1]} : vector<14x8x96xf32> to vector<8x8x96xf32>
        %slice3A_500 = vector.extract_strided_slice %get3A_84 {offsets = [4, 0], sizes = [1, 96], strides = [1, 1]} : vector<7x96xf32> to vector<1x96xf32>
        %squeeze3A_501 = vector.shape_cast %slice3A_500 : vector<1x96xf32> to vector<96xf32>
        %broadcast_in_dim3A_502 = vector.shape_cast %squeeze3A_501 : vector<96xf32> to vector<1x1x96xf32>
        %mul3A_503 = vector.broadcast %broadcast_in_dim3A_502 : vector<1x1x96xf32> to vector<8x8x96xf32>
        %mul3A_504 = arith.mulf %slice3A_499, %mul3A_503 : vector<8x8x96xf32>
        %add3A_505 = arith.addf %add3A_498, %mul3A_504 : vector<8x8x96xf32>
        %slice3A_506 = vector.extract_strided_slice %get3A_466 {offsets = [5, 0, 0], sizes = [8, 8, 96], strides = [1, 1, 1]} : vector<14x8x96xf32> to vector<8x8x96xf32>
        %slice3A_507 = vector.extract_strided_slice %get3A_84 {offsets = [5, 0], sizes = [1, 96], strides = [1, 1]} : vector<7x96xf32> to vector<1x96xf32>
        %squeeze3A_508 = vector.shape_cast %slice3A_507 : vector<1x96xf32> to vector<96xf32>
        %broadcast_in_dim3A_509 = vector.shape_cast %squeeze3A_508 : vector<96xf32> to vector<1x1x96xf32>
        %mul3A_510 = vector.broadcast %broadcast_in_dim3A_509 : vector<1x1x96xf32> to vector<8x8x96xf32>
        %mul3A_511 = arith.mulf %slice3A_506, %mul3A_510 : vector<8x8x96xf32>
        %add3A_512 = arith.addf %add3A_505, %mul3A_511 : vector<8x8x96xf32>
        %slice3A_513 = vector.extract_strided_slice %get3A_466 {offsets = [6, 0, 0], sizes = [8, 8, 96], strides = [1, 1, 1]} : vector<14x8x96xf32> to vector<8x8x96xf32>
        %slice3A_514 = vector.extract_strided_slice %get3A_84 {offsets = [6, 0], sizes = [1, 96], strides = [1, 1]} : vector<7x96xf32> to vector<1x96xf32>
        %squeeze3A_515 = vector.shape_cast %slice3A_514 : vector<1x96xf32> to vector<96xf32>
        %broadcast_in_dim3A_516 = vector.shape_cast %squeeze3A_515 : vector<96xf32> to vector<1x1x96xf32>
        %mul3A_517 = vector.broadcast %broadcast_in_dim3A_516 : vector<1x1x96xf32> to vector<8x8x96xf32>
        %mul3A_518 = arith.mulf %slice3A_513, %mul3A_517 : vector<8x8x96xf32>
        %add3A_519 = arith.addf %add3A_512, %mul3A_518 : vector<8x8x96xf32>
        %swap3A_520 = arith.index_cast %multiple_of3A_462 : i32 to index
        %swap3A_521 = arith.index_cast %multiple_of3A : i32 to index
        %swap3A_522 = arith.constant 0 : index
        %swap3A_523 = vector.load %arg10[%swap3A_520, %swap3A_521, %swap3A_522] : memref<32x224x96xf32, #tpu.memory_space<vmem>>, vector<8x8x96xf32>
        tpu.vector_store %arg10[%swap3A_520, %swap3A_521, %swap3A_522], %add3A_519 {strides = array<i32>} : memref<32x224x96xf32, #tpu.memory_space<vmem>>, vector<8x8x96xf32>,
        %get3A_524 = arith.index_cast %multiple_of3A_462 : i32 to index
        %get3A_525 = arith.index_cast %multiple_of3A : i32 to index
        %get3A_526 = arith.constant 0 : index
        %get3A_527 = vector.load %arg11[%get3A_524, %get3A_525, %get3A_526] : memref<32x224x96xf32, #tpu.memory_space<vmem>>, vector<8x8x96xf32>
        %slice3A_528 = vector.extract_strided_slice %get3A_466 {offsets = [0, 0, 0], sizes = [8, 8, 96], strides = [1, 1, 1]} : vector<14x8x96xf32> to vector<8x8x96xf32>
        %slice3A_529 = vector.extract_strided_slice %get3A_90 {offsets = [0, 0], sizes = [1, 96], strides = [1, 1]} : vector<7x96xf32> to vector<1x96xf32>
        %squeeze3A_530 = vector.shape_cast %slice3A_529 : vector<1x96xf32> to vector<96xf32>
        %broadcast_in_dim3A_531 = vector.shape_cast %squeeze3A_530 : vector<96xf32> to vector<1x1x96xf32>
        %mul3A_532 = vector.broadcast %broadcast_in_dim3A_531 : vector<1x1x96xf32> to vector<8x8x96xf32>
        %mul3A_533 = arith.mulf %slice3A_528, %mul3A_532 : vector<8x8x96xf32>
        %add3A_534 = arith.addf %get3A_527, %mul3A_533 : vector<8x8x96xf32>
        %slice3A_535 = vector.extract_strided_slice %get3A_466 {offsets = [1, 0, 0], sizes = [8, 8, 96], strides = [1, 1, 1]} : vector<14x8x96xf32> to vector<8x8x96xf32>
        %slice3A_536 = vector.extract_strided_slice %get3A_90 {offsets = [1, 0], sizes = [1, 96], strides = [1, 1]} : vector<7x96xf32> to vector<1x96xf32>
        %squeeze3A_537 = vector.shape_cast %slice3A_536 : vector<1x96xf32> to vector<96xf32>
        %broadcast_in_dim3A_538 = vector.shape_cast %squeeze3A_537 : vector<96xf32> to vector<1x1x96xf32>
        %mul3A_539 = vector.broadcast %broadcast_in_dim3A_538 : vector<1x1x96xf32> to vector<8x8x96xf32>
        %mul3A_540 = arith.mulf %slice3A_535, %mul3A_539 : vector<8x8x96xf32>
        %add3A_541 = arith.addf %add3A_534, %mul3A_540 : vector<8x8x96xf32>
        %slice3A_542 = vector.extract_strided_slice %get3A_466 {offsets = [2, 0, 0], sizes = [8, 8, 96], strides = [1, 1, 1]} : vector<14x8x96xf32> to vector<8x8x96xf32>
        %slice3A_543 = vector.extract_strided_slice %get3A_90 {offsets = [2, 0], sizes = [1, 96], strides = [1, 1]} : vector<7x96xf32> to vector<1x96xf32>
        %squeeze3A_544 = vector.shape_cast %slice3A_543 : vector<1x96xf32> to vector<96xf32>
        %broadcast_in_dim3A_545 = vector.shape_cast %squeeze3A_544 : vector<96xf32> to vector<1x1x96xf32>
        %mul3A_546 = vector.broadcast %broadcast_in_dim3A_545 : vector<1x1x96xf32> to vector<8x8x96xf32>
        %mul3A_547 = arith.mulf %slice3A_542, %mul3A_546 : vector<8x8x96xf32>
        %add3A_548 = arith.addf %add3A_541, %mul3A_547 : vector<8x8x96xf32>
        %slice3A_549 = vector.extract_strided_slice %get3A_466 {offsets = [3, 0, 0], sizes = [8, 8, 96], strides = [1, 1, 1]} : vector<14x8x96xf32> to vector<8x8x96xf32>
        %slice3A_550 = vector.extract_strided_slice %get3A_90 {offsets = [3, 0], sizes = [1, 96], strides = [1, 1]} : vector<7x96xf32> to vector<1x96xf32>
        %squeeze3A_551 = vector.shape_cast %slice3A_550 : vector<1x96xf32> to vector<96xf32>
        %broadcast_in_dim3A_552 = vector.shape_cast %squeeze3A_551 : vector<96xf32> to vector<1x1x96xf32>
        %mul3A_553 = vector.broadcast %broadcast_in_dim3A_552 : vector<1x1x96xf32> to vector<8x8x96xf32>
        %mul3A_554 = arith.mulf %slice3A_549, %mul3A_553 : vector<8x8x96xf32>
        %add3A_555 = arith.addf %add3A_548, %mul3A_554 : vector<8x8x96xf32>
        %slice3A_556 = vector.extract_strided_slice %get3A_466 {offsets = [4, 0, 0], sizes = [8, 8, 96], strides = [1, 1, 1]} : vector<14x8x96xf32> to vector<8x8x96xf32>
        %slice3A_557 = vector.extract_strided_slice %get3A_90 {offsets = [4, 0], sizes = [1, 96], strides = [1, 1]} : vector<7x96xf32> to vector<1x96xf32>
        %squeeze3A_558 = vector.shape_cast %slice3A_557 : vector<1x96xf32> to vector<96xf32>
        %broadcast_in_dim3A_559 = vector.shape_cast %squeeze3A_558 : vector<96xf32> to vector<1x1x96xf32>
        %mul3A_560 = vector.broadcast %broadcast_in_dim3A_559 : vector<1x1x96xf32> to vector<8x8x96xf32>
        %mul3A_561 = arith.mulf %slice3A_556, %mul3A_560 : vector<8x8x96xf32>
        %add3A_562 = arith.addf %add3A_555, %mul3A_561 : vector<8x8x96xf32>
        %slice3A_563 = vector.extract_strided_slice %get3A_466 {offsets = [5, 0, 0], sizes = [8, 8, 96], strides = [1, 1, 1]} : vector<14x8x96xf32> to vector<8x8x96xf32>
        %slice3A_564 = vector.extract_strided_slice %get3A_90 {offsets = [5, 0], sizes = [1, 96], strides = [1, 1]} : vector<7x96xf32> to vector<1x96xf32>
        %squeeze3A_565 = vector.shape_cast %slice3A_564 : vector<1x96xf32> to vector<96xf32>
        %broadcast_in_dim3A_566 = vector.shape_cast %squeeze3A_565 : vector<96xf32> to vector<1x1x96xf32>
        %mul3A_567 = vector.broadcast %broadcast_in_dim3A_566 : vector<1x1x96xf32> to vector<8x8x96xf32>
        %mul3A_568 = arith.mulf %slice3A_563, %mul3A_567 : vector<8x8x96xf32>
        %add3A_569 = arith.addf %add3A_562, %mul3A_568 : vector<8x8x96xf32>
        %slice3A_570 = vector.extract_strided_slice %get3A_466 {offsets = [6, 0, 0], sizes = [8, 8, 96], strides = [1, 1, 1]} : vector<14x8x96xf32> to vector<8x8x96xf32>
        %slice3A_571 = vector.extract_strided_slice %get3A_90 {offsets = [6, 0], sizes = [1, 96], strides = [1, 1]} : vector<7x96xf32> to vector<1x96xf32>
        %squeeze3A_572 = vector.shape_cast %slice3A_571 : vector<1x96xf32> to vector<96xf32>
        %broadcast_in_dim3A_573 = vector.shape_cast %squeeze3A_572 : vector<96xf32> to vector<1x1x96xf32>
        %mul3A_574 = vector.broadcast %broadcast_in_dim3A_573 : vector<1x1x96xf32> to vector<8x8x96xf32>
        %mul3A_575 = arith.mulf %slice3A_570, %mul3A_574 : vector<8x8x96xf32>
        %add3A_576 = arith.addf %add3A_569, %mul3A_575 : vector<8x8x96xf32>
        %swap3A_577 = arith.index_cast %multiple_of3A_462 : i32 to index
        %swap3A_578 = arith.index_cast %multiple_of3A : i32 to index
        %swap3A_579 = arith.constant 0 : index
        %swap3A_580 = vector.load %arg11[%swap3A_577, %swap3A_578, %swap3A_579] : memref<32x224x96xf32, #tpu.memory_space<vmem>>, vector<8x8x96xf32>
        tpu.vector_store %arg11[%swap3A_577, %swap3A_578, %swap3A_579], %add3A_576 {strides = array<i32>} : memref<32x224x96xf32, #tpu.memory_space<vmem>>, vector<8x8x96xf32>,
        %get3A_581 = arith.index_cast %multiple_of3A_462 : i32 to index
        %get3A_582 = arith.index_cast %multiple_of3A : i32 to index
        %get3A_583 = arith.constant 0 : index
        %get3A_584 = vector.load %arg12[%get3A_581, %get3A_582, %get3A_583] : memref<32x224x96xf32, #tpu.memory_space<vmem>>, vector<8x8x96xf32>
        %slice3A_585 = vector.extract_strided_slice %get3A_466 {offsets = [0, 0, 0], sizes = [8, 8, 96], strides = [1, 1, 1]} : vector<14x8x96xf32> to vector<8x8x96xf32>
        %slice3A_586 = vector.extract_strided_slice %get3A_95 {offsets = [0, 0], sizes = [1, 96], strides = [1, 1]} : vector<7x96xf32> to vector<1x96xf32>
        %squeeze3A_587 = vector.shape_cast %slice3A_586 : vector<1x96xf32> to vector<96xf32>
        %broadcast_in_dim3A_588 = vector.shape_cast %squeeze3A_587 : vector<96xf32> to vector<1x1x96xf32>
        %mul3A_589 = vector.broadcast %broadcast_in_dim3A_588 : vector<1x1x96xf32> to vector<8x8x96xf32>
        %mul3A_590 = arith.mulf %slice3A_585, %mul3A_589 : vector<8x8x96xf32>
        %add3A_591 = arith.addf %get3A_584, %mul3A_590 : vector<8x8x96xf32>
        %slice3A_592 = vector.extract_strided_slice %get3A_466 {offsets = [1, 0, 0], sizes = [8, 8, 96], strides = [1, 1, 1]} : vector<14x8x96xf32> to vector<8x8x96xf32>
        %slice3A_593 = vector.extract_strided_slice %get3A_95 {offsets = [1, 0], sizes = [1, 96], strides = [1, 1]} : vector<7x96xf32> to vector<1x96xf32>
        %squeeze3A_594 = vector.shape_cast %slice3A_593 : vector<1x96xf32> to vector<96xf32>
        %broadcast_in_dim3A_595 = vector.shape_cast %squeeze3A_594 : vector<96xf32> to vector<1x1x96xf32>
        %mul3A_596 = vector.broadcast %broadcast_in_dim3A_595 : vector<1x1x96xf32> to vector<8x8x96xf32>
        %mul3A_597 = arith.mulf %slice3A_592, %mul3A_596 : vector<8x8x96xf32>
        %add3A_598 = arith.addf %add3A_591, %mul3A_597 : vector<8x8x96xf32>
        %slice3A_599 = vector.extract_strided_slice %get3A_466 {offsets = [2, 0, 0], sizes = [8, 8, 96], strides = [1, 1, 1]} : vector<14x8x96xf32> to vector<8x8x96xf32>
        %slice3A_600 = vector.extract_strided_slice %get3A_95 {offsets = [2, 0], sizes = [1, 96], strides = [1, 1]} : vector<7x96xf32> to vector<1x96xf32>
        %squeeze3A_601 = vector.shape_cast %slice3A_600 : vector<1x96xf32> to vector<96xf32>
        %broadcast_in_dim3A_602 = vector.shape_cast %squeeze3A_601 : vector<96xf32> to vector<1x1x96xf32>
        %mul3A_603 = vector.broadcast %broadcast_in_dim3A_602 : vector<1x1x96xf32> to vector<8x8x96xf32>
        %mul3A_604 = arith.mulf %slice3A_599, %mul3A_603 : vector<8x8x96xf32>
        %add3A_605 = arith.addf %add3A_598, %mul3A_604 : vector<8x8x96xf32>
        %slice3A_606 = vector.extract_strided_slice %get3A_466 {offsets = [3, 0, 0], sizes = [8, 8, 96], strides = [1, 1, 1]} : vector<14x8x96xf32> to vector<8x8x96xf32>
        %slice3A_607 = vector.extract_strided_slice %get3A_95 {offsets = [3, 0], sizes = [1, 96], strides = [1, 1]} : vector<7x96xf32> to vector<1x96xf32>
        %squeeze3A_608 = vector.shape_cast %slice3A_607 : vector<1x96xf32> to vector<96xf32>
        %broadcast_in_dim3A_609 = vector.shape_cast %squeeze3A_608 : vector<96xf32> to vector<1x1x96xf32>
        %mul3A_610 = vector.broadcast %broadcast_in_dim3A_609 : vector<1x1x96xf32> to vector<8x8x96xf32>
        %mul3A_611 = arith.mulf %slice3A_606, %mul3A_610 : vector<8x8x96xf32>
        %add3A_612 = arith.addf %add3A_605, %mul3A_611 : vector<8x8x96xf32>
        %slice3A_613 = vector.extract_strided_slice %get3A_466 {offsets = [4, 0, 0], sizes = [8, 8, 96], strides = [1, 1, 1]} : vector<14x8x96xf32> to vector<8x8x96xf32>
        %slice3A_614 = vector.extract_strided_slice %get3A_95 {offsets = [4, 0], sizes = [1, 96], strides = [1, 1]} : vector<7x96xf32> to vector<1x96xf32>
        %squeeze3A_615 = vector.shape_cast %slice3A_614 : vector<1x96xf32> to vector<96xf32>
        %broadcast_in_dim3A_616 = vector.shape_cast %squeeze3A_615 : vector<96xf32> to vector<1x1x96xf32>
        %mul3A_617 = vector.broadcast %broadcast_in_dim3A_616 : vector<1x1x96xf32> to vector<8x8x96xf32>
        %mul3A_618 = arith.mulf %slice3A_613, %mul3A_617 : vector<8x8x96xf32>
        %add3A_619 = arith.addf %add3A_612, %mul3A_618 : vector<8x8x96xf32>
        %slice3A_620 = vector.extract_strided_slice %get3A_466 {offsets = [5, 0, 0], sizes = [8, 8, 96], strides = [1, 1, 1]} : vector<14x8x96xf32> to vector<8x8x96xf32>
        %slice3A_621 = vector.extract_strided_slice %get3A_95 {offsets = [5, 0], sizes = [1, 96], strides = [1, 1]} : vector<7x96xf32> to vector<1x96xf32>
        %squeeze3A_622 = vector.shape_cast %slice3A_621 : vector<1x96xf32> to vector<96xf32>
        %broadcast_in_dim3A_623 = vector.shape_cast %squeeze3A_622 : vector<96xf32> to vector<1x1x96xf32>
        %mul3A_624 = vector.broadcast %broadcast_in_dim3A_623 : vector<1x1x96xf32> to vector<8x8x96xf32>
        %mul3A_625 = arith.mulf %slice3A_620, %mul3A_624 : vector<8x8x96xf32>
        %add3A_626 = arith.addf %add3A_619, %mul3A_625 : vector<8x8x96xf32>
        %slice3A_627 = vector.extract_strided_slice %get3A_466 {offsets = [6, 0, 0], sizes = [8, 8, 96], strides = [1, 1, 1]} : vector<14x8x96xf32> to vector<8x8x96xf32>
        %slice3A_628 = vector.extract_strided_slice %get3A_95 {offsets = [6, 0], sizes = [1, 96], strides = [1, 1]} : vector<7x96xf32> to vector<1x96xf32>
        %squeeze3A_629 = vector.shape_cast %slice3A_628 : vector<1x96xf32> to vector<96xf32>
        %broadcast_in_dim3A_630 = vector.shape_cast %squeeze3A_629 : vector<96xf32> to vector<1x1x96xf32>
        %mul3A_631 = vector.broadcast %broadcast_in_dim3A_630 : vector<1x1x96xf32> to vector<8x8x96xf32>
        %mul3A_632 = arith.mulf %slice3A_627, %mul3A_631 : vector<8x8x96xf32>
        %add3A_633 = arith.addf %add3A_626, %mul3A_632 : vector<8x8x96xf32>
        %swap3A_634 = arith.index_cast %multiple_of3A_462 : i32 to index
        %swap3A_635 = arith.index_cast %multiple_of3A : i32 to index
        %swap3A_636 = arith.constant 0 : index
        %swap3A_637 = vector.load %arg12[%swap3A_634, %swap3A_635, %swap3A_636] : memref<32x224x96xf32, #tpu.memory_space<vmem>>, vector<8x8x96xf32>
        tpu.vector_store %arg12[%swap3A_634, %swap3A_635, %swap3A_636], %add3A_633 {strides = array<i32>} : memref<32x224x96xf32, #tpu.memory_space<vmem>>, vector<8x8x96xf32>,
        %scan3A_638 = arith.constant 3 : i32
        %mul3A_639 = arith.constant 8 : i32
        %mul3A_640 = arith.muli %scan3A_638, %mul3A_639 : i32
        %multiple_of3A_641 = tpu.assume_multiple %mul3A_640, 8 : i32
        %get3A_642 = arith.index_cast %multiple_of3A_641 : i32 to index
        %get3A_643 = arith.index_cast %multiple_of3A : i32 to index
        %get3A_644 = arith.constant 0 : index
        %get3A_645 = vector.load %arg9[%get3A_642, %get3A_643, %get3A_644] : memref<38x224x96xf32, #tpu.memory_space<vmem>>, vector<14x8x96xf32>
        %get3A_646 = arith.index_cast %multiple_of3A_641 : i32 to index
        %get3A_647 = arith.index_cast %multiple_of3A : i32 to index
        %get3A_648 = arith.constant 0 : index
        %get3A_649 = vector.load %arg10[%get3A_646, %get3A_647, %get3A_648] : memref<32x224x96xf32, #tpu.memory_space<vmem>>, vector<8x8x96xf32>
        %slice3A_650 = vector.extract_strided_slice %get3A_645 {offsets = [0, 0, 0], sizes = [8, 8, 96], strides = [1, 1, 1]} : vector<14x8x96xf32> to vector<8x8x96xf32>
        %slice3A_651 = vector.extract_strided_slice %get3A_84 {offsets = [0, 0], sizes = [1, 96], strides = [1, 1]} : vector<7x96xf32> to vector<1x96xf32>
        %squeeze3A_652 = vector.shape_cast %slice3A_651 : vector<1x96xf32> to vector<96xf32>
        %broadcast_in_dim3A_653 = vector.shape_cast %squeeze3A_652 : vector<96xf32> to vector<1x1x96xf32>
        %mul3A_654 = vector.broadcast %broadcast_in_dim3A_653 : vector<1x1x96xf32> to vector<8x8x96xf32>
        %mul3A_655 = arith.mulf %slice3A_650, %mul3A_654 : vector<8x8x96xf32>
        %add3A_656 = arith.addf %get3A_649, %mul3A_655 : vector<8x8x96xf32>
        %slice3A_657 = vector.extract_strided_slice %get3A_645 {offsets = [1, 0, 0], sizes = [8, 8, 96], strides = [1, 1, 1]} : vector<14x8x96xf32> to vector<8x8x96xf32>
        %slice3A_658 = vector.extract_strided_slice %get3A_84 {offsets = [1, 0], sizes = [1, 96], strides = [1, 1]} : vector<7x96xf32> to vector<1x96xf32>
        %squeeze3A_659 = vector.shape_cast %slice3A_658 : vector<1x96xf32> to vector<96xf32>
        %broadcast_in_dim3A_660 = vector.shape_cast %squeeze3A_659 : vector<96xf32> to vector<1x1x96xf32>
        %mul3A_661 = vector.broadcast %broadcast_in_dim3A_660 : vector<1x1x96xf32> to vector<8x8x96xf32>
        %mul3A_662 = arith.mulf %slice3A_657, %mul3A_661 : vector<8x8x96xf32>
        %add3A_663 = arith.addf %add3A_656, %mul3A_662 : vector<8x8x96xf32>
        %slice3A_664 = vector.extract_strided_slice %get3A_645 {offsets = [2, 0, 0], sizes = [8, 8, 96], strides = [1, 1, 1]} : vector<14x8x96xf32> to vector<8x8x96xf32>
        %slice3A_665 = vector.extract_strided_slice %get3A_84 {offsets = [2, 0], sizes = [1, 96], strides = [1, 1]} : vector<7x96xf32> to vector<1x96xf32>
        %squeeze3A_666 = vector.shape_cast %slice3A_665 : vector<1x96xf32> to vector<96xf32>
        %broadcast_in_dim3A_667 = vector.shape_cast %squeeze3A_666 : vector<96xf32> to vector<1x1x96xf32>
        %mul3A_668 = vector.broadcast %broadcast_in_dim3A_667 : vector<1x1x96xf32> to vector<8x8x96xf32>
        %mul3A_669 = arith.mulf %slice3A_664, %mul3A_668 : vector<8x8x96xf32>
        %add3A_670 = arith.addf %add3A_663, %mul3A_669 : vector<8x8x96xf32>
        %slice3A_671 = vector.extract_strided_slice %get3A_645 {offsets = [3, 0, 0], sizes = [8, 8, 96], strides = [1, 1, 1]} : vector<14x8x96xf32> to vector<8x8x96xf32>
        %slice3A_672 = vector.extract_strided_slice %get3A_84 {offsets = [3, 0], sizes = [1, 96], strides = [1, 1]} : vector<7x96xf32> to vector<1x96xf32>
        %squeeze3A_673 = vector.shape_cast %slice3A_672 : vector<1x96xf32> to vector<96xf32>
        %broadcast_in_dim3A_674 = vector.shape_cast %squeeze3A_673 : vector<96xf32> to vector<1x1x96xf32>
        %mul3A_675 = vector.broadcast %broadcast_in_dim3A_674 : vector<1x1x96xf32> to vector<8x8x96xf32>
        %mul3A_676 = arith.mulf %slice3A_671, %mul3A_675 : vector<8x8x96xf32>
        %add3A_677 = arith.addf %add3A_670, %mul3A_676 : vector<8x8x96xf32>
        %slice3A_678 = vector.extract_strided_slice %get3A_645 {offsets = [4, 0, 0], sizes = [8, 8, 96], strides = [1, 1, 1]} : vector<14x8x96xf32> to vector<8x8x96xf32>
        %slice3A_679 = vector.extract_strided_slice %get3A_84 {offsets = [4, 0], sizes = [1, 96], strides = [1, 1]} : vector<7x96xf32> to vector<1x96xf32>
        %squeeze3A_680 = vector.shape_cast %slice3A_679 : vector<1x96xf32> to vector<96xf32>
        %broadcast_in_dim3A_681 = vector.shape_cast %squeeze3A_680 : vector<96xf32> to vector<1x1x96xf32>
        %mul3A_682 = vector.broadcast %broadcast_in_dim3A_681 : vector<1x1x96xf32> to vector<8x8x96xf32>
        %mul3A_683 = arith.mulf %slice3A_678, %mul3A_682 : vector<8x8x96xf32>
        %add3A_684 = arith.addf %add3A_677, %mul3A_683 : vector<8x8x96xf32>
        %slice3A_685 = vector.extract_strided_slice %get3A_645 {offsets = [5, 0, 0], sizes = [8, 8, 96], strides = [1, 1, 1]} : vector<14x8x96xf32> to vector<8x8x96xf32>
        %slice3A_686 = vector.extract_strided_slice %get3A_84 {offsets = [5, 0], sizes = [1, 96], strides = [1, 1]} : vector<7x96xf32> to vector<1x96xf32>
        %squeeze3A_687 = vector.shape_cast %slice3A_686 : vector<1x96xf32> to vector<96xf32>
        %broadcast_in_dim3A_688 = vector.shape_cast %squeeze3A_687 : vector<96xf32> to vector<1x1x96xf32>
        %mul3A_689 = vector.broadcast %broadcast_in_dim3A_688 : vector<1x1x96xf32> to vector<8x8x96xf32>
        %mul3A_690 = arith.mulf %slice3A_685, %mul3A_689 : vector<8x8x96xf32>
        %add3A_691 = arith.addf %add3A_684, %mul3A_690 : vector<8x8x96xf32>
        %slice3A_692 = vector.extract_strided_slice %get3A_645 {offsets = [6, 0, 0], sizes = [8, 8, 96], strides = [1, 1, 1]} : vector<14x8x96xf32> to vector<8x8x96xf32>
        %slice3A_693 = vector.extract_strided_slice %get3A_84 {offsets = [6, 0], sizes = [1, 96], strides = [1, 1]} : vector<7x96xf32> to vector<1x96xf32>
        %squeeze3A_694 = vector.shape_cast %slice3A_693 : vector<1x96xf32> to vector<96xf32>
        %broadcast_in_dim3A_695 = vector.shape_cast %squeeze3A_694 : vector<96xf32> to vector<1x1x96xf32>
        %mul3A_696 = vector.broadcast %broadcast_in_dim3A_695 : vector<1x1x96xf32> to vector<8x8x96xf32>
        %mul3A_697 = arith.mulf %slice3A_692, %mul3A_696 : vector<8x8x96xf32>
        %add3A_698 = arith.addf %add3A_691, %mul3A_697 : vector<8x8x96xf32>
        %swap3A_699 = arith.index_cast %multiple_of3A_641 : i32 to index
        %swap3A_700 = arith.index_cast %multiple_of3A : i32 to index
        %swap3A_701 = arith.constant 0 : index
        %swap3A_702 = vector.load %arg10[%swap3A_699, %swap3A_700, %swap3A_701] : memref<32x224x96xf32, #tpu.memory_space<vmem>>, vector<8x8x96xf32>
        tpu.vector_store %arg10[%swap3A_699, %swap3A_700, %swap3A_701], %add3A_698 {strides = array<i32>} : memref<32x224x96xf32, #tpu.memory_space<vmem>>, vector<8x8x96xf32>,
        %get3A_703 = arith.index_cast %multiple_of3A_641 : i32 to index
        %get3A_704 = arith.index_cast %multiple_of3A : i32 to index
        %get3A_705 = arith.constant 0 : index
        %get3A_706 = vector.load %arg11[%get3A_703, %get3A_704, %get3A_705] : memref<32x224x96xf32, #tpu.memory_space<vmem>>, vector<8x8x96xf32>
        %slice3A_707 = vector.extract_strided_slice %get3A_645 {offsets = [0, 0, 0], sizes = [8, 8, 96], strides = [1, 1, 1]} : vector<14x8x96xf32> to vector<8x8x96xf32>
        %slice3A_708 = vector.extract_strided_slice %get3A_90 {offsets = [0, 0], sizes = [1, 96], strides = [1, 1]} : vector<7x96xf32> to vector<1x96xf32>
        %squeeze3A_709 = vector.shape_cast %slice3A_708 : vector<1x96xf32> to vector<96xf32>
        %broadcast_in_dim3A_710 = vector.shape_cast %squeeze3A_709 : vector<96xf32> to vector<1x1x96xf32>
        %mul3A_711 = vector.broadcast %broadcast_in_dim3A_710 : vector<1x1x96xf32> to vector<8x8x96xf32>
        %mul3A_712 = arith.mulf %slice3A_707, %mul3A_711 : vector<8x8x96xf32>
        %add3A_713 = arith.addf %get3A_706, %mul3A_712 : vector<8x8x96xf32>
        %slice3A_714 = vector.extract_strided_slice %get3A_645 {offsets = [1, 0, 0], sizes = [8, 8, 96], strides = [1, 1, 1]} : vector<14x8x96xf32> to vector<8x8x96xf32>
        %slice3A_715 = vector.extract_strided_slice %get3A_90 {offsets = [1, 0], sizes = [1, 96], strides = [1, 1]} : vector<7x96xf32> to vector<1x96xf32>
        %squeeze3A_716 = vector.shape_cast %slice3A_715 : vector<1x96xf32> to vector<96xf32>
        %broadcast_in_dim3A_717 = vector.shape_cast %squeeze3A_716 : vector<96xf32> to vector<1x1x96xf32>
        %mul3A_718 = vector.broadcast %broadcast_in_dim3A_717 : vector<1x1x96xf32> to vector<8x8x96xf32>
        %mul3A_719 = arith.mulf %slice3A_714, %mul3A_718 : vector<8x8x96xf32>
        %add3A_720 = arith.addf %add3A_713, %mul3A_719 : vector<8x8x96xf32>
        %slice3A_721 = vector.extract_strided_slice %get3A_645 {offsets = [2, 0, 0], sizes = [8, 8, 96], strides = [1, 1, 1]} : vector<14x8x96xf32> to vector<8x8x96xf32>
        %slice3A_722 = vector.extract_strided_slice %get3A_90 {offsets = [2, 0], sizes = [1, 96], strides = [1, 1]} : vector<7x96xf32> to vector<1x96xf32>
        %squeeze3A_723 = vector.shape_cast %slice3A_722 : vector<1x96xf32> to vector<96xf32>
        %broadcast_in_dim3A_724 = vector.shape_cast %squeeze3A_723 : vector<96xf32> to vector<1x1x96xf32>
        %mul3A_725 = vector.broadcast %broadcast_in_dim3A_724 : vector<1x1x96xf32> to vector<8x8x96xf32>
        %mul3A_726 = arith.mulf %slice3A_721, %mul3A_725 : vector<8x8x96xf32>
        %add3A_727 = arith.addf %add3A_720, %mul3A_726 : vector<8x8x96xf32>
        %slice3A_728 = vector.extract_strided_slice %get3A_645 {offsets = [3, 0, 0], sizes = [8, 8, 96], strides = [1, 1, 1]} : vector<14x8x96xf32> to vector<8x8x96xf32>
        %slice3A_729 = vector.extract_strided_slice %get3A_90 {offsets = [3, 0], sizes = [1, 96], strides = [1, 1]} : vector<7x96xf32> to vector<1x96xf32>
        %squeeze3A_730 = vector.shape_cast %slice3A_729 : vector<1x96xf32> to vector<96xf32>
        %broadcast_in_dim3A_731 = vector.shape_cast %squeeze3A_730 : vector<96xf32> to vector<1x1x96xf32>
        %mul3A_732 = vector.broadcast %broadcast_in_dim3A_731 : vector<1x1x96xf32> to vector<8x8x96xf32>
        %mul3A_733 = arith.mulf %slice3A_728, %mul3A_732 : vector<8x8x96xf32>
        %add3A_734 = arith.addf %add3A_727, %mul3A_733 : vector<8x8x96xf32>
        %slice3A_735 = vector.extract_strided_slice %get3A_645 {offsets = [4, 0, 0], sizes = [8, 8, 96], strides = [1, 1, 1]} : vector<14x8x96xf32> to vector<8x8x96xf32>
        %slice3A_736 = vector.extract_strided_slice %get3A_90 {offsets = [4, 0], sizes = [1, 96], strides = [1, 1]} : vector<7x96xf32> to vector<1x96xf32>
        %squeeze3A_737 = vector.shape_cast %slice3A_736 : vector<1x96xf32> to vector<96xf32>
        %broadcast_in_dim3A_738 = vector.shape_cast %squeeze3A_737 : vector<96xf32> to vector<1x1x96xf32>
        %mul3A_739 = vector.broadcast %broadcast_in_dim3A_738 : vector<1x1x96xf32> to vector<8x8x96xf32>
        %mul3A_740 = arith.mulf %slice3A_735, %mul3A_739 : vector<8x8x96xf32>
        %add3A_741 = arith.addf %add3A_734, %mul3A_740 : vector<8x8x96xf32>
        %slice3A_742 = vector.extract_strided_slice %get3A_645 {offsets = [5, 0, 0], sizes = [8, 8, 96], strides = [1, 1, 1]} : vector<14x8x96xf32> to vector<8x8x96xf32>
        %slice3A_743 = vector.extract_strided_slice %get3A_90 {offsets = [5, 0], sizes = [1, 96], strides = [1, 1]} : vector<7x96xf32> to vector<1x96xf32>
        %squeeze3A_744 = vector.shape_cast %slice3A_743 : vector<1x96xf32> to vector<96xf32>
        %broadcast_in_dim3A_745 = vector.shape_cast %squeeze3A_744 : vector<96xf32> to vector<1x1x96xf32>
        %mul3A_746 = vector.broadcast %broadcast_in_dim3A_745 : vector<1x1x96xf32> to vector<8x8x96xf32>
        %mul3A_747 = arith.mulf %slice3A_742, %mul3A_746 : vector<8x8x96xf32>
        %add3A_748 = arith.addf %add3A_741, %mul3A_747 : vector<8x8x96xf32>
        %slice3A_749 = vector.extract_strided_slice %get3A_645 {offsets = [6, 0, 0], sizes = [8, 8, 96], strides = [1, 1, 1]} : vector<14x8x96xf32> to vector<8x8x96xf32>
        %slice3A_750 = vector.extract_strided_slice %get3A_90 {offsets = [6, 0], sizes = [1, 96], strides = [1, 1]} : vector<7x96xf32> to vector<1x96xf32>
        %squeeze3A_751 = vector.shape_cast %slice3A_750 : vector<1x96xf32> to vector<96xf32>
        %broadcast_in_dim3A_752 = vector.shape_cast %squeeze3A_751 : vector<96xf32> to vector<1x1x96xf32>
        %mul3A_753 = vector.broadcast %broadcast_in_dim3A_752 : vector<1x1x96xf32> to vector<8x8x96xf32>
        %mul3A_754 = arith.mulf %slice3A_749, %mul3A_753 : vector<8x8x96xf32>
        %add3A_755 = arith.addf %add3A_748, %mul3A_754 : vector<8x8x96xf32>
        %swap3A_756 = arith.index_cast %multiple_of3A_641 : i32 to index
        %swap3A_757 = arith.index_cast %multiple_of3A : i32 to index
        %swap3A_758 = arith.constant 0 : index
        %swap3A_759 = vector.load %arg11[%swap3A_756, %swap3A_757, %swap3A_758] : memref<32x224x96xf32, #tpu.memory_space<vmem>>, vector<8x8x96xf32>
        tpu.vector_store %arg11[%swap3A_756, %swap3A_757, %swap3A_758], %add3A_755 {strides = array<i32>} : memref<32x224x96xf32, #tpu.memory_space<vmem>>, vector<8x8x96xf32>,
        %get3A_760 = arith.index_cast %multiple_of3A_641 : i32 to index
        %get3A_761 = arith.index_cast %multiple_of3A : i32 to index
        %get3A_762 = arith.constant 0 : index
        %get3A_763 = vector.load %arg12[%get3A_760, %get3A_761, %get3A_762] : memref<32x224x96xf32, #tpu.memory_space<vmem>>, vector<8x8x96xf32>
        %slice3A_764 = vector.extract_strided_slice %get3A_645 {offsets = [0, 0, 0], sizes = [8, 8, 96], strides = [1, 1, 1]} : vector<14x8x96xf32> to vector<8x8x96xf32>
        %slice3A_765 = vector.extract_strided_slice %get3A_95 {offsets = [0, 0], sizes = [1, 96], strides = [1, 1]} : vector<7x96xf32> to vector<1x96xf32>
        %squeeze3A_766 = vector.shape_cast %slice3A_765 : vector<1x96xf32> to vector<96xf32>
        %broadcast_in_dim3A_767 = vector.shape_cast %squeeze3A_766 : vector<96xf32> to vector<1x1x96xf32>
        %mul3A_768 = vector.broadcast %broadcast_in_dim3A_767 : vector<1x1x96xf32> to vector<8x8x96xf32>
        %mul3A_769 = arith.mulf %slice3A_764, %mul3A_768 : vector<8x8x96xf32>
        %add3A_770 = arith.addf %get3A_763, %mul3A_769 : vector<8x8x96xf32>
        %slice3A_771 = vector.extract_strided_slice %get3A_645 {offsets = [1, 0, 0], sizes = [8, 8, 96], strides = [1, 1, 1]} : vector<14x8x96xf32> to vector<8x8x96xf32>
        %slice3A_772 = vector.extract_strided_slice %get3A_95 {offsets = [1, 0], sizes = [1, 96], strides = [1, 1]} : vector<7x96xf32> to vector<1x96xf32>
        %squeeze3A_773 = vector.shape_cast %slice3A_772 : vector<1x96xf32> to vector<96xf32>
        %broadcast_in_dim3A_774 = vector.shape_cast %squeeze3A_773 : vector<96xf32> to vector<1x1x96xf32>
        %mul3A_775 = vector.broadcast %broadcast_in_dim3A_774 : vector<1x1x96xf32> to vector<8x8x96xf32>
        %mul3A_776 = arith.mulf %slice3A_771, %mul3A_775 : vector<8x8x96xf32>
        %add3A_777 = arith.addf %add3A_770, %mul3A_776 : vector<8x8x96xf32>
        %slice3A_778 = vector.extract_strided_slice %get3A_645 {offsets = [2, 0, 0], sizes = [8, 8, 96], strides = [1, 1, 1]} : vector<14x8x96xf32> to vector<8x8x96xf32>
        %slice3A_779 = vector.extract_strided_slice %get3A_95 {offsets = [2, 0], sizes = [1, 96], strides = [1, 1]} : vector<7x96xf32> to vector<1x96xf32>
        %squeeze3A_780 = vector.shape_cast %slice3A_779 : vector<1x96xf32> to vector<96xf32>
        %broadcast_in_dim3A_781 = vector.shape_cast %squeeze3A_780 : vector<96xf32> to vector<1x1x96xf32>
        %mul3A_782 = vector.broadcast %broadcast_in_dim3A_781 : vector<1x1x96xf32> to vector<8x8x96xf32>
        %mul3A_783 = arith.mulf %slice3A_778, %mul3A_782 : vector<8x8x96xf32>
        %add3A_784 = arith.addf %add3A_777, %mul3A_783 : vector<8x8x96xf32>
        %slice3A_785 = vector.extract_strided_slice %get3A_645 {offsets = [3, 0, 0], sizes = [8, 8, 96], strides = [1, 1, 1]} : vector<14x8x96xf32> to vector<8x8x96xf32>
        %slice3A_786 = vector.extract_strided_slice %get3A_95 {offsets = [3, 0], sizes = [1, 96], strides = [1, 1]} : vector<7x96xf32> to vector<1x96xf32>
        %squeeze3A_787 = vector.shape_cast %slice3A_786 : vector<1x96xf32> to vector<96xf32>
        %broadcast_in_dim3A_788 = vector.shape_cast %squeeze3A_787 : vector<96xf32> to vector<1x1x96xf32>
        %mul3A_789 = vector.broadcast %broadcast_in_dim3A_788 : vector<1x1x96xf32> to vector<8x8x96xf32>
        %mul3A_790 = arith.mulf %slice3A_785, %mul3A_789 : vector<8x8x96xf32>
        %add3A_791 = arith.addf %add3A_784, %mul3A_790 : vector<8x8x96xf32>
        %slice3A_792 = vector.extract_strided_slice %get3A_645 {offsets = [4, 0, 0], sizes = [8, 8, 96], strides = [1, 1, 1]} : vector<14x8x96xf32> to vector<8x8x96xf32>
        %slice3A_793 = vector.extract_strided_slice %get3A_95 {offsets = [4, 0], sizes = [1, 96], strides = [1, 1]} : vector<7x96xf32> to vector<1x96xf32>
        %squeeze3A_794 = vector.shape_cast %slice3A_793 : vector<1x96xf32> to vector<96xf32>
        %broadcast_in_dim3A_795 = vector.shape_cast %squeeze3A_794 : vector<96xf32> to vector<1x1x96xf32>
        %mul3A_796 = vector.broadcast %broadcast_in_dim3A_795 : vector<1x1x96xf32> to vector<8x8x96xf32>
        %mul3A_797 = arith.mulf %slice3A_792, %mul3A_796 : vector<8x8x96xf32>
        %add3A_798 = arith.addf %add3A_791, %mul3A_797 : vector<8x8x96xf32>
        %slice3A_799 = vector.extract_strided_slice %get3A_645 {offsets = [5, 0, 0], sizes = [8, 8, 96], strides = [1, 1, 1]} : vector<14x8x96xf32> to vector<8x8x96xf32>
        %slice3A_800 = vector.extract_strided_slice %get3A_95 {offsets = [5, 0], sizes = [1, 96], strides = [1, 1]} : vector<7x96xf32> to vector<1x96xf32>
        %squeeze3A_801 = vector.shape_cast %slice3A_800 : vector<1x96xf32> to vector<96xf32>
        %broadcast_in_dim3A_802 = vector.shape_cast %squeeze3A_801 : vector<96xf32> to vector<1x1x96xf32>
        %mul3A_803 = vector.broadcast %broadcast_in_dim3A_802 : vector<1x1x96xf32> to vector<8x8x96xf32>
        %mul3A_804 = arith.mulf %slice3A_799, %mul3A_803 : vector<8x8x96xf32>
        %add3A_805 = arith.addf %add3A_798, %mul3A_804 : vector<8x8x96xf32>
        %slice3A_806 = vector.extract_strided_slice %get3A_645 {offsets = [6, 0, 0], sizes = [8, 8, 96], strides = [1, 1, 1]} : vector<14x8x96xf32> to vector<8x8x96xf32>
        %slice3A_807 = vector.extract_strided_slice %get3A_95 {offsets = [6, 0], sizes = [1, 96], strides = [1, 1]} : vector<7x96xf32> to vector<1x96xf32>
        %squeeze3A_808 = vector.shape_cast %slice3A_807 : vector<1x96xf32> to vector<96xf32>
        %broadcast_in_dim3A_809 = vector.shape_cast %squeeze3A_808 : vector<96xf32> to vector<1x1x96xf32>
        %mul3A_810 = vector.broadcast %broadcast_in_dim3A_809 : vector<1x1x96xf32> to vector<8x8x96xf32>
        %mul3A_811 = arith.mulf %slice3A_806, %mul3A_810 : vector<8x8x96xf32>
        %add3A_812 = arith.addf %add3A_805, %mul3A_811 : vector<8x8x96xf32>
        %swap3A_813 = arith.index_cast %multiple_of3A_641 : i32 to index
        %swap3A_814 = arith.index_cast %multiple_of3A : i32 to index
        %swap3A_815 = arith.constant 0 : index
        %swap3A_816 = vector.load %arg12[%swap3A_813, %swap3A_814, %swap3A_815] : memref<32x224x96xf32, #tpu.memory_space<vmem>>, vector<8x8x96xf32>
        tpu.vector_store %arg12[%swap3A_813, %swap3A_814, %swap3A_815], %add3A_812 {strides = array<i32>} : memref<32x224x96xf32, #tpu.memory_space<vmem>>, vector<8x8x96xf32>,
        %scan3A_817 = arith.constant 4 : i32
        %scan3A_818 = arith.constant 1 : i32
        %scan3A_819 = arith.addi %scan3A_101, %scan3A_818 : i32
        %mul3A_820 = arith.constant 8 : i32
        %mul3A_821 = arith.muli %scan3A_819, %mul3A_820 : i32
        %multiple_of3A_822 = tpu.assume_multiple %mul3A_821, 8 : i32
        %scan3A_823 = arith.constant 0 : i32
        %mul3A_824 = arith.constant 8 : i32
        %mul3A_825 = arith.muli %scan3A_823, %mul3A_824 : i32
        %multiple_of3A_826 = tpu.assume_multiple %mul3A_825, 8 : i32
        %get3A_827 = arith.index_cast %multiple_of3A_826 : i32 to index
        %get3A_828 = arith.index_cast %multiple_of3A_822 : i32 to index
        %get3A_829 = arith.constant 0 : index
        %get3A_830 = vector.load %arg9[%get3A_827, %get3A_828, %get3A_829] : memref<38x224x96xf32, #tpu.memory_space<vmem>>, vector<14x8x96xf32>
        %get3A_831 = arith.index_cast %multiple_of3A_826 : i32 to index
        %get3A_832 = arith.index_cast %multiple_of3A_822 : i32 to index
        %get3A_833 = arith.constant 0 : index
        %get3A_834 = vector.load %arg10[%get3A_831, %get3A_832, %get3A_833] : memref<32x224x96xf32, #tpu.memory_space<vmem>>, vector<8x8x96xf32>
        %slice3A_835 = vector.extract_strided_slice %get3A_830 {offsets = [0, 0, 0], sizes = [8, 8, 96], strides = [1, 1, 1]} : vector<14x8x96xf32> to vector<8x8x96xf32>
        %slice3A_836 = vector.extract_strided_slice %get3A_84 {offsets = [0, 0], sizes = [1, 96], strides = [1, 1]} : vector<7x96xf32> to vector<1x96xf32>
        %squeeze3A_837 = vector.shape_cast %slice3A_836 : vector<1x96xf32> to vector<96xf32>
        %broadcast_in_dim3A_838 = vector.shape_cast %squeeze3A_837 : vector<96xf32> to vector<1x1x96xf32>
        %mul3A_839 = vector.broadcast %broadcast_in_dim3A_838 : vector<1x1x96xf32> to vector<8x8x96xf32>
        %mul3A_840 = arith.mulf %slice3A_835, %mul3A_839 : vector<8x8x96xf32>
        %add3A_841 = arith.addf %get3A_834, %mul3A_840 : vector<8x8x96xf32>
        %slice3A_842 = vector.extract_strided_slice %get3A_830 {offsets = [1, 0, 0], sizes = [8, 8, 96], strides = [1, 1, 1]} : vector<14x8x96xf32> to vector<8x8x96xf32>
        %slice3A_843 = vector.extract_strided_slice %get3A_84 {offsets = [1, 0], sizes = [1, 96], strides = [1, 1]} : vector<7x96xf32> to vector<1x96xf32>
        %squeeze3A_844 = vector.shape_cast %slice3A_843 : vector<1x96xf32> to vector<96xf32>
        %broadcast_in_dim3A_845 = vector.shape_cast %squeeze3A_844 : vector<96xf32> to vector<1x1x96xf32>
        %mul3A_846 = vector.broadcast %broadcast_in_dim3A_845 : vector<1x1x96xf32> to vector<8x8x96xf32>
        %mul3A_847 = arith.mulf %slice3A_842, %mul3A_846 : vector<8x8x96xf32>
        %add3A_848 = arith.addf %add3A_841, %mul3A_847 : vector<8x8x96xf32>
        %slice3A_849 = vector.extract_strided_slice %get3A_830 {offsets = [2, 0, 0], sizes = [8, 8, 96], strides = [1, 1, 1]} : vector<14x8x96xf32> to vector<8x8x96xf32>
        %slice3A_850 = vector.extract_strided_slice %get3A_84 {offsets = [2, 0], sizes = [1, 96], strides = [1, 1]} : vector<7x96xf32> to vector<1x96xf32>
        %squeeze3A_851 = vector.shape_cast %slice3A_850 : vector<1x96xf32> to vector<96xf32>
        %broadcast_in_dim3A_852 = vector.shape_cast %squeeze3A_851 : vector<96xf32> to vector<1x1x96xf32>
        %mul3A_853 = vector.broadcast %broadcast_in_dim3A_852 : vector<1x1x96xf32> to vector<8x8x96xf32>
        %mul3A_854 = arith.mulf %slice3A_849, %mul3A_853 : vector<8x8x96xf32>
        %add3A_855 = arith.addf %add3A_848, %mul3A_854 : vector<8x8x96xf32>
        %slice3A_856 = vector.extract_strided_slice %get3A_830 {offsets = [3, 0, 0], sizes = [8, 8, 96], strides = [1, 1, 1]} : vector<14x8x96xf32> to vector<8x8x96xf32>
        %slice3A_857 = vector.extract_strided_slice %get3A_84 {offsets = [3, 0], sizes = [1, 96], strides = [1, 1]} : vector<7x96xf32> to vector<1x96xf32>
        %squeeze3A_858 = vector.shape_cast %slice3A_857 : vector<1x96xf32> to vector<96xf32>
        %broadcast_in_dim3A_859 = vector.shape_cast %squeeze3A_858 : vector<96xf32> to vector<1x1x96xf32>
        %mul3A_860 = vector.broadcast %broadcast_in_dim3A_859 : vector<1x1x96xf32> to vector<8x8x96xf32>
        %mul3A_861 = arith.mulf %slice3A_856, %mul3A_860 : vector<8x8x96xf32>
        %add3A_862 = arith.addf %add3A_855, %mul3A_861 : vector<8x8x96xf32>
        %slice3A_863 = vector.extract_strided_slice %get3A_830 {offsets = [4, 0, 0], sizes = [8, 8, 96], strides = [1, 1, 1]} : vector<14x8x96xf32> to vector<8x8x96xf32>
        %slice3A_864 = vector.extract_strided_slice %get3A_84 {offsets = [4, 0], sizes = [1, 96], strides = [1, 1]} : vector<7x96xf32> to vector<1x96xf32>
        %squeeze3A_865 = vector.shape_cast %slice3A_864 : vector<1x96xf32> to vector<96xf32>
        %broadcast_in_dim3A_866 = vector.shape_cast %squeeze3A_865 : vector<96xf32> to vector<1x1x96xf32>
        %mul3A_867 = vector.broadcast %broadcast_in_dim3A_866 : vector<1x1x96xf32> to vector<8x8x96xf32>
        %mul3A_868 = arith.mulf %slice3A_863, %mul3A_867 : vector<8x8x96xf32>
        %add3A_869 = arith.addf %add3A_862, %mul3A_868 : vector<8x8x96xf32>
        %slice3A_870 = vector.extract_strided_slice %get3A_830 {offsets = [5, 0, 0], sizes = [8, 8, 96], strides = [1, 1, 1]} : vector<14x8x96xf32> to vector<8x8x96xf32>
        %slice3A_871 = vector.extract_strided_slice %get3A_84 {offsets = [5, 0], sizes = [1, 96], strides = [1, 1]} : vector<7x96xf32> to vector<1x96xf32>
        %squeeze3A_872 = vector.shape_cast %slice3A_871 : vector<1x96xf32> to vector<96xf32>
        %broadcast_in_dim3A_873 = vector.shape_cast %squeeze3A_872 : vector<96xf32> to vector<1x1x96xf32>
        %mul3A_874 = vector.broadcast %broadcast_in_dim3A_873 : vector<1x1x96xf32> to vector<8x8x96xf32>
        %mul3A_875 = arith.mulf %slice3A_870, %mul3A_874 : vector<8x8x96xf32>
        %add3A_876 = arith.addf %add3A_869, %mul3A_875 : vector<8x8x96xf32>
        %slice3A_877 = vector.extract_strided_slice %get3A_830 {offsets = [6, 0, 0], sizes = [8, 8, 96], strides = [1, 1, 1]} : vector<14x8x96xf32> to vector<8x8x96xf32>
        %slice3A_878 = vector.extract_strided_slice %get3A_84 {offsets = [6, 0], sizes = [1, 96], strides = [1, 1]} : vector<7x96xf32> to vector<1x96xf32>
        %squeeze3A_879 = vector.shape_cast %slice3A_878 : vector<1x96xf32> to vector<96xf32>
        %broadcast_in_dim3A_880 = vector.shape_cast %squeeze3A_879 : vector<96xf32> to vector<1x1x96xf32>
        %mul3A_881 = vector.broadcast %broadcast_in_dim3A_880 : vector<1x1x96xf32> to vector<8x8x96xf32>
        %mul3A_882 = arith.mulf %slice3A_877, %mul3A_881 : vector<8x8x96xf32>
        %add3A_883 = arith.addf %add3A_876, %mul3A_882 : vector<8x8x96xf32>
        %swap3A_884 = arith.index_cast %multiple_of3A_826 : i32 to index
        %swap3A_885 = arith.index_cast %multiple_of3A_822 : i32 to index
        %swap3A_886 = arith.constant 0 : index
        %swap3A_887 = vector.load %arg10[%swap3A_884, %swap3A_885, %swap3A_886] : memref<32x224x96xf32, #tpu.memory_space<vmem>>, vector<8x8x96xf32>
        tpu.vector_store %arg10[%swap3A_884, %swap3A_885, %swap3A_886], %add3A_883 {strides = array<i32>} : memref<32x224x96xf32, #tpu.memory_space<vmem>>, vector<8x8x96xf32>,
        %get3A_888 = arith.index_cast %multiple_of3A_826 : i32 to index
        %get3A_889 = arith.index_cast %multiple_of3A_822 : i32 to index
        %get3A_890 = arith.constant 0 : index
        %get3A_891 = vector.load %arg11[%get3A_888, %get3A_889, %get3A_890] : memref<32x224x96xf32, #tpu.memory_space<vmem>>, vector<8x8x96xf32>
        %slice3A_892 = vector.extract_strided_slice %get3A_830 {offsets = [0, 0, 0], sizes = [8, 8, 96], strides = [1, 1, 1]} : vector<14x8x96xf32> to vector<8x8x96xf32>
        %slice3A_893 = vector.extract_strided_slice %get3A_90 {offsets = [0, 0], sizes = [1, 96], strides = [1, 1]} : vector<7x96xf32> to vector<1x96xf32>
        %squeeze3A_894 = vector.shape_cast %slice3A_893 : vector<1x96xf32> to vector<96xf32>
        %broadcast_in_dim3A_895 = vector.shape_cast %squeeze3A_894 : vector<96xf32> to vector<1x1x96xf32>
        %mul3A_896 = vector.broadcast %broadcast_in_dim3A_895 : vector<1x1x96xf32> to vector<8x8x96xf32>
        %mul3A_897 = arith.mulf %slice3A_892, %mul3A_896 : vector<8x8x96xf32>
        %add3A_898 = arith.addf %get3A_891, %mul3A_897 : vector<8x8x96xf32>
        %slice3A_899 = vector.extract_strided_slice %get3A_830 {offsets = [1, 0, 0], sizes = [8, 8, 96], strides = [1, 1, 1]} : vector<14x8x96xf32> to vector<8x8x96xf32>
        %slice3A_900 = vector.extract_strided_slice %get3A_90 {offsets = [1, 0], sizes = [1, 96], strides = [1, 1]} : vector<7x96xf32> to vector<1x96xf32>
        %squeeze3A_901 = vector.shape_cast %slice3A_900 : vector<1x96xf32> to vector<96xf32>
        %broadcast_in_dim3A_902 = vector.shape_cast %squeeze3A_901 : vector<96xf32> to vector<1x1x96xf32>
        %mul3A_903 = vector.broadcast %broadcast_in_dim3A_902 : vector<1x1x96xf32> to vector<8x8x96xf32>
        %mul3A_904 = arith.mulf %slice3A_899, %mul3A_903 : vector<8x8x96xf32>
        %add3A_905 = arith.addf %add3A_898, %mul3A_904 : vector<8x8x96xf32>
        %slice3A_906 = vector.extract_strided_slice %get3A_830 {offsets = [2, 0, 0], sizes = [8, 8, 96], strides = [1, 1, 1]} : vector<14x8x96xf32> to vector<8x8x96xf32>
        %slice3A_907 = vector.extract_strided_slice %get3A_90 {offsets = [2, 0], sizes = [1, 96], strides = [1, 1]} : vector<7x96xf32> to vector<1x96xf32>
        %squeeze3A_908 = vector.shape_cast %slice3A_907 : vector<1x96xf32> to vector<96xf32>
        %broadcast_in_dim3A_909 = vector.shape_cast %squeeze3A_908 : vector<96xf32> to vector<1x1x96xf32>
        %mul3A_910 = vector.broadcast %broadcast_in_dim3A_909 : vector<1x1x96xf32> to vector<8x8x96xf32>
        %mul3A_911 = arith.mulf %slice3A_906, %mul3A_910 : vector<8x8x96xf32>
        %add3A_912 = arith.addf %add3A_905, %mul3A_911 : vector<8x8x96xf32>
        %slice3A_913 = vector.extract_strided_slice %get3A_830 {offsets = [3, 0, 0], sizes = [8, 8, 96], strides = [1, 1, 1]} : vector<14x8x96xf32> to vector<8x8x96xf32>
        %slice3A_914 = vector.extract_strided_slice %get3A_90 {offsets = [3, 0], sizes = [1, 96], strides = [1, 1]} : vector<7x96xf32> to vector<1x96xf32>
        %squeeze3A_915 = vector.shape_cast %slice3A_914 : vector<1x96xf32> to vector<96xf32>
        %broadcast_in_dim3A_916 = vector.shape_cast %squeeze3A_915 : vector<96xf32> to vector<1x1x96xf32>
        %mul3A_917 = vector.broadcast %broadcast_in_dim3A_916 : vector<1x1x96xf32> to vector<8x8x96xf32>
        %mul3A_918 = arith.mulf %slice3A_913, %mul3A_917 : vector<8x8x96xf32>
        %add3A_919 = arith.addf %add3A_912, %mul3A_918 : vector<8x8x96xf32>
        %slice3A_920 = vector.extract_strided_slice %get3A_830 {offsets = [4, 0, 0], sizes = [8, 8, 96], strides = [1, 1, 1]} : vector<14x8x96xf32> to vector<8x8x96xf32>
        %slice3A_921 = vector.extract_strided_slice %get3A_90 {offsets = [4, 0], sizes = [1, 96], strides = [1, 1]} : vector<7x96xf32> to vector<1x96xf32>
        %squeeze3A_922 = vector.shape_cast %slice3A_921 : vector<1x96xf32> to vector<96xf32>
        %broadcast_in_dim3A_923 = vector.shape_cast %squeeze3A_922 : vector<96xf32> to vector<1x1x96xf32>
        %mul3A_924 = vector.broadcast %broadcast_in_dim3A_923 : vector<1x1x96xf32> to vector<8x8x96xf32>
        %mul3A_925 = arith.mulf %slice3A_920, %mul3A_924 : vector<8x8x96xf32>
        %add3A_926 = arith.addf %add3A_919, %mul3A_925 : vector<8x8x96xf32>
        %slice3A_927 = vector.extract_strided_slice %get3A_830 {offsets = [5, 0, 0], sizes = [8, 8, 96], strides = [1, 1, 1]} : vector<14x8x96xf32> to vector<8x8x96xf32>
        %slice3A_928 = vector.extract_strided_slice %get3A_90 {offsets = [5, 0], sizes = [1, 96], strides = [1, 1]} : vector<7x96xf32> to vector<1x96xf32>
        %squeeze3A_929 = vector.shape_cast %slice3A_928 : vector<1x96xf32> to vector<96xf32>
        %broadcast_in_dim3A_930 = vector.shape_cast %squeeze3A_929 : vector<96xf32> to vector<1x1x96xf32>
        %mul3A_931 = vector.broadcast %broadcast_in_dim3A_930 : vector<1x1x96xf32> to vector<8x8x96xf32>
        %mul3A_932 = arith.mulf %slice3A_927, %mul3A_931 : vector<8x8x96xf32>
        %add3A_933 = arith.addf %add3A_926, %mul3A_932 : vector<8x8x96xf32>
        %slice3A_934 = vector.extract_strided_slice %get3A_830 {offsets = [6, 0, 0], sizes = [8, 8, 96], strides = [1, 1, 1]} : vector<14x8x96xf32> to vector<8x8x96xf32>
        %slice3A_935 = vector.extract_strided_slice %get3A_90 {offsets = [6, 0], sizes = [1, 96], strides = [1, 1]} : vector<7x96xf32> to vector<1x96xf32>
        %squeeze3A_936 = vector.shape_cast %slice3A_935 : vector<1x96xf32> to vector<96xf32>
        %broadcast_in_dim3A_937 = vector.shape_cast %squeeze3A_936 : vector<96xf32> to vector<1x1x96xf32>
        %mul3A_938 = vector.broadcast %broadcast_in_dim3A_937 : vector<1x1x96xf32> to vector<8x8x96xf32>
        %mul3A_939 = arith.mulf %slice3A_934, %mul3A_938 : vector<8x8x96xf32>
        %add3A_940 = arith.addf %add3A_933, %mul3A_939 : vector<8x8x96xf32>
        %swap3A_941 = arith.index_cast %multiple_of3A_826 : i32 to index
        %swap3A_942 = arith.index_cast %multiple_of3A_822 : i32 to index
        %swap3A_943 = arith.constant 0 : index
        %swap3A_944 = vector.load %arg11[%swap3A_941, %swap3A_942, %swap3A_943] : memref<32x224x96xf32, #tpu.memory_space<vmem>>, vector<8x8x96xf32>
        tpu.vector_store %arg11[%swap3A_941, %swap3A_942, %swap3A_943], %add3A_940 {strides = array<i32>} : memref<32x224x96xf32, #tpu.memory_space<vmem>>, vector<8x8x96xf32>,
        %get3A_945 = arith.index_cast %multiple_of3A_826 : i32 to index
        %get3A_946 = arith.index_cast %multiple_of3A_822 : i32 to index
        %get3A_947 = arith.constant 0 : index
        %get3A_948 = vector.load %arg12[%get3A_945, %get3A_946, %get3A_947] : memref<32x224x96xf32, #tpu.memory_space<vmem>>, vector<8x8x96xf32>
        %slice3A_949 = vector.extract_strided_slice %get3A_830 {offsets = [0, 0, 0], sizes = [8, 8, 96], strides = [1, 1, 1]} : vector<14x8x96xf32> to vector<8x8x96xf32>
        %slice3A_950 = vector.extract_strided_slice %get3A_95 {offsets = [0, 0], sizes = [1, 96], strides = [1, 1]} : vector<7x96xf32> to vector<1x96xf32>
        %squeeze3A_951 = vector.shape_cast %slice3A_950 : vector<1x96xf32> to vector<96xf32>
        %broadcast_in_dim3A_952 = vector.shape_cast %squeeze3A_951 : vector<96xf32> to vector<1x1x96xf32>
        %mul3A_953 = vector.broadcast %broadcast_in_dim3A_952 : vector<1x1x96xf32> to vector<8x8x96xf32>
        %mul3A_954 = arith.mulf %slice3A_949, %mul3A_953 : vector<8x8x96xf32>
        %add3A_955 = arith.addf %get3A_948, %mul3A_954 : vector<8x8x96xf32>
        %slice3A_956 = vector.extract_strided_slice %get3A_830 {offsets = [1, 0, 0], sizes = [8, 8, 96], strides = [1, 1, 1]} : vector<14x8x96xf32> to vector<8x8x96xf32>
        %slice3A_957 = vector.extract_strided_slice %get3A_95 {offsets = [1, 0], sizes = [1, 96], strides = [1, 1]} : vector<7x96xf32> to vector<1x96xf32>
        %squeeze3A_958 = vector.shape_cast %slice3A_957 : vector<1x96xf32> to vector<96xf32>
        %broadcast_in_dim3A_959 = vector.shape_cast %squeeze3A_958 : vector<96xf32> to vector<1x1x96xf32>
        %mul3A_960 = vector.broadcast %broadcast_in_dim3A_959 : vector<1x1x96xf32> to vector<8x8x96xf32>
        %mul3A_961 = arith.mulf %slice3A_956, %mul3A_960 : vector<8x8x96xf32>
        %add3A_962 = arith.addf %add3A_955, %mul3A_961 : vector<8x8x96xf32>
        %slice3A_963 = vector.extract_strided_slice %get3A_830 {offsets = [2, 0, 0], sizes = [8, 8, 96], strides = [1, 1, 1]} : vector<14x8x96xf32> to vector<8x8x96xf32>
        %slice3A_964 = vector.extract_strided_slice %get3A_95 {offsets = [2, 0], sizes = [1, 96], strides = [1, 1]} : vector<7x96xf32> to vector<1x96xf32>
        %squeeze3A_965 = vector.shape_cast %slice3A_964 : vector<1x96xf32> to vector<96xf32>
        %broadcast_in_dim3A_966 = vector.shape_cast %squeeze3A_965 : vector<96xf32> to vector<1x1x96xf32>
        %mul3A_967 = vector.broadcast %broadcast_in_dim3A_966 : vector<1x1x96xf32> to vector<8x8x96xf32>
        %mul3A_968 = arith.mulf %slice3A_963, %mul3A_967 : vector<8x8x96xf32>
        %add3A_969 = arith.addf %add3A_962, %mul3A_968 : vector<8x8x96xf32>
        %slice3A_970 = vector.extract_strided_slice %get3A_830 {offsets = [3, 0, 0], sizes = [8, 8, 96], strides = [1, 1, 1]} : vector<14x8x96xf32> to vector<8x8x96xf32>
        %slice3A_971 = vector.extract_strided_slice %get3A_95 {offsets = [3, 0], sizes = [1, 96], strides = [1, 1]} : vector<7x96xf32> to vector<1x96xf32>
        %squeeze3A_972 = vector.shape_cast %slice3A_971 : vector<1x96xf32> to vector<96xf32>
        %broadcast_in_dim3A_973 = vector.shape_cast %squeeze3A_972 : vector<96xf32> to vector<1x1x96xf32>
        %mul3A_974 = vector.broadcast %broadcast_in_dim3A_973 : vector<1x1x96xf32> to vector<8x8x96xf32>
        %mul3A_975 = arith.mulf %slice3A_970, %mul3A_974 : vector<8x8x96xf32>
        %add3A_976 = arith.addf %add3A_969, %mul3A_975 : vector<8x8x96xf32>
        %slice3A_977 = vector.extract_strided_slice %get3A_830 {offsets = [4, 0, 0], sizes = [8, 8, 96], strides = [1, 1, 1]} : vector<14x8x96xf32> to vector<8x8x96xf32>
        %slice3A_978 = vector.extract_strided_slice %get3A_95 {offsets = [4, 0], sizes = [1, 96], strides = [1, 1]} : vector<7x96xf32> to vector<1x96xf32>
        %squeeze3A_979 = vector.shape_cast %slice3A_978 : vector<1x96xf32> to vector<96xf32>
        %broadcast_in_dim3A_980 = vector.shape_cast %squeeze3A_979 : vector<96xf32> to vector<1x1x96xf32>
        %mul3A_981 = vector.broadcast %broadcast_in_dim3A_980 : vector<1x1x96xf32> to vector<8x8x96xf32>
        %mul3A_982 = arith.mulf %slice3A_977, %mul3A_981 : vector<8x8x96xf32>
        %add3A_983 = arith.addf %add3A_976, %mul3A_982 : vector<8x8x96xf32>
        %slice3A_984 = vector.extract_strided_slice %get3A_830 {offsets = [5, 0, 0], sizes = [8, 8, 96], strides = [1, 1, 1]} : vector<14x8x96xf32> to vector<8x8x96xf32>
        %slice3A_985 = vector.extract_strided_slice %get3A_95 {offsets = [5, 0], sizes = [1, 96], strides = [1, 1]} : vector<7x96xf32> to vector<1x96xf32>
        %squeeze3A_986 = vector.shape_cast %slice3A_985 : vector<1x96xf32> to vector<96xf32>
        %broadcast_in_dim3A_987 = vector.shape_cast %squeeze3A_986 : vector<96xf32> to vector<1x1x96xf32>
        %mul3A_988 = vector.broadcast %broadcast_in_dim3A_987 : vector<1x1x96xf32> to vector<8x8x96xf32>
        %mul3A_989 = arith.mulf %slice3A_984, %mul3A_988 : vector<8x8x96xf32>
        %add3A_990 = arith.addf %add3A_983, %mul3A_989 : vector<8x8x96xf32>
        %slice3A_991 = vector.extract_strided_slice %get3A_830 {offsets = [6, 0, 0], sizes = [8, 8, 96], strides = [1, 1, 1]} : vector<14x8x96xf32> to vector<8x8x96xf32>
        %slice3A_992 = vector.extract_strided_slice %get3A_95 {offsets = [6, 0], sizes = [1, 96], strides = [1, 1]} : vector<7x96xf32> to vector<1x96xf32>
        %squeeze3A_993 = vector.shape_cast %slice3A_992 : vector<1x96xf32> to vector<96xf32>
        %broadcast_in_dim3A_994 = vector.shape_cast %squeeze3A_993 : vector<96xf32> to vector<1x1x96xf32>
        %mul3A_995 = vector.broadcast %broadcast_in_dim3A_994 : vector<1x1x96xf32> to vector<8x8x96xf32>
        %mul3A_996 = arith.mulf %slice3A_991, %mul3A_995 : vector<8x8x96xf32>
        %add3A_997 = arith.addf %add3A_990, %mul3A_996 : vector<8x8x96xf32>
        %swap3A_998 = arith.index_cast %multiple_of3A_826 : i32 to index
        %swap3A_999 = arith.index_cast %multiple_of3A_822 : i32 to index
        %swap3A_1000 = arith.constant 0 : index
        %swap3A_1001 = vector.load %arg12[%swap3A_998, %swap3A_999, %swap3A_1000] : memref<32x224x96xf32, #tpu.memory_space<vmem>>, vector<8x8x96xf32>
        tpu.vector_store %arg12[%swap3A_998, %swap3A_999, %swap3A_1000], %add3A_997 {strides = array<i32>} : memref<32x224x96xf32, #tpu.memory_space<vmem>>, vector<8x8x96xf32>,
        %scan3A_1002 = arith.constant 1 : i32
        %mul3A_1003 = arith.constant 8 : i32
        %mul3A_1004 = arith.muli %scan3A_1002, %mul3A_1003 : i32
        %multiple_of3A_1005 = tpu.assume_multiple %mul3A_1004, 8 : i32
        %get3A_1006 = arith.index_cast %multiple_of3A_1005 : i32 to index
        %get3A_1007 = arith.index_cast %multiple_of3A_822 : i32 to index
        %get3A_1008 = arith.constant 0 : index
        %get3A_1009 = vector.load %arg9[%get3A_1006, %get3A_1007, %get3A_1008] : memref<38x224x96xf32, #tpu.memory_space<vmem>>, vector<14x8x96xf32>
        %get3A_1010 = arith.index_cast %multiple_of3A_1005 : i32 to index
        %get3A_1011 = arith.index_cast %multiple_of3A_822 : i32 to index
        %get3A_1012 = arith.constant 0 : index
        %get3A_1013 = vector.load %arg10[%get3A_1010, %get3A_1011, %get3A_1012] : memref<32x224x96xf32, #tpu.memory_space<vmem>>, vector<8x8x96xf32>
        %slice3A_1014 = vector.extract_strided_slice %get3A_1009 {offsets = [0, 0, 0], sizes = [8, 8, 96], strides = [1, 1, 1]} : vector<14x8x96xf32> to vector<8x8x96xf32>
        %slice3A_1015 = vector.extract_strided_slice %get3A_84 {offsets = [0, 0], sizes = [1, 96], strides = [1, 1]} : vector<7x96xf32> to vector<1x96xf32>
        %squeeze3A_1016 = vector.shape_cast %slice3A_1015 : vector<1x96xf32> to vector<96xf32>
        %broadcast_in_dim3A_1017 = vector.shape_cast %squeeze3A_1016 : vector<96xf32> to vector<1x1x96xf32>
        %mul3A_1018 = vector.broadcast %broadcast_in_dim3A_1017 : vector<1x1x96xf32> to vector<8x8x96xf32>
        %mul3A_1019 = arith.mulf %slice3A_1014, %mul3A_1018 : vector<8x8x96xf32>
        %add3A_1020 = arith.addf %get3A_1013, %mul3A_1019 : vector<8x8x96xf32>
        %slice3A_1021 = vector.extract_strided_slice %get3A_1009 {offsets = [1, 0, 0], sizes = [8, 8, 96], strides = [1, 1, 1]} : vector<14x8x96xf32> to vector<8x8x96xf32>
        %slice3A_1022 = vector.extract_strided_slice %get3A_84 {offsets = [1, 0], sizes = [1, 96], strides = [1, 1]} : vector<7x96xf32> to vector<1x96xf32>
        %squeeze3A_1023 = vector.shape_cast %slice3A_1022 : vector<1x96xf32> to vector<96xf32>
        %broadcast_in_dim3A_1024 = vector.shape_cast %squeeze3A_1023 : vector<96xf32> to vector<1x1x96xf32>
        %mul3A_1025 = vector.broadcast %broadcast_in_dim3A_1024 : vector<1x1x96xf32> to vector<8x8x96xf32>
        %mul3A_1026 = arith.mulf %slice3A_1021, %mul3A_1025 : vector<8x8x96xf32>
        %add3A_1027 = arith.addf %add3A_1020, %mul3A_1026 : vector<8x8x96xf32>
        %slice3A_1028 = vector.extract_strided_slice %get3A_1009 {offsets = [2, 0, 0], sizes = [8, 8, 96], strides = [1, 1, 1]} : vector<14x8x96xf32> to vector<8x8x96xf32>
        %slice3A_1029 = vector.extract_strided_slice %get3A_84 {offsets = [2, 0], sizes = [1, 96], strides = [1, 1]} : vector<7x96xf32> to vector<1x96xf32>
        %squeeze3A_1030 = vector.shape_cast %slice3A_1029 : vector<1x96xf32> to vector<96xf32>
        %broadcast_in_dim3A_1031 = vector.shape_cast %squeeze3A_1030 : vector<96xf32> to vector<1x1x96xf32>
        %mul3A_1032 = vector.broadcast %broadcast_in_dim3A_1031 : vector<1x1x96xf32> to vector<8x8x96xf32>
        %mul3A_1033 = arith.mulf %slice3A_1028, %mul3A_1032 : vector<8x8x96xf32>
        %add3A_1034 = arith.addf %add3A_1027, %mul3A_1033 : vector<8x8x96xf32>
        %slice3A_1035 = vector.extract_strided_slice %get3A_1009 {offsets = [3, 0, 0], sizes = [8, 8, 96], strides = [1, 1, 1]} : vector<14x8x96xf32> to vector<8x8x96xf32>
        %slice3A_1036 = vector.extract_strided_slice %get3A_84 {offsets = [3, 0], sizes = [1, 96], strides = [1, 1]} : vector<7x96xf32> to vector<1x96xf32>
        %squeeze3A_1037 = vector.shape_cast %slice3A_1036 : vector<1x96xf32> to vector<96xf32>
        %broadcast_in_dim3A_1038 = vector.shape_cast %squeeze3A_1037 : vector<96xf32> to vector<1x1x96xf32>
        %mul3A_1039 = vector.broadcast %broadcast_in_dim3A_1038 : vector<1x1x96xf32> to vector<8x8x96xf32>
        %mul3A_1040 = arith.mulf %slice3A_1035, %mul3A_1039 : vector<8x8x96xf32>
        %add3A_1041 = arith.addf %add3A_1034, %mul3A_1040 : vector<8x8x96xf32>
        %slice3A_1042 = vector.extract_strided_slice %get3A_1009 {offsets = [4, 0, 0], sizes = [8, 8, 96], strides = [1, 1, 1]} : vector<14x8x96xf32> to vector<8x8x96xf32>
        %slice3A_1043 = vector.extract_strided_slice %get3A_84 {offsets = [4, 0], sizes = [1, 96], strides = [1, 1]} : vector<7x96xf32> to vector<1x96xf32>
        %squeeze3A_1044 = vector.shape_cast %slice3A_1043 : vector<1x96xf32> to vector<96xf32>
        %broadcast_in_dim3A_1045 = vector.shape_cast %squeeze3A_1044 : vector<96xf32> to vector<1x1x96xf32>
        %mul3A_1046 = vector.broadcast %broadcast_in_dim3A_1045 : vector<1x1x96xf32> to vector<8x8x96xf32>
        %mul3A_1047 = arith.mulf %slice3A_1042, %mul3A_1046 : vector<8x8x96xf32>
        %add3A_1048 = arith.addf %add3A_1041, %mul3A_1047 : vector<8x8x96xf32>
        %slice3A_1049 = vector.extract_strided_slice %get3A_1009 {offsets = [5, 0, 0], sizes = [8, 8, 96], strides = [1, 1, 1]} : vector<14x8x96xf32> to vector<8x8x96xf32>
        %slice3A_1050 = vector.extract_strided_slice %get3A_84 {offsets = [5, 0], sizes = [1, 96], strides = [1, 1]} : vector<7x96xf32> to vector<1x96xf32>
        %squeeze3A_1051 = vector.shape_cast %slice3A_1050 : vector<1x96xf32> to vector<96xf32>
        %broadcast_in_dim3A_1052 = vector.shape_cast %squeeze3A_1051 : vector<96xf32> to vector<1x1x96xf32>
        %mul3A_1053 = vector.broadcast %broadcast_in_dim3A_1052 : vector<1x1x96xf32> to vector<8x8x96xf32>
        %mul3A_1054 = arith.mulf %slice3A_1049, %mul3A_1053 : vector<8x8x96xf32>
        %add3A_1055 = arith.addf %add3A_1048, %mul3A_1054 : vector<8x8x96xf32>
        %slice3A_1056 = vector.extract_strided_slice %get3A_1009 {offsets = [6, 0, 0], sizes = [8, 8, 96], strides = [1, 1, 1]} : vector<14x8x96xf32> to vector<8x8x96xf32>
        %slice3A_1057 = vector.extract_strided_slice %get3A_84 {offsets = [6, 0], sizes = [1, 96], strides = [1, 1]} : vector<7x96xf32> to vector<1x96xf32>
        %squeeze3A_1058 = vector.shape_cast %slice3A_1057 : vector<1x96xf32> to vector<96xf32>
        %broadcast_in_dim3A_1059 = vector.shape_cast %squeeze3A_1058 : vector<96xf32> to vector<1x1x96xf32>
        %mul3A_1060 = vector.broadcast %broadcast_in_dim3A_1059 : vector<1x1x96xf32> to vector<8x8x96xf32>
        %mul3A_1061 = arith.mulf %slice3A_1056, %mul3A_1060 : vector<8x8x96xf32>
        %add3A_1062 = arith.addf %add3A_1055, %mul3A_1061 : vector<8x8x96xf32>
        %swap3A_1063 = arith.index_cast %multiple_of3A_1005 : i32 to index
        %swap3A_1064 = arith.index_cast %multiple_of3A_822 : i32 to index
        %swap3A_1065 = arith.constant 0 : index
        %swap3A_1066 = vector.load %arg10[%swap3A_1063, %swap3A_1064, %swap3A_1065] : memref<32x224x96xf32, #tpu.memory_space<vmem>>, vector<8x8x96xf32>
        tpu.vector_store %arg10[%swap3A_1063, %swap3A_1064, %swap3A_1065], %add3A_1062 {strides = array<i32>} : memref<32x224x96xf32, #tpu.memory_space<vmem>>, vector<8x8x96xf32>,
        %get3A_1067 = arith.index_cast %multiple_of3A_1005 : i32 to index
        %get3A_1068 = arith.index_cast %multiple_of3A_822 : i32 to index
        %get3A_1069 = arith.constant 0 : index
        %get3A_1070 = vector.load %arg11[%get3A_1067, %get3A_1068, %get3A_1069] : memref<32x224x96xf32, #tpu.memory_space<vmem>>, vector<8x8x96xf32>
        %slice3A_1071 = vector.extract_strided_slice %get3A_1009 {offsets = [0, 0, 0], sizes = [8, 8, 96], strides = [1, 1, 1]} : vector<14x8x96xf32> to vector<8x8x96xf32>
        %slice3A_1072 = vector.extract_strided_slice %get3A_90 {offsets = [0, 0], sizes = [1, 96], strides = [1, 1]} : vector<7x96xf32> to vector<1x96xf32>
        %squeeze3A_1073 = vector.shape_cast %slice3A_1072 : vector<1x96xf32> to vector<96xf32>
        %broadcast_in_dim3A_1074 = vector.shape_cast %squeeze3A_1073 : vector<96xf32> to vector<1x1x96xf32>
        %mul3A_1075 = vector.broadcast %broadcast_in_dim3A_1074 : vector<1x1x96xf32> to vector<8x8x96xf32>
        %mul3A_1076 = arith.mulf %slice3A_1071, %mul3A_1075 : vector<8x8x96xf32>
        %add3A_1077 = arith.addf %get3A_1070, %mul3A_1076 : vector<8x8x96xf32>
        %slice3A_1078 = vector.extract_strided_slice %get3A_1009 {offsets = [1, 0, 0], sizes = [8, 8, 96], strides = [1, 1, 1]} : vector<14x8x96xf32> to vector<8x8x96xf32>
        %slice3A_1079 = vector.extract_strided_slice %get3A_90 {offsets = [1, 0], sizes = [1, 96], strides = [1, 1]} : vector<7x96xf32> to vector<1x96xf32>
        %squeeze3A_1080 = vector.shape_cast %slice3A_1079 : vector<1x96xf32> to vector<96xf32>
        %broadcast_in_dim3A_1081 = vector.shape_cast %squeeze3A_1080 : vector<96xf32> to vector<1x1x96xf32>
        %mul3A_1082 = vector.broadcast %broadcast_in_dim3A_1081 : vector<1x1x96xf32> to vector<8x8x96xf32>
        %mul3A_1083 = arith.mulf %slice3A_1078, %mul3A_1082 : vector<8x8x96xf32>
        %add3A_1084 = arith.addf %add3A_1077, %mul3A_1083 : vector<8x8x96xf32>
        %slice3A_1085 = vector.extract_strided_slice %get3A_1009 {offsets = [2, 0, 0], sizes = [8, 8, 96], strides = [1, 1, 1]} : vector<14x8x96xf32> to vector<8x8x96xf32>
        %slice3A_1086 = vector.extract_strided_slice %get3A_90 {offsets = [2, 0], sizes = [1, 96], strides = [1, 1]} : vector<7x96xf32> to vector<1x96xf32>
        %squeeze3A_1087 = vector.shape_cast %slice3A_1086 : vector<1x96xf32> to vector<96xf32>
        %broadcast_in_dim3A_1088 = vector.shape_cast %squeeze3A_1087 : vector<96xf32> to vector<1x1x96xf32>
        %mul3A_1089 = vector.broadcast %broadcast_in_dim3A_1088 : vector<1x1x96xf32> to vector<8x8x96xf32>
        %mul3A_1090 = arith.mulf %slice3A_1085, %mul3A_1089 : vector<8x8x96xf32>
        %add3A_1091 = arith.addf %add3A_1084, %mul3A_1090 : vector<8x8x96xf32>
        %slice3A_1092 = vector.extract_strided_slice %get3A_1009 {offsets = [3, 0, 0], sizes = [8, 8, 96], strides = [1, 1, 1]} : vector<14x8x96xf32> to vector<8x8x96xf32>
        %slice3A_1093 = vector.extract_strided_slice %get3A_90 {offsets = [3, 0], sizes = [1, 96], strides = [1, 1]} : vector<7x96xf32> to vector<1x96xf32>
        %squeeze3A_1094 = vector.shape_cast %slice3A_1093 : vector<1x96xf32> to vector<96xf32>
        %broadcast_in_dim3A_1095 = vector.shape_cast %squeeze3A_1094 : vector<96xf32> to vector<1x1x96xf32>
        %mul3A_1096 = vector.broadcast %broadcast_in_dim3A_1095 : vector<1x1x96xf32> to vector<8x8x96xf32>
        %mul3A_1097 = arith.mulf %slice3A_1092, %mul3A_1096 : vector<8x8x96xf32>
        %add3A_1098 = arith.addf %add3A_1091, %mul3A_1097 : vector<8x8x96xf32>
        %slice3A_1099 = vector.extract_strided_slice %get3A_1009 {offsets = [4, 0, 0], sizes = [8, 8, 96], strides = [1, 1, 1]} : vector<14x8x96xf32> to vector<8x8x96xf32>
        %slice3A_1100 = vector.extract_strided_slice %get3A_90 {offsets = [4, 0], sizes = [1, 96], strides = [1, 1]} : vector<7x96xf32> to vector<1x96xf32>
        %squeeze3A_1101 = vector.shape_cast %slice3A_1100 : vector<1x96xf32> to vector<96xf32>
        %broadcast_in_dim3A_1102 = vector.shape_cast %squeeze3A_1101 : vector<96xf32> to vector<1x1x96xf32>
        %mul3A_1103 = vector.broadcast %broadcast_in_dim3A_1102 : vector<1x1x96xf32> to vector<8x8x96xf32>
        %mul3A_1104 = arith.mulf %slice3A_1099, %mul3A_1103 : vector<8x8x96xf32>
        %add3A_1105 = arith.addf %add3A_1098, %mul3A_1104 : vector<8x8x96xf32>
        %slice3A_1106 = vector.extract_strided_slice %get3A_1009 {offsets = [5, 0, 0], sizes = [8, 8, 96], strides = [1, 1, 1]} : vector<14x8x96xf32> to vector<8x8x96xf32>
        %slice3A_1107 = vector.extract_strided_slice %get3A_90 {offsets = [5, 0], sizes = [1, 96], strides = [1, 1]} : vector<7x96xf32> to vector<1x96xf32>
        %squeeze3A_1108 = vector.shape_cast %slice3A_1107 : vector<1x96xf32> to vector<96xf32>
        %broadcast_in_dim3A_1109 = vector.shape_cast %squeeze3A_1108 : vector<96xf32> to vector<1x1x96xf32>
        %mul3A_1110 = vector.broadcast %broadcast_in_dim3A_1109 : vector<1x1x96xf32> to vector<8x8x96xf32>
        %mul3A_1111 = arith.mulf %slice3A_1106, %mul3A_1110 : vector<8x8x96xf32>
        %add3A_1112 = arith.addf %add3A_1105, %mul3A_1111 : vector<8x8x96xf32>
        %slice3A_1113 = vector.extract_strided_slice %get3A_1009 {offsets = [6, 0, 0], sizes = [8, 8, 96], strides = [1, 1, 1]} : vector<14x8x96xf32> to vector<8x8x96xf32>
        %slice3A_1114 = vector.extract_strided_slice %get3A_90 {offsets = [6, 0], sizes = [1, 96], strides = [1, 1]} : vector<7x96xf32> to vector<1x96xf32>
        %squeeze3A_1115 = vector.shape_cast %slice3A_1114 : vector<1x96xf32> to vector<96xf32>
        %broadcast_in_dim3A_1116 = vector.shape_cast %squeeze3A_1115 : vector<96xf32> to vector<1x1x96xf32>
        %mul3A_1117 = vector.broadcast %broadcast_in_dim3A_1116 : vector<1x1x96xf32> to vector<8x8x96xf32>
        %mul3A_1118 = arith.mulf %slice3A_1113, %mul3A_1117 : vector<8x8x96xf32>
        %add3A_1119 = arith.addf %add3A_1112, %mul3A_1118 : vector<8x8x96xf32>
        %swap3A_1120 = arith.index_cast %multiple_of3A_1005 : i32 to index
        %swap3A_1121 = arith.index_cast %multiple_of3A_822 : i32 to index
        %swap3A_1122 = arith.constant 0 : index
        %swap3A_1123 = vector.load %arg11[%swap3A_1120, %swap3A_1121, %swap3A_1122] : memref<32x224x96xf32, #tpu.memory_space<vmem>>, vector<8x8x96xf32>
        tpu.vector_store %arg11[%swap3A_1120, %swap3A_1121, %swap3A_1122], %add3A_1119 {strides = array<i32>} : memref<32x224x96xf32, #tpu.memory_space<vmem>>, vector<8x8x96xf32>,
        %get3A_1124 = arith.index_cast %multiple_of3A_1005 : i32 to index
        %get3A_1125 = arith.index_cast %multiple_of3A_822 : i32 to index
        %get3A_1126 = arith.constant 0 : index
        %get3A_1127 = vector.load %arg12[%get3A_1124, %get3A_1125, %get3A_1126] : memref<32x224x96xf32, #tpu.memory_space<vmem>>, vector<8x8x96xf32>
        %slice3A_1128 = vector.extract_strided_slice %get3A_1009 {offsets = [0, 0, 0], sizes = [8, 8, 96], strides = [1, 1, 1]} : vector<14x8x96xf32> to vector<8x8x96xf32>
        %slice3A_1129 = vector.extract_strided_slice %get3A_95 {offsets = [0, 0], sizes = [1, 96], strides = [1, 1]} : vector<7x96xf32> to vector<1x96xf32>
        %squeeze3A_1130 = vector.shape_cast %slice3A_1129 : vector<1x96xf32> to vector<96xf32>
        %broadcast_in_dim3A_1131 = vector.shape_cast %squeeze3A_1130 : vector<96xf32> to vector<1x1x96xf32>
        %mul3A_1132 = vector.broadcast %broadcast_in_dim3A_1131 : vector<1x1x96xf32> to vector<8x8x96xf32>
        %mul3A_1133 = arith.mulf %slice3A_1128, %mul3A_1132 : vector<8x8x96xf32>
        %add3A_1134 = arith.addf %get3A_1127, %mul3A_1133 : vector<8x8x96xf32>
        %slice3A_1135 = vector.extract_strided_slice %get3A_1009 {offsets = [1, 0, 0], sizes = [8, 8, 96], strides = [1, 1, 1]} : vector<14x8x96xf32> to vector<8x8x96xf32>
        %slice3A_1136 = vector.extract_strided_slice %get3A_95 {offsets = [1, 0], sizes = [1, 96], strides = [1, 1]} : vector<7x96xf32> to vector<1x96xf32>
        %squeeze3A_1137 = vector.shape_cast %slice3A_1136 : vector<1x96xf32> to vector<96xf32>
        %broadcast_in_dim3A_1138 = vector.shape_cast %squeeze3A_1137 : vector<96xf32> to vector<1x1x96xf32>
        %mul3A_1139 = vector.broadcast %broadcast_in_dim3A_1138 : vector<1x1x96xf32> to vector<8x8x96xf32>
        %mul3A_1140 = arith.mulf %slice3A_1135, %mul3A_1139 : vector<8x8x96xf32>
        %add3A_1141 = arith.addf %add3A_1134, %mul3A_1140 : vector<8x8x96xf32>
        %slice3A_1142 = vector.extract_strided_slice %get3A_1009 {offsets = [2, 0, 0], sizes = [8, 8, 96], strides = [1, 1, 1]} : vector<14x8x96xf32> to vector<8x8x96xf32>
        %slice3A_1143 = vector.extract_strided_slice %get3A_95 {offsets = [2, 0], sizes = [1, 96], strides = [1, 1]} : vector<7x96xf32> to vector<1x96xf32>
        %squeeze3A_1144 = vector.shape_cast %slice3A_1143 : vector<1x96xf32> to vector<96xf32>
        %broadcast_in_dim3A_1145 = vector.shape_cast %squeeze3A_1144 : vector<96xf32> to vector<1x1x96xf32>
        %mul3A_1146 = vector.broadcast %broadcast_in_dim3A_1145 : vector<1x1x96xf32> to vector<8x8x96xf32>
        %mul3A_1147 = arith.mulf %slice3A_1142, %mul3A_1146 : vector<8x8x96xf32>
        %add3A_1148 = arith.addf %add3A_1141, %mul3A_1147 : vector<8x8x96xf32>
        %slice3A_1149 = vector.extract_strided_slice %get3A_1009 {offsets = [3, 0, 0], sizes = [8, 8, 96], strides = [1, 1, 1]} : vector<14x8x96xf32> to vector<8x8x96xf32>
        %slice3A_1150 = vector.extract_strided_slice %get3A_95 {offsets = [3, 0], sizes = [1, 96], strides = [1, 1]} : vector<7x96xf32> to vector<1x96xf32>
        %squeeze3A_1151 = vector.shape_cast %slice3A_1150 : vector<1x96xf32> to vector<96xf32>
        %broadcast_in_dim3A_1152 = vector.shape_cast %squeeze3A_1151 : vector<96xf32> to vector<1x1x96xf32>
        %mul3A_1153 = vector.broadcast %broadcast_in_dim3A_1152 : vector<1x1x96xf32> to vector<8x8x96xf32>
        %mul3A_1154 = arith.mulf %slice3A_1149, %mul3A_1153 : vector<8x8x96xf32>
        %add3A_1155 = arith.addf %add3A_1148, %mul3A_1154 : vector<8x8x96xf32>
        %slice3A_1156 = vector.extract_strided_slice %get3A_1009 {offsets = [4, 0, 0], sizes = [8, 8, 96], strides = [1, 1, 1]} : vector<14x8x96xf32> to vector<8x8x96xf32>
        %slice3A_1157 = vector.extract_strided_slice %get3A_95 {offsets = [4, 0], sizes = [1, 96], strides = [1, 1]} : vector<7x96xf32> to vector<1x96xf32>
        %squeeze3A_1158 = vector.shape_cast %slice3A_1157 : vector<1x96xf32> to vector<96xf32>
        %broadcast_in_dim3A_1159 = vector.shape_cast %squeeze3A_1158 : vector<96xf32> to vector<1x1x96xf32>
        %mul3A_1160 = vector.broadcast %broadcast_in_dim3A_1159 : vector<1x1x96xf32> to vector<8x8x96xf32>
        %mul3A_1161 = arith.mulf %slice3A_1156, %mul3A_1160 : vector<8x8x96xf32>
        %add3A_1162 = arith.addf %add3A_1155, %mul3A_1161 : vector<8x8x96xf32>
        %slice3A_1163 = vector.extract_strided_slice %get3A_1009 {offsets = [5, 0, 0], sizes = [8, 8, 96], strides = [1, 1, 1]} : vector<14x8x96xf32> to vector<8x8x96xf32>
        %slice3A_1164 = vector.extract_strided_slice %get3A_95 {offsets = [5, 0], sizes = [1, 96], strides = [1, 1]} : vector<7x96xf32> to vector<1x96xf32>
        %squeeze3A_1165 = vector.shape_cast %slice3A_1164 : vector<1x96xf32> to vector<96xf32>
        %broadcast_in_dim3A_1166 = vector.shape_cast %squeeze3A_1165 : vector<96xf32> to vector<1x1x96xf32>
        %mul3A_1167 = vector.broadcast %broadcast_in_dim3A_1166 : vector<1x1x96xf32> to vector<8x8x96xf32>
        %mul3A_1168 = arith.mulf %slice3A_1163, %mul3A_1167 : vector<8x8x96xf32>
        %add3A_1169 = arith.addf %add3A_1162, %mul3A_1168 : vector<8x8x96xf32>
        %slice3A_1170 = vector.extract_strided_slice %get3A_1009 {offsets = [6, 0, 0], sizes = [8, 8, 96], strides = [1, 1, 1]} : vector<14x8x96xf32> to vector<8x8x96xf32>
        %slice3A_1171 = vector.extract_strided_slice %get3A_95 {offsets = [6, 0], sizes = [1, 96], strides = [1, 1]} : vector<7x96xf32> to vector<1x96xf32>
        %squeeze3A_1172 = vector.shape_cast %slice3A_1171 : vector<1x96xf32> to vector<96xf32>
        %broadcast_in_dim3A_1173 = vector.shape_cast %squeeze3A_1172 : vector<96xf32> to vector<1x1x96xf32>
        %mul3A_1174 = vector.broadcast %broadcast_in_dim3A_1173 : vector<1x1x96xf32> to vector<8x8x96xf32>
        %mul3A_1175 = arith.mulf %slice3A_1170, %mul3A_1174 : vector<8x8x96xf32>
        %add3A_1176 = arith.addf %add3A_1169, %mul3A_1175 : vector<8x8x96xf32>
        %swap3A_1177 = arith.index_cast %multiple_of3A_1005 : i32 to index
        %swap3A_1178 = arith.index_cast %multiple_of3A_822 : i32 to index
        %swap3A_1179 = arith.constant 0 : index
        %swap3A_1180 = vector.load %arg12[%swap3A_1177, %swap3A_1178, %swap3A_1179] : memref<32x224x96xf32, #tpu.memory_space<vmem>>, vector<8x8x96xf32>
        tpu.vector_store %arg12[%swap3A_1177, %swap3A_1178, %swap3A_1179], %add3A_1176 {strides = array<i32>} : memref<32x224x96xf32, #tpu.memory_space<vmem>>, vector<8x8x96xf32>,
        %scan3A_1181 = arith.constant 2 : i32
        %mul3A_1182 = arith.constant 8 : i32
        %mul3A_1183 = arith.muli %scan3A_1181, %mul3A_1182 : i32
        %multiple_of3A_1184 = tpu.assume_multiple %mul3A_1183, 8 : i32
        %get3A_1185 = arith.index_cast %multiple_of3A_1184 : i32 to index
        %get3A_1186 = arith.index_cast %multiple_of3A_822 : i32 to index
        %get3A_1187 = arith.constant 0 : index
        %get3A_1188 = vector.load %arg9[%get3A_1185, %get3A_1186, %get3A_1187] : memref<38x224x96xf32, #tpu.memory_space<vmem>>, vector<14x8x96xf32>
        %get3A_1189 = arith.index_cast %multiple_of3A_1184 : i32 to index
        %get3A_1190 = arith.index_cast %multiple_of3A_822 : i32 to index
        %get3A_1191 = arith.constant 0 : index
        %get3A_1192 = vector.load %arg10[%get3A_1189, %get3A_1190, %get3A_1191] : memref<32x224x96xf32, #tpu.memory_space<vmem>>, vector<8x8x96xf32>
        %slice3A_1193 = vector.extract_strided_slice %get3A_1188 {offsets = [0, 0, 0], sizes = [8, 8, 96], strides = [1, 1, 1]} : vector<14x8x96xf32> to vector<8x8x96xf32>
        %slice3A_1194 = vector.extract_strided_slice %get3A_84 {offsets = [0, 0], sizes = [1, 96], strides = [1, 1]} : vector<7x96xf32> to vector<1x96xf32>
        %squeeze3A_1195 = vector.shape_cast %slice3A_1194 : vector<1x96xf32> to vector<96xf32>
        %broadcast_in_dim3A_1196 = vector.shape_cast %squeeze3A_1195 : vector<96xf32> to vector<1x1x96xf32>
        %mul3A_1197 = vector.broadcast %broadcast_in_dim3A_1196 : vector<1x1x96xf32> to vector<8x8x96xf32>
        %mul3A_1198 = arith.mulf %slice3A_1193, %mul3A_1197 : vector<8x8x96xf32>
        %add3A_1199 = arith.addf %get3A_1192, %mul3A_1198 : vector<8x8x96xf32>
        %slice3A_1200 = vector.extract_strided_slice %get3A_1188 {offsets = [1, 0, 0], sizes = [8, 8, 96], strides = [1, 1, 1]} : vector<14x8x96xf32> to vector<8x8x96xf32>
        %slice3A_1201 = vector.extract_strided_slice %get3A_84 {offsets = [1, 0], sizes = [1, 96], strides = [1, 1]} : vector<7x96xf32> to vector<1x96xf32>
        %squeeze3A_1202 = vector.shape_cast %slice3A_1201 : vector<1x96xf32> to vector<96xf32>
        %broadcast_in_dim3A_1203 = vector.shape_cast %squeeze3A_1202 : vector<96xf32> to vector<1x1x96xf32>
        %mul3A_1204 = vector.broadcast %broadcast_in_dim3A_1203 : vector<1x1x96xf32> to vector<8x8x96xf32>
        %mul3A_1205 = arith.mulf %slice3A_1200, %mul3A_1204 : vector<8x8x96xf32>
        %add3A_1206 = arith.addf %add3A_1199, %mul3A_1205 : vector<8x8x96xf32>
        %slice3A_1207 = vector.extract_strided_slice %get3A_1188 {offsets = [2, 0, 0], sizes = [8, 8, 96], strides = [1, 1, 1]} : vector<14x8x96xf32> to vector<8x8x96xf32>
        %slice3A_1208 = vector.extract_strided_slice %get3A_84 {offsets = [2, 0], sizes = [1, 96], strides = [1, 1]} : vector<7x96xf32> to vector<1x96xf32>
        %squeeze3A_1209 = vector.shape_cast %slice3A_1208 : vector<1x96xf32> to vector<96xf32>
        %broadcast_in_dim3A_1210 = vector.shape_cast %squeeze3A_1209 : vector<96xf32> to vector<1x1x96xf32>
        %mul3A_1211 = vector.broadcast %broadcast_in_dim3A_1210 : vector<1x1x96xf32> to vector<8x8x96xf32>
        %mul3A_1212 = arith.mulf %slice3A_1207, %mul3A_1211 : vector<8x8x96xf32>
        %add3A_1213 = arith.addf %add3A_1206, %mul3A_1212 : vector<8x8x96xf32>
        %slice3A_1214 = vector.extract_strided_slice %get3A_1188 {offsets = [3, 0, 0], sizes = [8, 8, 96], strides = [1, 1, 1]} : vector<14x8x96xf32> to vector<8x8x96xf32>
        %slice3A_1215 = vector.extract_strided_slice %get3A_84 {offsets = [3, 0], sizes = [1, 96], strides = [1, 1]} : vector<7x96xf32> to vector<1x96xf32>
        %squeeze3A_1216 = vector.shape_cast %slice3A_1215 : vector<1x96xf32> to vector<96xf32>
        %broadcast_in_dim3A_1217 = vector.shape_cast %squeeze3A_1216 : vector<96xf32> to vector<1x1x96xf32>
        %mul3A_1218 = vector.broadcast %broadcast_in_dim3A_1217 : vector<1x1x96xf32> to vector<8x8x96xf32>
        %mul3A_1219 = arith.mulf %slice3A_1214, %mul3A_1218 : vector<8x8x96xf32>
        %add3A_1220 = arith.addf %add3A_1213, %mul3A_1219 : vector<8x8x96xf32>
        %slice3A_1221 = vector.extract_strided_slice %get3A_1188 {offsets = [4, 0, 0], sizes = [8, 8, 96], strides = [1, 1, 1]} : vector<14x8x96xf32> to vector<8x8x96xf32>
        %slice3A_1222 = vector.extract_strided_slice %get3A_84 {offsets = [4, 0], sizes = [1, 96], strides = [1, 1]} : vector<7x96xf32> to vector<1x96xf32>
        %squeeze3A_1223 = vector.shape_cast %slice3A_1222 : vector<1x96xf32> to vector<96xf32>
        %broadcast_in_dim3A_1224 = vector.shape_cast %squeeze3A_1223 : vector<96xf32> to vector<1x1x96xf32>
        %mul3A_1225 = vector.broadcast %broadcast_in_dim3A_1224 : vector<1x1x96xf32> to vector<8x8x96xf32>
        %mul3A_1226 = arith.mulf %slice3A_1221, %mul3A_1225 : vector<8x8x96xf32>
        %add3A_1227 = arith.addf %add3A_1220, %mul3A_1226 : vector<8x8x96xf32>
        %slice3A_1228 = vector.extract_strided_slice %get3A_1188 {offsets = [5, 0, 0], sizes = [8, 8, 96], strides = [1, 1, 1]} : vector<14x8x96xf32> to vector<8x8x96xf32>
        %slice3A_1229 = vector.extract_strided_slice %get3A_84 {offsets = [5, 0], sizes = [1, 96], strides = [1, 1]} : vector<7x96xf32> to vector<1x96xf32>
        %squeeze3A_1230 = vector.shape_cast %slice3A_1229 : vector<1x96xf32> to vector<96xf32>
        %broadcast_in_dim3A_1231 = vector.shape_cast %squeeze3A_1230 : vector<96xf32> to vector<1x1x96xf32>
        %mul3A_1232 = vector.broadcast %broadcast_in_dim3A_1231 : vector<1x1x96xf32> to vector<8x8x96xf32>
        %mul3A_1233 = arith.mulf %slice3A_1228, %mul3A_1232 : vector<8x8x96xf32>
        %add3A_1234 = arith.addf %add3A_1227, %mul3A_1233 : vector<8x8x96xf32>
        %slice3A_1235 = vector.extract_strided_slice %get3A_1188 {offsets = [6, 0, 0], sizes = [8, 8, 96], strides = [1, 1, 1]} : vector<14x8x96xf32> to vector<8x8x96xf32>
        %slice3A_1236 = vector.extract_strided_slice %get3A_84 {offsets = [6, 0], sizes = [1, 96], strides = [1, 1]} : vector<7x96xf32> to vector<1x96xf32>
        %squeeze3A_1237 = vector.shape_cast %slice3A_1236 : vector<1x96xf32> to vector<96xf32>
        %broadcast_in_dim3A_1238 = vector.shape_cast %squeeze3A_1237 : vector<96xf32> to vector<1x1x96xf32>
        %mul3A_1239 = vector.broadcast %broadcast_in_dim3A_1238 : vector<1x1x96xf32> to vector<8x8x96xf32>
        %mul3A_1240 = arith.mulf %slice3A_1235, %mul3A_1239 : vector<8x8x96xf32>
        %add3A_1241 = arith.addf %add3A_1234, %mul3A_1240 : vector<8x8x96xf32>
        %swap3A_1242 = arith.index_cast %multiple_of3A_1184 : i32 to index
        %swap3A_1243 = arith.index_cast %multiple_of3A_822 : i32 to index
        %swap3A_1244 = arith.constant 0 : index
        %swap3A_1245 = vector.load %arg10[%swap3A_1242, %swap3A_1243, %swap3A_1244] : memref<32x224x96xf32, #tpu.memory_space<vmem>>, vector<8x8x96xf32>
        tpu.vector_store %arg10[%swap3A_1242, %swap3A_1243, %swap3A_1244], %add3A_1241 {strides = array<i32>} : memref<32x224x96xf32, #tpu.memory_space<vmem>>, vector<8x8x96xf32>,
        %get3A_1246 = arith.index_cast %multiple_of3A_1184 : i32 to index
        %get3A_1247 = arith.index_cast %multiple_of3A_822 : i32 to index
        %get3A_1248 = arith.constant 0 : index
        %get3A_1249 = vector.load %arg11[%get3A_1246, %get3A_1247, %get3A_1248] : memref<32x224x96xf32, #tpu.memory_space<vmem>>, vector<8x8x96xf32>
        %slice3A_1250 = vector.extract_strided_slice %get3A_1188 {offsets = [0, 0, 0], sizes = [8, 8, 96], strides = [1, 1, 1]} : vector<14x8x96xf32> to vector<8x8x96xf32>
        %slice3A_1251 = vector.extract_strided_slice %get3A_90 {offsets = [0, 0], sizes = [1, 96], strides = [1, 1]} : vector<7x96xf32> to vector<1x96xf32>
        %squeeze3A_1252 = vector.shape_cast %slice3A_1251 : vector<1x96xf32> to vector<96xf32>
        %broadcast_in_dim3A_1253 = vector.shape_cast %squeeze3A_1252 : vector<96xf32> to vector<1x1x96xf32>
        %mul3A_1254 = vector.broadcast %broadcast_in_dim3A_1253 : vector<1x1x96xf32> to vector<8x8x96xf32>
        %mul3A_1255 = arith.mulf %slice3A_1250, %mul3A_1254 : vector<8x8x96xf32>
        %add3A_1256 = arith.addf %get3A_1249, %mul3A_1255 : vector<8x8x96xf32>
        %slice3A_1257 = vector.extract_strided_slice %get3A_1188 {offsets = [1, 0, 0], sizes = [8, 8, 96], strides = [1, 1, 1]} : vector<14x8x96xf32> to vector<8x8x96xf32>
        %slice3A_1258 = vector.extract_strided_slice %get3A_90 {offsets = [1, 0], sizes = [1, 96], strides = [1, 1]} : vector<7x96xf32> to vector<1x96xf32>
        %squeeze3A_1259 = vector.shape_cast %slice3A_1258 : vector<1x96xf32> to vector<96xf32>
        %broadcast_in_dim3A_1260 = vector.shape_cast %squeeze3A_1259 : vector<96xf32> to vector<1x1x96xf32>
        %mul3A_1261 = vector.broadcast %broadcast_in_dim3A_1260 : vector<1x1x96xf32> to vector<8x8x96xf32>
        %mul3A_1262 = arith.mulf %slice3A_1257, %mul3A_1261 : vector<8x8x96xf32>
        %add3A_1263 = arith.addf %add3A_1256, %mul3A_1262 : vector<8x8x96xf32>
        %slice3A_1264 = vector.extract_strided_slice %get3A_1188 {offsets = [2, 0, 0], sizes = [8, 8, 96], strides = [1, 1, 1]} : vector<14x8x96xf32> to vector<8x8x96xf32>
        %slice3A_1265 = vector.extract_strided_slice %get3A_90 {offsets = [2, 0], sizes = [1, 96], strides = [1, 1]} : vector<7x96xf32> to vector<1x96xf32>
        %squeeze3A_1266 = vector.shape_cast %slice3A_1265 : vector<1x96xf32> to vector<96xf32>
        %broadcast_in_dim3A_1267 = vector.shape_cast %squeeze3A_1266 : vector<96xf32> to vector<1x1x96xf32>
        %mul3A_1268 = vector.broadcast %broadcast_in_dim3A_1267 : vector<1x1x96xf32> to vector<8x8x96xf32>
        %mul3A_1269 = arith.mulf %slice3A_1264, %mul3A_1268 : vector<8x8x96xf32>
        %add3A_1270 = arith.addf %add3A_1263, %mul3A_1269 : vector<8x8x96xf32>
        %slice3A_1271 = vector.extract_strided_slice %get3A_1188 {offsets = [3, 0, 0], sizes = [8, 8, 96], strides = [1, 1, 1]} : vector<14x8x96xf32> to vector<8x8x96xf32>
        %slice3A_1272 = vector.extract_strided_slice %get3A_90 {offsets = [3, 0], sizes = [1, 96], strides = [1, 1]} : vector<7x96xf32> to vector<1x96xf32>
        %squeeze3A_1273 = vector.shape_cast %slice3A_1272 : vector<1x96xf32> to vector<96xf32>
        %broadcast_in_dim3A_1274 = vector.shape_cast %squeeze3A_1273 : vector<96xf32> to vector<1x1x96xf32>
        %mul3A_1275 = vector.broadcast %broadcast_in_dim3A_1274 : vector<1x1x96xf32> to vector<8x8x96xf32>
        %mul3A_1276 = arith.mulf %slice3A_1271, %mul3A_1275 : vector<8x8x96xf32>
        %add3A_1277 = arith.addf %add3A_1270, %mul3A_1276 : vector<8x8x96xf32>
        %slice3A_1278 = vector.extract_strided_slice %get3A_1188 {offsets = [4, 0, 0], sizes = [8, 8, 96], strides = [1, 1, 1]} : vector<14x8x96xf32> to vector<8x8x96xf32>
        %slice3A_1279 = vector.extract_strided_slice %get3A_90 {offsets = [4, 0], sizes = [1, 96], strides = [1, 1]} : vector<7x96xf32> to vector<1x96xf32>
        %squeeze3A_1280 = vector.shape_cast %slice3A_1279 : vector<1x96xf32> to vector<96xf32>
        %broadcast_in_dim3A_1281 = vector.shape_cast %squeeze3A_1280 : vector<96xf32> to vector<1x1x96xf32>
        %mul3A_1282 = vector.broadcast %broadcast_in_dim3A_1281 : vector<1x1x96xf32> to vector<8x8x96xf32>
        %mul3A_1283 = arith.mulf %slice3A_1278, %mul3A_1282 : vector<8x8x96xf32>
        %add3A_1284 = arith.addf %add3A_1277, %mul3A_1283 : vector<8x8x96xf32>
        %slice3A_1285 = vector.extract_strided_slice %get3A_1188 {offsets = [5, 0, 0], sizes = [8, 8, 96], strides = [1, 1, 1]} : vector<14x8x96xf32> to vector<8x8x96xf32>
        %slice3A_1286 = vector.extract_strided_slice %get3A_90 {offsets = [5, 0], sizes = [1, 96], strides = [1, 1]} : vector<7x96xf32> to vector<1x96xf32>
        %squeeze3A_1287 = vector.shape_cast %slice3A_1286 : vector<1x96xf32> to vector<96xf32>
        %broadcast_in_dim3A_1288 = vector.shape_cast %squeeze3A_1287 : vector<96xf32> to vector<1x1x96xf32>
        %mul3A_1289 = vector.broadcast %broadcast_in_dim3A_1288 : vector<1x1x96xf32> to vector<8x8x96xf32>
        %mul3A_1290 = arith.mulf %slice3A_1285, %mul3A_1289 : vector<8x8x96xf32>
        %add3A_1291 = arith.addf %add3A_1284, %mul3A_1290 : vector<8x8x96xf32>
        %slice3A_1292 = vector.extract_strided_slice %get3A_1188 {offsets = [6, 0, 0], sizes = [8, 8, 96], strides = [1, 1, 1]} : vector<14x8x96xf32> to vector<8x8x96xf32>
        %slice3A_1293 = vector.extract_strided_slice %get3A_90 {offsets = [6, 0], sizes = [1, 96], strides = [1, 1]} : vector<7x96xf32> to vector<1x96xf32>
        %squeeze3A_1294 = vector.shape_cast %slice3A_1293 : vector<1x96xf32> to vector<96xf32>
        %broadcast_in_dim3A_1295 = vector.shape_cast %squeeze3A_1294 : vector<96xf32> to vector<1x1x96xf32>
        %mul3A_1296 = vector.broadcast %broadcast_in_dim3A_1295 : vector<1x1x96xf32> to vector<8x8x96xf32>
        %mul3A_1297 = arith.mulf %slice3A_1292, %mul3A_1296 : vector<8x8x96xf32>
        %add3A_1298 = arith.addf %add3A_1291, %mul3A_1297 : vector<8x8x96xf32>
        %swap3A_1299 = arith.index_cast %multiple_of3A_1184 : i32 to index
        %swap3A_1300 = arith.index_cast %multiple_of3A_822 : i32 to index
        %swap3A_1301 = arith.constant 0 : index
        %swap3A_1302 = vector.load %arg11[%swap3A_1299, %swap3A_1300, %swap3A_1301] : memref<32x224x96xf32, #tpu.memory_space<vmem>>, vector<8x8x96xf32>
        tpu.vector_store %arg11[%swap3A_1299, %swap3A_1300, %swap3A_1301], %add3A_1298 {strides = array<i32>} : memref<32x224x96xf32, #tpu.memory_space<vmem>>, vector<8x8x96xf32>,
        %get3A_1303 = arith.index_cast %multiple_of3A_1184 : i32 to index
        %get3A_1304 = arith.index_cast %multiple_of3A_822 : i32 to index
        %get3A_1305 = arith.constant 0 : index
        %get3A_1306 = vector.load %arg12[%get3A_1303, %get3A_1304, %get3A_1305] : memref<32x224x96xf32, #tpu.memory_space<vmem>>, vector<8x8x96xf32>
        %slice3A_1307 = vector.extract_strided_slice %get3A_1188 {offsets = [0, 0, 0], sizes = [8, 8, 96], strides = [1, 1, 1]} : vector<14x8x96xf32> to vector<8x8x96xf32>
        %slice3A_1308 = vector.extract_strided_slice %get3A_95 {offsets = [0, 0], sizes = [1, 96], strides = [1, 1]} : vector<7x96xf32> to vector<1x96xf32>
        %squeeze3A_1309 = vector.shape_cast %slice3A_1308 : vector<1x96xf32> to vector<96xf32>
        %broadcast_in_dim3A_1310 = vector.shape_cast %squeeze3A_1309 : vector<96xf32> to vector<1x1x96xf32>
        %mul3A_1311 = vector.broadcast %broadcast_in_dim3A_1310 : vector<1x1x96xf32> to vector<8x8x96xf32>
        %mul3A_1312 = arith.mulf %slice3A_1307, %mul3A_1311 : vector<8x8x96xf32>
        %add3A_1313 = arith.addf %get3A_1306, %mul3A_1312 : vector<8x8x96xf32>
        %slice3A_1314 = vector.extract_strided_slice %get3A_1188 {offsets = [1, 0, 0], sizes = [8, 8, 96], strides = [1, 1, 1]} : vector<14x8x96xf32> to vector<8x8x96xf32>
        %slice3A_1315 = vector.extract_strided_slice %get3A_95 {offsets = [1, 0], sizes = [1, 96], strides = [1, 1]} : vector<7x96xf32> to vector<1x96xf32>
        %squeeze3A_1316 = vector.shape_cast %slice3A_1315 : vector<1x96xf32> to vector<96xf32>
        %broadcast_in_dim3A_1317 = vector.shape_cast %squeeze3A_1316 : vector<96xf32> to vector<1x1x96xf32>
        %mul3A_1318 = vector.broadcast %broadcast_in_dim3A_1317 : vector<1x1x96xf32> to vector<8x8x96xf32>
        %mul3A_1319 = arith.mulf %slice3A_1314, %mul3A_1318 : vector<8x8x96xf32>
        %add3A_1320 = arith.addf %add3A_1313, %mul3A_1319 : vector<8x8x96xf32>
        %slice3A_1321 = vector.extract_strided_slice %get3A_1188 {offsets = [2, 0, 0], sizes = [8, 8, 96], strides = [1, 1, 1]} : vector<14x8x96xf32> to vector<8x8x96xf32>
        %slice3A_1322 = vector.extract_strided_slice %get3A_95 {offsets = [2, 0], sizes = [1, 96], strides = [1, 1]} : vector<7x96xf32> to vector<1x96xf32>
        %squeeze3A_1323 = vector.shape_cast %slice3A_1322 : vector<1x96xf32> to vector<96xf32>
        %broadcast_in_dim3A_1324 = vector.shape_cast %squeeze3A_1323 : vector<96xf32> to vector<1x1x96xf32>
        %mul3A_1325 = vector.broadcast %broadcast_in_dim3A_1324 : vector<1x1x96xf32> to vector<8x8x96xf32>
        %mul3A_1326 = arith.mulf %slice3A_1321, %mul3A_1325 : vector<8x8x96xf32>
        %add3A_1327 = arith.addf %add3A_1320, %mul3A_1326 : vector<8x8x96xf32>
        %slice3A_1328 = vector.extract_strided_slice %get3A_1188 {offsets = [3, 0, 0], sizes = [8, 8, 96], strides = [1, 1, 1]} : vector<14x8x96xf32> to vector<8x8x96xf32>
        %slice3A_1329 = vector.extract_strided_slice %get3A_95 {offsets = [3, 0], sizes = [1, 96], strides = [1, 1]} : vector<7x96xf32> to vector<1x96xf32>
        %squeeze3A_1330 = vector.shape_cast %slice3A_1329 : vector<1x96xf32> to vector<96xf32>
        %broadcast_in_dim3A_1331 = vector.shape_cast %squeeze3A_1330 : vector<96xf32> to vector<1x1x96xf32>
        %mul3A_1332 = vector.broadcast %broadcast_in_dim3A_1331 : vector<1x1x96xf32> to vector<8x8x96xf32>
        %mul3A_1333 = arith.mulf %slice3A_1328, %mul3A_1332 : vector<8x8x96xf32>
        %add3A_1334 = arith.addf %add3A_1327, %mul3A_1333 : vector<8x8x96xf32>
        %slice3A_1335 = vector.extract_strided_slice %get3A_1188 {offsets = [4, 0, 0], sizes = [8, 8, 96], strides = [1, 1, 1]} : vector<14x8x96xf32> to vector<8x8x96xf32>
        %slice3A_1336 = vector.extract_strided_slice %get3A_95 {offsets = [4, 0], sizes = [1, 96], strides = [1, 1]} : vector<7x96xf32> to vector<1x96xf32>
        %squeeze3A_1337 = vector.shape_cast %slice3A_1336 : vector<1x96xf32> to vector<96xf32>
        %broadcast_in_dim3A_1338 = vector.shape_cast %squeeze3A_1337 : vector<96xf32> to vector<1x1x96xf32>
        %mul3A_1339 = vector.broadcast %broadcast_in_dim3A_1338 : vector<1x1x96xf32> to vector<8x8x96xf32>
        %mul3A_1340 = arith.mulf %slice3A_1335, %mul3A_1339 : vector<8x8x96xf32>
        %add3A_1341 = arith.addf %add3A_1334, %mul3A_1340 : vector<8x8x96xf32>
        %slice3A_1342 = vector.extract_strided_slice %get3A_1188 {offsets = [5, 0, 0], sizes = [8, 8, 96], strides = [1, 1, 1]} : vector<14x8x96xf32> to vector<8x8x96xf32>
        %slice3A_1343 = vector.extract_strided_slice %get3A_95 {offsets = [5, 0], sizes = [1, 96], strides = [1, 1]} : vector<7x96xf32> to vector<1x96xf32>
        %squeeze3A_1344 = vector.shape_cast %slice3A_1343 : vector<1x96xf32> to vector<96xf32>
        %broadcast_in_dim3A_1345 = vector.shape_cast %squeeze3A_1344 : vector<96xf32> to vector<1x1x96xf32>
        %mul3A_1346 = vector.broadcast %broadcast_in_dim3A_1345 : vector<1x1x96xf32> to vector<8x8x96xf32>
        %mul3A_1347 = arith.mulf %slice3A_1342, %mul3A_1346 : vector<8x8x96xf32>
        %add3A_1348 = arith.addf %add3A_1341, %mul3A_1347 : vector<8x8x96xf32>
        %slice3A_1349 = vector.extract_strided_slice %get3A_1188 {offsets = [6, 0, 0], sizes = [8, 8, 96], strides = [1, 1, 1]} : vector<14x8x96xf32> to vector<8x8x96xf32>
        %slice3A_1350 = vector.extract_strided_slice %get3A_95 {offsets = [6, 0], sizes = [1, 96], strides = [1, 1]} : vector<7x96xf32> to vector<1x96xf32>
        %squeeze3A_1351 = vector.shape_cast %slice3A_1350 : vector<1x96xf32> to vector<96xf32>
        %broadcast_in_dim3A_1352 = vector.shape_cast %squeeze3A_1351 : vector<96xf32> to vector<1x1x96xf32>
        %mul3A_1353 = vector.broadcast %broadcast_in_dim3A_1352 : vector<1x1x96xf32> to vector<8x8x96xf32>
        %mul3A_1354 = arith.mulf %slice3A_1349, %mul3A_1353 : vector<8x8x96xf32>
        %add3A_1355 = arith.addf %add3A_1348, %mul3A_1354 : vector<8x8x96xf32>
        %swap3A_1356 = arith.index_cast %multiple_of3A_1184 : i32 to index
        %swap3A_1357 = arith.index_cast %multiple_of3A_822 : i32 to index
        %swap3A_1358 = arith.constant 0 : index
        %swap3A_1359 = vector.load %arg12[%swap3A_1356, %swap3A_1357, %swap3A_1358] : memref<32x224x96xf32, #tpu.memory_space<vmem>>, vector<8x8x96xf32>
        tpu.vector_store %arg12[%swap3A_1356, %swap3A_1357, %swap3A_1358], %add3A_1355 {strides = array<i32>} : memref<32x224x96xf32, #tpu.memory_space<vmem>>, vector<8x8x96xf32>,
        %scan3A_1360 = arith.constant 3 : i32
        %mul3A_1361 = arith.constant 8 : i32
        %mul3A_1362 = arith.muli %scan3A_1360, %mul3A_1361 : i32
        %multiple_of3A_1363 = tpu.assume_multiple %mul3A_1362, 8 : i32
        %get3A_1364 = arith.index_cast %multiple_of3A_1363 : i32 to index
        %get3A_1365 = arith.index_cast %multiple_of3A_822 : i32 to index
        %get3A_1366 = arith.constant 0 : index
        %get3A_1367 = vector.load %arg9[%get3A_1364, %get3A_1365, %get3A_1366] : memref<38x224x96xf32, #tpu.memory_space<vmem>>, vector<14x8x96xf32>
        %get3A_1368 = arith.index_cast %multiple_of3A_1363 : i32 to index
        %get3A_1369 = arith.index_cast %multiple_of3A_822 : i32 to index
        %get3A_1370 = arith.constant 0 : index
        %get3A_1371 = vector.load %arg10[%get3A_1368, %get3A_1369, %get3A_1370] : memref<32x224x96xf32, #tpu.memory_space<vmem>>, vector<8x8x96xf32>
        %slice3A_1372 = vector.extract_strided_slice %get3A_1367 {offsets = [0, 0, 0], sizes = [8, 8, 96], strides = [1, 1, 1]} : vector<14x8x96xf32> to vector<8x8x96xf32>
        %slice3A_1373 = vector.extract_strided_slice %get3A_84 {offsets = [0, 0], sizes = [1, 96], strides = [1, 1]} : vector<7x96xf32> to vector<1x96xf32>
        %squeeze3A_1374 = vector.shape_cast %slice3A_1373 : vector<1x96xf32> to vector<96xf32>
        %broadcast_in_dim3A_1375 = vector.shape_cast %squeeze3A_1374 : vector<96xf32> to vector<1x1x96xf32>
        %mul3A_1376 = vector.broadcast %broadcast_in_dim3A_1375 : vector<1x1x96xf32> to vector<8x8x96xf32>
        %mul3A_1377 = arith.mulf %slice3A_1372, %mul3A_1376 : vector<8x8x96xf32>
        %add3A_1378 = arith.addf %get3A_1371, %mul3A_1377 : vector<8x8x96xf32>
        %slice3A_1379 = vector.extract_strided_slice %get3A_1367 {offsets = [1, 0, 0], sizes = [8, 8, 96], strides = [1, 1, 1]} : vector<14x8x96xf32> to vector<8x8x96xf32>
        %slice3A_1380 = vector.extract_strided_slice %get3A_84 {offsets = [1, 0], sizes = [1, 96], strides = [1, 1]} : vector<7x96xf32> to vector<1x96xf32>
        %squeeze3A_1381 = vector.shape_cast %slice3A_1380 : vector<1x96xf32> to vector<96xf32>
        %broadcast_in_dim3A_1382 = vector.shape_cast %squeeze3A_1381 : vector<96xf32> to vector<1x1x96xf32>
        %mul3A_1383 = vector.broadcast %broadcast_in_dim3A_1382 : vector<1x1x96xf32> to vector<8x8x96xf32>
        %mul3A_1384 = arith.mulf %slice3A_1379, %mul3A_1383 : vector<8x8x96xf32>
        %add3A_1385 = arith.addf %add3A_1378, %mul3A_1384 : vector<8x8x96xf32>
        %slice3A_1386 = vector.extract_strided_slice %get3A_1367 {offsets = [2, 0, 0], sizes = [8, 8, 96], strides = [1, 1, 1]} : vector<14x8x96xf32> to vector<8x8x96xf32>
        %slice3A_1387 = vector.extract_strided_slice %get3A_84 {offsets = [2, 0], sizes = [1, 96], strides = [1, 1]} : vector<7x96xf32> to vector<1x96xf32>
        %squeeze3A_1388 = vector.shape_cast %slice3A_1387 : vector<1x96xf32> to vector<96xf32>
        %broadcast_in_dim3A_1389 = vector.shape_cast %squeeze3A_1388 : vector<96xf32> to vector<1x1x96xf32>
        %mul3A_1390 = vector.broadcast %broadcast_in_dim3A_1389 : vector<1x1x96xf32> to vector<8x8x96xf32>
        %mul3A_1391 = arith.mulf %slice3A_1386, %mul3A_1390 : vector<8x8x96xf32>
        %add3A_1392 = arith.addf %add3A_1385, %mul3A_1391 : vector<8x8x96xf32>
        %slice3A_1393 = vector.extract_strided_slice %get3A_1367 {offsets = [3, 0, 0], sizes = [8, 8, 96], strides = [1, 1, 1]} : vector<14x8x96xf32> to vector<8x8x96xf32>
        %slice3A_1394 = vector.extract_strided_slice %get3A_84 {offsets = [3, 0], sizes = [1, 96], strides = [1, 1]} : vector<7x96xf32> to vector<1x96xf32>
        %squeeze3A_1395 = vector.shape_cast %slice3A_1394 : vector<1x96xf32> to vector<96xf32>
        %broadcast_in_dim3A_1396 = vector.shape_cast %squeeze3A_1395 : vector<96xf32> to vector<1x1x96xf32>
        %mul3A_1397 = vector.broadcast %broadcast_in_dim3A_1396 : vector<1x1x96xf32> to vector<8x8x96xf32>
        %mul3A_1398 = arith.mulf %slice3A_1393, %mul3A_1397 : vector<8x8x96xf32>
        %add3A_1399 = arith.addf %add3A_1392, %mul3A_1398 : vector<8x8x96xf32>
        %slice3A_1400 = vector.extract_strided_slice %get3A_1367 {offsets = [4, 0, 0], sizes = [8, 8, 96], strides = [1, 1, 1]} : vector<14x8x96xf32> to vector<8x8x96xf32>
        %slice3A_1401 = vector.extract_strided_slice %get3A_84 {offsets = [4, 0], sizes = [1, 96], strides = [1, 1]} : vector<7x96xf32> to vector<1x96xf32>
        %squeeze3A_1402 = vector.shape_cast %slice3A_1401 : vector<1x96xf32> to vector<96xf32>
        %broadcast_in_dim3A_1403 = vector.shape_cast %squeeze3A_1402 : vector<96xf32> to vector<1x1x96xf32>
        %mul3A_1404 = vector.broadcast %broadcast_in_dim3A_1403 : vector<1x1x96xf32> to vector<8x8x96xf32>
        %mul3A_1405 = arith.mulf %slice3A_1400, %mul3A_1404 : vector<8x8x96xf32>
        %add3A_1406 = arith.addf %add3A_1399, %mul3A_1405 : vector<8x8x96xf32>
        %slice3A_1407 = vector.extract_strided_slice %get3A_1367 {offsets = [5, 0, 0], sizes = [8, 8, 96], strides = [1, 1, 1]} : vector<14x8x96xf32> to vector<8x8x96xf32>
        %slice3A_1408 = vector.extract_strided_slice %get3A_84 {offsets = [5, 0], sizes = [1, 96], strides = [1, 1]} : vector<7x96xf32> to vector<1x96xf32>
        %squeeze3A_1409 = vector.shape_cast %slice3A_1408 : vector<1x96xf32> to vector<96xf32>
        %broadcast_in_dim3A_1410 = vector.shape_cast %squeeze3A_1409 : vector<96xf32> to vector<1x1x96xf32>
        %mul3A_1411 = vector.broadcast %broadcast_in_dim3A_1410 : vector<1x1x96xf32> to vector<8x8x96xf32>
        %mul3A_1412 = arith.mulf %slice3A_1407, %mul3A_1411 : vector<8x8x96xf32>
        %add3A_1413 = arith.addf %add3A_1406, %mul3A_1412 : vector<8x8x96xf32>
        %slice3A_1414 = vector.extract_strided_slice %get3A_1367 {offsets = [6, 0, 0], sizes = [8, 8, 96], strides = [1, 1, 1]} : vector<14x8x96xf32> to vector<8x8x96xf32>
        %slice3A_1415 = vector.extract_strided_slice %get3A_84 {offsets = [6, 0], sizes = [1, 96], strides = [1, 1]} : vector<7x96xf32> to vector<1x96xf32>
        %squeeze3A_1416 = vector.shape_cast %slice3A_1415 : vector<1x96xf32> to vector<96xf32>
        %broadcast_in_dim3A_1417 = vector.shape_cast %squeeze3A_1416 : vector<96xf32> to vector<1x1x96xf32>
        %mul3A_1418 = vector.broadcast %broadcast_in_dim3A_1417 : vector<1x1x96xf32> to vector<8x8x96xf32>
        %mul3A_1419 = arith.mulf %slice3A_1414, %mul3A_1418 : vector<8x8x96xf32>
        %add3A_1420 = arith.addf %add3A_1413, %mul3A_1419 : vector<8x8x96xf32>
        %swap3A_1421 = arith.index_cast %multiple_of3A_1363 : i32 to index
        %swap3A_1422 = arith.index_cast %multiple_of3A_822 : i32 to index
        %swap3A_1423 = arith.constant 0 : index
        %swap3A_1424 = vector.load %arg10[%swap3A_1421, %swap3A_1422, %swap3A_1423] : memref<32x224x96xf32, #tpu.memory_space<vmem>>, vector<8x8x96xf32>
        tpu.vector_store %arg10[%swap3A_1421, %swap3A_1422, %swap3A_1423], %add3A_1420 {strides = array<i32>} : memref<32x224x96xf32, #tpu.memory_space<vmem>>, vector<8x8x96xf32>,
        %get3A_1425 = arith.index_cast %multiple_of3A_1363 : i32 to index
        %get3A_1426 = arith.index_cast %multiple_of3A_822 : i32 to index
        %get3A_1427 = arith.constant 0 : index
        %get3A_1428 = vector.load %arg11[%get3A_1425, %get3A_1426, %get3A_1427] : memref<32x224x96xf32, #tpu.memory_space<vmem>>, vector<8x8x96xf32>
        %slice3A_1429 = vector.extract_strided_slice %get3A_1367 {offsets = [0, 0, 0], sizes = [8, 8, 96], strides = [1, 1, 1]} : vector<14x8x96xf32> to vector<8x8x96xf32>
        %slice3A_1430 = vector.extract_strided_slice %get3A_90 {offsets = [0, 0], sizes = [1, 96], strides = [1, 1]} : vector<7x96xf32> to vector<1x96xf32>
        %squeeze3A_1431 = vector.shape_cast %slice3A_1430 : vector<1x96xf32> to vector<96xf32>
        %broadcast_in_dim3A_1432 = vector.shape_cast %squeeze3A_1431 : vector<96xf32> to vector<1x1x96xf32>
        %mul3A_1433 = vector.broadcast %broadcast_in_dim3A_1432 : vector<1x1x96xf32> to vector<8x8x96xf32>
        %mul3A_1434 = arith.mulf %slice3A_1429, %mul3A_1433 : vector<8x8x96xf32>
        %add3A_1435 = arith.addf %get3A_1428, %mul3A_1434 : vector<8x8x96xf32>
        %slice3A_1436 = vector.extract_strided_slice %get3A_1367 {offsets = [1, 0, 0], sizes = [8, 8, 96], strides = [1, 1, 1]} : vector<14x8x96xf32> to vector<8x8x96xf32>
        %slice3A_1437 = vector.extract_strided_slice %get3A_90 {offsets = [1, 0], sizes = [1, 96], strides = [1, 1]} : vector<7x96xf32> to vector<1x96xf32>
        %squeeze3A_1438 = vector.shape_cast %slice3A_1437 : vector<1x96xf32> to vector<96xf32>
        %broadcast_in_dim3A_1439 = vector.shape_cast %squeeze3A_1438 : vector<96xf32> to vector<1x1x96xf32>
        %mul3A_1440 = vector.broadcast %broadcast_in_dim3A_1439 : vector<1x1x96xf32> to vector<8x8x96xf32>
        %mul3A_1441 = arith.mulf %slice3A_1436, %mul3A_1440 : vector<8x8x96xf32>
        %add3A_1442 = arith.addf %add3A_1435, %mul3A_1441 : vector<8x8x96xf32>
        %slice3A_1443 = vector.extract_strided_slice %get3A_1367 {offsets = [2, 0, 0], sizes = [8, 8, 96], strides = [1, 1, 1]} : vector<14x8x96xf32> to vector<8x8x96xf32>
        %slice3A_1444 = vector.extract_strided_slice %get3A_90 {offsets = [2, 0], sizes = [1, 96], strides = [1, 1]} : vector<7x96xf32> to vector<1x96xf32>
        %squeeze3A_1445 = vector.shape_cast %slice3A_1444 : vector<1x96xf32> to vector<96xf32>
        %broadcast_in_dim3A_1446 = vector.shape_cast %squeeze3A_1445 : vector<96xf32> to vector<1x1x96xf32>
        %mul3A_1447 = vector.broadcast %broadcast_in_dim3A_1446 : vector<1x1x96xf32> to vector<8x8x96xf32>
        %mul3A_1448 = arith.mulf %slice3A_1443, %mul3A_1447 : vector<8x8x96xf32>
        %add3A_1449 = arith.addf %add3A_1442, %mul3A_1448 : vector<8x8x96xf32>
        %slice3A_1450 = vector.extract_strided_slice %get3A_1367 {offsets = [3, 0, 0], sizes = [8, 8, 96], strides = [1, 1, 1]} : vector<14x8x96xf32> to vector<8x8x96xf32>
        %slice3A_1451 = vector.extract_strided_slice %get3A_90 {offsets = [3, 0], sizes = [1, 96], strides = [1, 1]} : vector<7x96xf32> to vector<1x96xf32>
        %squeeze3A_1452 = vector.shape_cast %slice3A_1451 : vector<1x96xf32> to vector<96xf32>
        %broadcast_in_dim3A_1453 = vector.shape_cast %squeeze3A_1452 : vector<96xf32> to vector<1x1x96xf32>
        %mul3A_1454 = vector.broadcast %broadcast_in_dim3A_1453 : vector<1x1x96xf32> to vector<8x8x96xf32>
        %mul3A_1455 = arith.mulf %slice3A_1450, %mul3A_1454 : vector<8x8x96xf32>
        %add3A_1456 = arith.addf %add3A_1449, %mul3A_1455 : vector<8x8x96xf32>
        %slice3A_1457 = vector.extract_strided_slice %get3A_1367 {offsets = [4, 0, 0], sizes = [8, 8, 96], strides = [1, 1, 1]} : vector<14x8x96xf32> to vector<8x8x96xf32>
        %slice3A_1458 = vector.extract_strided_slice %get3A_90 {offsets = [4, 0], sizes = [1, 96], strides = [1, 1]} : vector<7x96xf32> to vector<1x96xf32>
        %squeeze3A_1459 = vector.shape_cast %slice3A_1458 : vector<1x96xf32> to vector<96xf32>
        %broadcast_in_dim3A_1460 = vector.shape_cast %squeeze3A_1459 : vector<96xf32> to vector<1x1x96xf32>
        %mul3A_1461 = vector.broadcast %broadcast_in_dim3A_1460 : vector<1x1x96xf32> to vector<8x8x96xf32>
        %mul3A_1462 = arith.mulf %slice3A_1457, %mul3A_1461 : vector<8x8x96xf32>
        %add3A_1463 = arith.addf %add3A_1456, %mul3A_1462 : vector<8x8x96xf32>
        %slice3A_1464 = vector.extract_strided_slice %get3A_1367 {offsets = [5, 0, 0], sizes = [8, 8, 96], strides = [1, 1, 1]} : vector<14x8x96xf32> to vector<8x8x96xf32>
        %slice3A_1465 = vector.extract_strided_slice %get3A_90 {offsets = [5, 0], sizes = [1, 96], strides = [1, 1]} : vector<7x96xf32> to vector<1x96xf32>
        %squeeze3A_1466 = vector.shape_cast %slice3A_1465 : vector<1x96xf32> to vector<96xf32>
        %broadcast_in_dim3A_1467 = vector.shape_cast %squeeze3A_1466 : vector<96xf32> to vector<1x1x96xf32>
        %mul3A_1468 = vector.broadcast %broadcast_in_dim3A_1467 : vector<1x1x96xf32> to vector<8x8x96xf32>
        %mul3A_1469 = arith.mulf %slice3A_1464, %mul3A_1468 : vector<8x8x96xf32>
        %add3A_1470 = arith.addf %add3A_1463, %mul3A_1469 : vector<8x8x96xf32>
        %slice3A_1471 = vector.extract_strided_slice %get3A_1367 {offsets = [6, 0, 0], sizes = [8, 8, 96], strides = [1, 1, 1]} : vector<14x8x96xf32> to vector<8x8x96xf32>
        %slice3A_1472 = vector.extract_strided_slice %get3A_90 {offsets = [6, 0], sizes = [1, 96], strides = [1, 1]} : vector<7x96xf32> to vector<1x96xf32>
        %squeeze3A_1473 = vector.shape_cast %slice3A_1472 : vector<1x96xf32> to vector<96xf32>
        %broadcast_in_dim3A_1474 = vector.shape_cast %squeeze3A_1473 : vector<96xf32> to vector<1x1x96xf32>
        %mul3A_1475 = vector.broadcast %broadcast_in_dim3A_1474 : vector<1x1x96xf32> to vector<8x8x96xf32>
        %mul3A_1476 = arith.mulf %slice3A_1471, %mul3A_1475 : vector<8x8x96xf32>
        %add3A_1477 = arith.addf %add3A_1470, %mul3A_1476 : vector<8x8x96xf32>
        %swap3A_1478 = arith.index_cast %multiple_of3A_1363 : i32 to index
        %swap3A_1479 = arith.index_cast %multiple_of3A_822 : i32 to index
        %swap3A_1480 = arith.constant 0 : index
        %swap3A_1481 = vector.load %arg11[%swap3A_1478, %swap3A_1479, %swap3A_1480] : memref<32x224x96xf32, #tpu.memory_space<vmem>>, vector<8x8x96xf32>
        tpu.vector_store %arg11[%swap3A_1478, %swap3A_1479, %swap3A_1480], %add3A_1477 {strides = array<i32>} : memref<32x224x96xf32, #tpu.memory_space<vmem>>, vector<8x8x96xf32>,
        %get3A_1482 = arith.index_cast %multiple_of3A_1363 : i32 to index
        %get3A_1483 = arith.index_cast %multiple_of3A_822 : i32 to index
        %get3A_1484 = arith.constant 0 : index
        %get3A_1485 = vector.load %arg12[%get3A_1482, %get3A_1483, %get3A_1484] : memref<32x224x96xf32, #tpu.memory_space<vmem>>, vector<8x8x96xf32>
        %slice3A_1486 = vector.extract_strided_slice %get3A_1367 {offsets = [0, 0, 0], sizes = [8, 8, 96], strides = [1, 1, 1]} : vector<14x8x96xf32> to vector<8x8x96xf32>
        %slice3A_1487 = vector.extract_strided_slice %get3A_95 {offsets = [0, 0], sizes = [1, 96], strides = [1, 1]} : vector<7x96xf32> to vector<1x96xf32>
        %squeeze3A_1488 = vector.shape_cast %slice3A_1487 : vector<1x96xf32> to vector<96xf32>
        %broadcast_in_dim3A_1489 = vector.shape_cast %squeeze3A_1488 : vector<96xf32> to vector<1x1x96xf32>
        %mul3A_1490 = vector.broadcast %broadcast_in_dim3A_1489 : vector<1x1x96xf32> to vector<8x8x96xf32>
        %mul3A_1491 = arith.mulf %slice3A_1486, %mul3A_1490 : vector<8x8x96xf32>
        %add3A_1492 = arith.addf %get3A_1485, %mul3A_1491 : vector<8x8x96xf32>
        %slice3A_1493 = vector.extract_strided_slice %get3A_1367 {offsets = [1, 0, 0], sizes = [8, 8, 96], strides = [1, 1, 1]} : vector<14x8x96xf32> to vector<8x8x96xf32>
        %slice3A_1494 = vector.extract_strided_slice %get3A_95 {offsets = [1, 0], sizes = [1, 96], strides = [1, 1]} : vector<7x96xf32> to vector<1x96xf32>
        %squeeze3A_1495 = vector.shape_cast %slice3A_1494 : vector<1x96xf32> to vector<96xf32>
        %broadcast_in_dim3A_1496 = vector.shape_cast %squeeze3A_1495 : vector<96xf32> to vector<1x1x96xf32>
        %mul3A_1497 = vector.broadcast %broadcast_in_dim3A_1496 : vector<1x1x96xf32> to vector<8x8x96xf32>
        %mul3A_1498 = arith.mulf %slice3A_1493, %mul3A_1497 : vector<8x8x96xf32>
        %add3A_1499 = arith.addf %add3A_1492, %mul3A_1498 : vector<8x8x96xf32>
        %slice3A_1500 = vector.extract_strided_slice %get3A_1367 {offsets = [2, 0, 0], sizes = [8, 8, 96], strides = [1, 1, 1]} : vector<14x8x96xf32> to vector<8x8x96xf32>
        %slice3A_1501 = vector.extract_strided_slice %get3A_95 {offsets = [2, 0], sizes = [1, 96], strides = [1, 1]} : vector<7x96xf32> to vector<1x96xf32>
        %squeeze3A_1502 = vector.shape_cast %slice3A_1501 : vector<1x96xf32> to vector<96xf32>
        %broadcast_in_dim3A_1503 = vector.shape_cast %squeeze3A_1502 : vector<96xf32> to vector<1x1x96xf32>
        %mul3A_1504 = vector.broadcast %broadcast_in_dim3A_1503 : vector<1x1x96xf32> to vector<8x8x96xf32>
        %mul3A_1505 = arith.mulf %slice3A_1500, %mul3A_1504 : vector<8x8x96xf32>
        %add3A_1506 = arith.addf %add3A_1499, %mul3A_1505 : vector<8x8x96xf32>
        %slice3A_1507 = vector.extract_strided_slice %get3A_1367 {offsets = [3, 0, 0], sizes = [8, 8, 96], strides = [1, 1, 1]} : vector<14x8x96xf32> to vector<8x8x96xf32>
        %slice3A_1508 = vector.extract_strided_slice %get3A_95 {offsets = [3, 0], sizes = [1, 96], strides = [1, 1]} : vector<7x96xf32> to vector<1x96xf32>
        %squeeze3A_1509 = vector.shape_cast %slice3A_1508 : vector<1x96xf32> to vector<96xf32>
        %broadcast_in_dim3A_1510 = vector.shape_cast %squeeze3A_1509 : vector<96xf32> to vector<1x1x96xf32>
        %mul3A_1511 = vector.broadcast %broadcast_in_dim3A_1510 : vector<1x1x96xf32> to vector<8x8x96xf32>
        %mul3A_1512 = arith.mulf %slice3A_1507, %mul3A_1511 : vector<8x8x96xf32>
        %add3A_1513 = arith.addf %add3A_1506, %mul3A_1512 : vector<8x8x96xf32>
        %slice3A_1514 = vector.extract_strided_slice %get3A_1367 {offsets = [4, 0, 0], sizes = [8, 8, 96], strides = [1, 1, 1]} : vector<14x8x96xf32> to vector<8x8x96xf32>
        %slice3A_1515 = vector.extract_strided_slice %get3A_95 {offsets = [4, 0], sizes = [1, 96], strides = [1, 1]} : vector<7x96xf32> to vector<1x96xf32>
        %squeeze3A_1516 = vector.shape_cast %slice3A_1515 : vector<1x96xf32> to vector<96xf32>
        %broadcast_in_dim3A_1517 = vector.shape_cast %squeeze3A_1516 : vector<96xf32> to vector<1x1x96xf32>
        %mul3A_1518 = vector.broadcast %broadcast_in_dim3A_1517 : vector<1x1x96xf32> to vector<8x8x96xf32>
        %mul3A_1519 = arith.mulf %slice3A_1514, %mul3A_1518 : vector<8x8x96xf32>
        %add3A_1520 = arith.addf %add3A_1513, %mul3A_1519 : vector<8x8x96xf32>
        %slice3A_1521 = vector.extract_strided_slice %get3A_1367 {offsets = [5, 0, 0], sizes = [8, 8, 96], strides = [1, 1, 1]} : vector<14x8x96xf32> to vector<8x8x96xf32>
        %slice3A_1522 = vector.extract_strided_slice %get3A_95 {offsets = [5, 0], sizes = [1, 96], strides = [1, 1]} : vector<7x96xf32> to vector<1x96xf32>
        %squeeze3A_1523 = vector.shape_cast %slice3A_1522 : vector<1x96xf32> to vector<96xf32>
        %broadcast_in_dim3A_1524 = vector.shape_cast %squeeze3A_1523 : vector<96xf32> to vector<1x1x96xf32>
        %mul3A_1525 = vector.broadcast %broadcast_in_dim3A_1524 : vector<1x1x96xf32> to vector<8x8x96xf32>
        %mul3A_1526 = arith.mulf %slice3A_1521, %mul3A_1525 : vector<8x8x96xf32>
        %add3A_1527 = arith.addf %add3A_1520, %mul3A_1526 : vector<8x8x96xf32>
        %slice3A_1528 = vector.extract_strided_slice %get3A_1367 {offsets = [6, 0, 0], sizes = [8, 8, 96], strides = [1, 1, 1]} : vector<14x8x96xf32> to vector<8x8x96xf32>
        %slice3A_1529 = vector.extract_strided_slice %get3A_95 {offsets = [6, 0], sizes = [1, 96], strides = [1, 1]} : vector<7x96xf32> to vector<1x96xf32>
        %squeeze3A_1530 = vector.shape_cast %slice3A_1529 : vector<1x96xf32> to vector<96xf32>
        %broadcast_in_dim3A_1531 = vector.shape_cast %squeeze3A_1530 : vector<96xf32> to vector<1x1x96xf32>
        %mul3A_1532 = vector.broadcast %broadcast_in_dim3A_1531 : vector<1x1x96xf32> to vector<8x8x96xf32>
        %mul3A_1533 = arith.mulf %slice3A_1528, %mul3A_1532 : vector<8x8x96xf32>
        %add3A_1534 = arith.addf %add3A_1527, %mul3A_1533 : vector<8x8x96xf32>
        %swap3A_1535 = arith.index_cast %multiple_of3A_1363 : i32 to index
        %swap3A_1536 = arith.index_cast %multiple_of3A_822 : i32 to index
        %swap3A_1537 = arith.constant 0 : index
        %swap3A_1538 = vector.load %arg12[%swap3A_1535, %swap3A_1536, %swap3A_1537] : memref<32x224x96xf32, #tpu.memory_space<vmem>>, vector<8x8x96xf32>
        tpu.vector_store %arg12[%swap3A_1535, %swap3A_1536, %swap3A_1537], %add3A_1534 {strides = array<i32>} : memref<32x224x96xf32, #tpu.memory_space<vmem>>, vector<8x8x96xf32>,
        %scan3A_1539 = arith.constant 4 : i32
      }
      %scan3A_100 = arith.constant 28 : i32
    }
    %scan3A_20 = arith.constant 7 : i32
    %get3A_21 = arith.constant 0 : index
    %get3A_22 = arith.constant 0 : index
    %get3A_23 = arith.constant 0 : index
    %get3A_24 = vector.load %arg10[%get3A_21, %get3A_22, %get3A_23] : memref<32x224x96xf32, #tpu.memory_space<vmem>>, vector<32x224x96xf32>
    %get3A_25 = arith.index_cast %get3A_1 : i32 to index
    %get3A_26 = arith.constant 0 : index
    %get3A_27 = arith.constant 0 : index
    %get3A_28 = vector.load %arg5[%get3A_25, %get3A_26, %get3A_27] : memref<8x1x96xf32, #tpu.memory_space<vmem>>, vector<1x1x96xf32>
    %get3A_29 = vector.shape_cast %get3A_28 : vector<1x1x96xf32> to vector<96xf32>
    %broadcast_in_dim3A_30 = vector.shape_cast %get3A_29 : vector<96xf32> to vector<1x1x96xf32>
    %add3A = vector.broadcast %broadcast_in_dim3A_30 : vector<1x1x96xf32> to vector<32x224x96xf32>
    %add3A_31 = arith.addf %get3A_24, %add3A : vector<32x224x96xf32>
    %exp3A = math.exp %add3A_31 : vector<32x224x96xf32>
    %get3A_32 = arith.constant 0 : index
    %get3A_33 = arith.constant 0 : index
    %get3A_34 = arith.constant 0 : index
    %get3A_35 = vector.load %arg11[%get3A_32, %get3A_33, %get3A_34] : memref<32x224x96xf32, #tpu.memory_space<vmem>>, vector<32x224x96xf32>
    %get3A_36 = arith.index_cast %get3A_4 : i32 to index
    %get3A_37 = arith.constant 0 : index
    %get3A_38 = arith.constant 0 : index
    %get3A_39 = vector.load %arg5[%get3A_36, %get3A_37, %get3A_38] : memref<8x1x96xf32, #tpu.memory_space<vmem>>, vector<1x1x96xf32>
    %get3A_40 = vector.shape_cast %get3A_39 : vector<1x1x96xf32> to vector<96xf32>
    %broadcast_in_dim3A_41 = vector.shape_cast %get3A_40 : vector<96xf32> to vector<1x1x96xf32>
    %add3A_42 = vector.broadcast %broadcast_in_dim3A_41 : vector<1x1x96xf32> to vector<32x224x96xf32>
    %add3A_43 = arith.addf %get3A_35, %add3A_42 : vector<32x224x96xf32>
    %exp3A_44 = math.exp %add3A_43 : vector<32x224x96xf32>
    %add3A_45 = arith.addf %exp3A, %exp3A_44 : vector<32x224x96xf32>
    %eq3A = arith.constant 0.000000e+00 : f32
    %eq3A_46 = vector.broadcast %eq3A : f32 to vector<32x224x96xf32>
    %eq3A_47 = arith.cmpf oeq, %add3A_45, %eq3A_46 : vector<32x224x96xf32>
    %jit3A = arith.constant 2.22044605E-16 : f32
    %broadcast_in_dim3A_48 = vector.broadcast %jit3A : f32 to vector<32x224x96xf32>
    %select_n3A = arith.select %eq3A_47, %broadcast_in_dim3A_48, %add3A_45 : vector<32x224x96xi1>, vector<32x224x96xf32>
    %log3A = math.log %select_n3A : vector<32x224x96xf32>
    %get3A_49 = arith.constant 0 : index
    %get3A_50 = arith.constant 0 : index
    %get3A_51 = arith.constant 0 : index
    %get3A_52 = vector.load %arg12[%get3A_49, %get3A_50, %get3A_51] : memref<32x224x96xf32, #tpu.memory_space<vmem>>, vector<32x224x96xf32>
    %get3A_53 = arith.constant 0 : index
    %get3A_54 = arith.constant 0 : index
    %get3A_55 = vector.load %arg7[%get3A_53, %get3A_54] : memref<1x96xf32, #tpu.memory_space<vmem>>, vector<1x96xf32>
    %get3A_56 = vector.shape_cast %get3A_55 : vector<1x96xf32> to vector<96xf32>
    %broadcast_in_dim3A_57 = vector.shape_cast %get3A_56 : vector<96xf32> to vector<1x1x96xf32>
    %add3A_58 = vector.broadcast %broadcast_in_dim3A_57 : vector<1x1x96xf32> to vector<32x224x96xf32>
    %add3A_59 = arith.addf %get3A_52, %add3A_58 : vector<32x224x96xf32>
    %add3A_60 = arith.addf %log3A, %add3A_59 : vector<32x224x96xf32>
    %swap3A_61 = arith.constant 0 : index
    %swap3A_62 = arith.constant 0 : index
    %swap3A_63 = arith.constant 0 : index
    %swap3A_64 = arith.constant 0 : index
    %swap3A_65 = vector.load %arg8[%swap3A_61, %swap3A_62, %swap3A_63, %swap3A_64] : memref<1x32x224x96xf32, #tpu.memory_space<vmem>>, vector<1x32x224x96xf32>
    %swap3A_66 = vector.shape_cast %swap3A_65 : vector<1x32x224x96xf32> to vector<32x224x96xf32>
    %swap3A_67 = vector.shape_cast %add3A_60 : vector<32x224x96xf32> to vector<1x32x224x96xf32>
    tpu.vector_store %arg8[%swap3A_61, %swap3A_62, %swap3A_63, %swap3A_64], %swap3A_67 {strides = array<i32>} : memref<1x32x224x96xf32, #tpu.memory_space<vmem>>, vector<1x32x224x96xf32>,
    return
  }
  func.func @transform_0(%arg0: i32, %arg1: i32) -> (i32, i32, i32, i32) {
    %mul3A = arith.constant 32 : i32
    %mul3A_0 = arith.muli %arg1, %mul3A : i32
    %c0_i32 = arith.constant 0 : i32
    %c0_i32_1 = arith.constant 0 : i32
    %c0_i32_2 = arith.constant 0 : i32
    return %arg0, %mul3A_0, %c0_i32, %c0_i32_1 : i32, i32, i32, i32
  }
  func.func @transform_1(%arg0: i32, %arg1: i32) -> (i32, i32) {
    %c0_i32 = arith.constant 0 : i32
    %c0_i32_0 = arith.constant 0 : i32
    %c0_i32_1 = arith.constant 0 : i32
    return %c0_i32, %c0_i32_0 : i32, i32
  }
  func.func @transform_2(%arg0: i32, %arg1: i32) -> (i32, i32, i32, i32) {
    %c0_i32 = arith.constant 0 : i32
    %c0_i32_0 = arith.constant 0 : i32
    %c0_i32_1 = arith.constant 0 : i32
    %c0_i32_2 = arith.constant 0 : i32
    %c0_i32_3 = arith.constant 0 : i32
    return %c0_i32, %c0_i32_0, %c0_i32_1, %c0_i32_2 : i32, i32, i32, i32
  }
  func.func @transform_3(%arg0: i32, %arg1: i32) -> (i32, i32, i32) {
    %c0_i32 = arith.constant 0 : i32
    %c0_i32_0 = arith.constant 0 : i32
    %c0_i32_1 = arith.constant 0 : i32
    %c0_i32_2 = arith.constant 0 : i32
    return %c0_i32, %c0_i32_0, %c0_i32_1 : i32, i32, i32
  }
  func.func @transform_4(%arg0: i32, %arg1: i32) -> (i32, i32, i32) {
    %c0_i32 = arith.constant 0 : i32
    %c0_i32_0 = arith.constant 0 : i32
    %c0_i32_1 = arith.constant 0 : i32
    %c0_i32_2 = arith.constant 0 : i32
    return %c0_i32, %c0_i32_0, %c0_i32_1 : i32, i32, i32
  }
  func.func @transform_5(%arg0: i32, %arg1: i32) -> (i32, i32) {
    %c0_i32 = arith.constant 0 : i32
    %c0_i32_0 = arith.constant 0 : i32
    %c0_i32_1 = arith.constant 0 : i32
    return %c0_i32, %c0_i32_0 : i32, i32
  }
  func.func @transform_6(%arg0: i32, %arg1: i32) -> (i32, i32, i32, i32) {
    %c0_i32 = arith.constant 0 : i32
    %c0_i32_0 = arith.constant 0 : i32
    %c0_i32_1 = arith.constant 0 : i32
    return %arg0, %arg1, %c0_i32, %c0_i32_0 : i32, i32, i32, i32
  }
}

</mosaic_0001>

<sc_bundles>
// kernel: sparse-core-data-format-call.cloned.1.call-start
scs
called_computation_lowered:
.L_overlay_start_0:
0x0: {  	s2 =	sld [smem:$0x3FD9]  }
0x1: {  	s3 =	sld [smem:$0x3FFE];
	_ =	sdelay $0x1  }
0x2: {  	s1 =	srdreg.scid  }
0x3: {  	s0 =	sand.u32 $0x1, s1  }
0x4: {  	s15 =	sshll.u32 s0, $0xA;
	s2 =	sadd.s32 s3, s2  }
0x5: {  	s2 =	sadd.s32 s2, s15  }
0x6: {  	[smem:$0x3FC0] =	sst s2  }
0x7: {  	_ = 	snop  }
0x8: {  	s2 =	sld [smem:$0x3FD0];
	_ =	sdelay $0x2  }
0x9: {  	s16 =	simm.s32 $0xA;
	s4 =	simm.s32 $0x10  }
0xa: {  	[smem:s4], [sflag:s16] =	dma.local [hbm:s2], $0x1  }
0xb: {  	_ =	swait.eq [sflag:s16], $0x1  }
0xc: {  	[sflag:s16] =	ssyncset.done $0x0  }
0xd: {  	[sflag:s16] =	ssyncadd.s32 $0xFFFFFFFF  }
0xe: {  	s17 =	sld [smem:$0x10];
	(tm) =	ssettm $0x1  }
0xf: {  	s18 =	sld [smem:$0x3FFB];
	_ =	sdelay $0x3  }
0x10: {  	_ =	strace s18  }
0x11: {  	s3 =	sld [smem:$0x3FFC];
	_ =	sdelay $0x3  }
0x12: {  	_ =	strace s3  }
0x13: {  	s3 =	sld [smem:$0x3FFD];
	_ =	sdelay $0x3  }
0x14: {  	_ =	strace s3  }
0x15: {  	_ =	strace $0x8FFFFFFF  }
0x16: {  	s19 =	sld [smem:$0x3FDB];
	_ =	sdelay $0x1  }
0x17: {  	s20 =	simm.s32 $_scs_section_size  }
0x18: {  	s5 =	simm.s32 $_size__tile_overlayer_lowered;
	s6 =	simm.s32 $_tile_overlayer_lowered  }
0x19: {  	s23 =	simm.s32 $0x1BFF;
	s22 =	sshll.u32 s6, $0x1;
	s3 =	sadd.s32 s20, s19  }
0x1a: {  	s7 =	simm.s32 $0x0;
	s21 =	sshll.u32 s5, $0x1;
	s5 =	sadd.s32 s22, s3  }
0x1b: {  	[timem:s7], [sflag:s23] =	dma.local [hbm:s5], s21  }
0x1c: {  	_ =	swait.ge [sflag:s23], s21  }
0x1d: {  	s4 =	ssub.s32 $0x0, s21;
	[sflag:s23] =	ssyncset.done $0x0  }
0x1e: {  	[sflag:s23] =	ssyncadd.s32 s4;
	_ =	sdelay $0x1  }
0x1f: {  	s24 =	simm.s32 $0x1B8B  }
0x20: {  	_ =	swait.ge [sflag:s24], $0x1  }
0x21: {  	[sflag:s24] =	ssyncset.done $0x0  }
0x22: {  	s26 =	simm.s32 $0x1B8E;
	s25 =	sld [smem:$0x3FFE];
	[sflag:s24] =	ssyncadd.s32 $0xFFFFFFFF  }
0x23: {  	s27 =	simm.s32 $execute0_lowered;
	[smem:$0x3FD2] =	sst s26  }
0x24: {  	s5 =	sshll.u32 s27, $0x1;
	_ =	strace $0x80000046;
	[dreg:$0x1] =	wrdreg $0xFFFFFFFF  }
0x25: {  	s28 =	simm.s32 $_size_execute0_lowered;
	s3 =	sadd.s32 s3, s5;
	[dreg:$0x0] =	wrdreg $0x0  }
0x26: {  	s5 =	sshll.u32 s28, $0x1;
	[dreg:$0x2] =	wrdreg s3  }
0x27: {  	[dreg:$0x3] =	wrdreg s5  }
0x28: {  	[dreg:$0x4] =	wrdreg $0xC0  }
0x29: {  	_ =	task [dreg:s7], $0x5FFFF  }
0x2a: {  	[dreg:$0x1] =	wrdreg $0xFFFFFFFF  }
0x2b: {  	[dreg:$0x0] =	wrdreg $0x60  }
0x2c: {  	[dreg:$0x2] =	wrdreg s25  }
0x2d: {  	[dreg:$0x3] =	wrdreg s17  }
0x2e: {  	[dreg:$0x4] =	wrdreg $0x9  }
0x2f: {  	_ =	task.clear_ibuf [dreg:s7], $0x5FFFF;
	_ =	strace $0x90000046  }
0x30: {  	s29 =	simm.s32 $0x9;
	_ =	strace $0x80000048  }
0x31: {  	_ =	swait.ge [sflag:s29], $0x1  }
0x32: {  	[sflag:s29] =	ssyncadd.s32 $0xFFFFFFFF  }
0x33: {  	_ =	strace $0x90000048  }
0x34: {  	_ =	sfence  }
0x35: {  	s30 =	sld [smem:$0x0];
	_ =	sdelay $0x2  }
0x36: {  	s31 =	sshll.u32 s1, $0xD;
	s1 =	sshrl.u32 s1, $0x2  }
0x37: {  	s3 =	sand.u32 $0x4000, s31;
	s1 =	sadd.s32 s1, s30  }
0x38: {  	s0 =	sor.u32 s3, s0;
	s1 =	sshll.u32 s1, $0x11  }
0x39: {  	s0 =	sor.u32 s1, s0  }
0x3a: {  	s0 =	sadd.s32 $0x8F2B, s0  }
0x3b: {  	[sflag:s0] =	ssyncadd.remote.s32 $0x1  }
0x3c: {  	_ =	sfence.sel $0xFFFF  }
0x3d: {  	[dreg:$0x0] =	wrdreg $0xFFFFFFFF;
	(pc) =	sbr.abs _section_cstart, $3  }
0x3e: {  	[dreg:$0x1] =	wrdreg $0xFFFFFFFF  }
0x3f: {  	_ =	task.clear_ibuf [dreg:s7], $0x2FFFF;
	_ =	strace $0x9FFFFFFF  }
0x40: {  	(tm) =	ssettm $0x7FFFFFFF  }
0x41: {  	_ =	shalt  }
tec
execute0_lowered:
.L_overlay_start_1:
0x0: {  	(tag) =	ssettag $0x1  }
0x1: {  	s0 =	stileid.u32  }
0x2: {  	s1 =	srdreg.scid;
	s7 =	rddreg [dreg:$0x0]  }
0x3: {  	s4 =	rddreg [dreg:$0x1];
	s31 =	simm.s32 $0x2;
	s15 =	simm.s32 $0x0  }
0x4: {  	s16 =	simm.s32 $0x0;
	s2 =	sshll.u32 s0, $0x6;
	s1 =	sshll.u32 s1, $0xA  }
0x5: {  	s10 =	simm.s32 $0x0;
	s1 =	sor.u32 s2, s1;
	s2 =	sand.u32 $0x1, s0  }
0x6: {  	s11 =	simm.s32 $0x0;
	s1 =	sand.u32 $0x780, s1;
	s5 =	ssub.s32 $0x2, s2  }
0x7: {  	s14 =	simm.s32 $0x0;
	s3 =	ssub.s32 $0xC400, s1;
	s8 =	sshrl.u32 s5, $0x1  }
0x8: {  	s5 =	sand.u32 $0x1, s5;
	s6 =	sand.u32 $0x780, s3;
	s9 =	sshrl.u32 s3, $0xB  }
0x9: {  	s3 =	rddreg [dreg:$0x2];
	p0 =	sne.s32 s6, $0x0;
	s6 =	simm.s32 $0x1  }
.Ltmp0:
0xa: {  	s8 =	sadd.s32 s5, s8;
	s6 =	simm.s32 @!p0 $0x0;
	(pc) =	sbr.rel .LBB1_1-.Ltmp0, $4  }
0xb: {  	_ =	strace $0x80000047;
	s5 =	simm.s32 $0x1;
	s6 =	sadd.s32 s6, s9  }
0xc: {  	s7 =	sadd.s32 $0x1200, s7;
	[sflag:s5] =	ssyncpa.u1 $0x0;
	s6 =	smul.u32 s8, s6  }
0xd: {  	s13 =	smov.u32 s2;
	s12 =	smov.u32 s1;
	[sflag:s31] =	ssyncpa.u1 $0x0  }
0xe: {  	p0 =	por $0x0, $0x0;
	s9 =	simm.s32 $0x62000;
	s8 =	sadd.s32 $0x1, s6  }
.LBB1_4:
0xf: {  	s22 =	sshll.u32 s10, $0x3;
	s23 =	sand.u32 $0x7F, s10  }
0x10: {  	s21 =	sshra.s32 s21, $0x2;
	s25 =	sshra.s32 s11, $0x1F;
	p1 =	sgt.s32 s11, $0x1  }
0x11: {  	s27 =	smov.u32 s11;
	s24 =	sand.u32 $0xFFFFFC00, s22;
	s22 =	smulhi.u32 $0x5397829D, s22  }
0x12: {  	s30 =	sshra.s32 s10, $0x1F;
	s25 =	sand.u32 s25, s11;
	s20 =	sadd.s32 s21, s20  }
0x13: {  	v5 =	vld [tilespmem:s18+$0xFFFFFFD0];
	[tilespmem:s19+$0x2040 ss:$0x81] =	vst.msk $0xffff, v4;
	s27 =	simm.s32 @!p1 $0x1;
	p1 =	sgt.s32 s10, $0xC380;
	s22 =	sshrl.u32 s22, $0xE  }
0x14: {  	v58 =	vld [tilespmem:s18+$0xFFFFFFE0];
	[tilespmem:s19+$0x2850 ss:$0x81] =	vst.msk $0xffff, v3;
	s23 =	sor.u32 s23, s24;
	s25 =	sxor.u32 $0xFFFFFFFF, s25;
	s26 =	smulhi.u32 $0x2AAAAAB, s22  }
0x15: {  	v59 =	vld [tilespmem:s18+$0xFFFFFFF0];
	[tilespmem:s19+$0x3060 ss:$0x81] =	vst.msk $0xffff, v2;
	s24 =	smulhi.u32 $0x5397829D, s23;
	s21 =	sadd.s32 s25, s27;
	s27 =	sand.u32 s30, s10  }
0x16: {  	v60 =	vld [tilespmem:s18+$0x0];
	[tilespmem:s19+$0x0 ss:$0x81] =	vst.msk $0xffff, v1;
	s29 =	ssub.s32 $0x1, s21;
	s28 =	smul.u32 $0x60, s26;
	s26 =	smov.u32 s10  }
0x17: {  	v61 =	vld [tilespmem:s18+$0x10];
	[tilespmem:s20+$0x3870 ss:$0x81] =	vst.msk $0xffff, v0;
	s24 =	sshrl.u32 s24, $0xE;
	s19 =	smul.u32 $0x60, s29;
	s26 =	simm.s32 @!p1 $0xC380  }
0x18: {  	v62 =	vld [tilespmem:s18+$0x20];
	[tilespmem:s20+$0x810 ss:$0x81] =	vst.msk $0xffff, v5;
	s24 =	smul.u32 $0xC400, s24;
	p1 =	sgt.s32 s21, $0x0;
	s31 =	ssub.s32 s26, s27  }
0x19: {  	v63 =	vld [tilespmem:s18+$0xFFFFFFC0];
	[tilespmem:s20+$0x1020 ss:$0x81] =	vst.msk $0xffff, v58;
	s25 =	ssub.s32 s22, s28;
	s19 =	simm.s32 @p1 $0x0;
	s26 =	sadd.s32 $0xFFFF3C80, s31  }
0x1a: {  	[tilespmem:s20+$0x1830 ss:$0x81] =	vst.msk $0xffff, v59;
	s27 =	smul.u32 $0x93000, s11;
	s21 =	ssub.s32 $0xC400, s31;
	p1 =	sgt.s32 s26, $0x7F  }
0x1b: {  	[tilespmem:s20+$0x2040 ss:$0x81] =	vst.msk $0xffff, v60;
	s23 =	ssub.s32 s23, s24;
	s18 =	smul.u32 $0x1880, s25;
	s21 =	simm.s32 @p1 $0x0  }
0x1c: {  	[tilespmem:s20+$0x2850 ss:$0x81] =	vst.msk $0xffff, v61;
	s29 =	sand.u32 $0x7, s23;
	s28 =	sadd.s32 s4, s27;
	s19 =	smul.u32 s19, s21  }
0x1d: {  	[tilespmem:s20+$0x3060 ss:$0x81] =	vst.msk $0xffff, v62;
	s30 =	sshrl.u32 s23, $0x3;
	s22 =	sshll.u32 s29, $0x12;
	s18 =	sadd.s32 s18, s28  }
0x1e: {  	[tilespmem:s20+$0x0 ss:$0x81] =	vst.msk $0xffff, v63;
	s31 =	sor.u32 $0x400, s22;
	s18 =	sadd.s32 s30, s18;
	s19 =	sand.u32 $0x3FFFFFE0, s19  }
0x1f: {  	[hbm4b:s18+s31] =	stream.strided.scatter [tilespmem:s17], [sflag:$0x2], s19, s9, s31, $0x20;
	[tilespmem:$0x10100] =	vst v63  }
.LBB1_5:
0x20: {  	p1 =	slt.u32 s14, $0x2  }
0x21: {  	p2 =	sgt.s32 @!p1 s16, $0x1  }
0x22: {  	s17 =	smov.u32 s16;
	s18 =	sshra.s32 @!p1 s16, $0x1F;
	p2 =	por !p2, p1  }
0x23: {  	s19 =	sshra.s32 @!p1 s15, $0x1F;
	s17 =	simm.s32 @p2 $0x1;
	p2 =	sgt.s32 @!p1 s15, $0xC380  }
0x24: {  	s16 =	sand.u32 @!p1 s18, s16;
	s18 =	smov.u32 s15;
	p2 =	por !p2, p1  }
0x25: {  	s16 =	sxor.u32 @!p1 $0xFFFFFFFF, s16;
	s15 =	sand.u32 @!p1 s19, s15;
	s18 =	simm.s32 @p2 $0xC380  }
0x26: {  	s16 =	sadd.s32 @!p1 s16, s17;
	s15 =	ssub.s32 @!p1 s18, s15  }
0x27: {  	s19 =	smov.u32 s13;
	s17 =	ssub.s32 @!p1 $0x1, s16;
	s18 =	sadd.s32 @!p1 $0xFFFF3C80, s15  }
0x28: {  	p2 =	sgt.s32 @!p1 s16, $0x0;
	s16 =	smul.u32 @!p1 $0x60, s17;
	p3 =	sgt.s32 @!p1 s18, $0x7F  }
0x29: {  	p2 =	por !p2, p1;
	s15 =	ssub.s32 @!p1 $0xC400, s15;
	p3 =	por !p3, p1  }
0x2a: {  	s17 =	sadd.s32 $0x800, s12;
	s16 =	simm.s32 @!p2 $0x0;
	s15 =	simm.s32 @!p3 $0x0  }
0x2b: {  	p2 =	sgt.s32 s17, $0xC3FF;
	s15 =	smul.u32 @!p1 s16, s15;
	s16 =	sadd.s32 $0x2, s13  }
0x2c: {  	s19 =	smov.u32 @p2 s16  }
0x2d: {  	s17 =	smov.u32 @p2 s1;
	p2 =	sgt.s32 s19, $0x1  }
0x2e: {  	s19 =	smov.u32 @p2 s2;
	p2 =	sne.s32 s14, s8  }
.Ltmp1:
0x2f: {  	p0 =	por !p0, !p0;
	s18 =	simm.s32 @!p1 $0x2;
	(pc) =	sbr.rel @!p2 .LBB1_6-.Ltmp1, $4  }
0x30: {  	s16 =	smov.u32 s11;
	s11 =	smov.u32 s13;
	s15 =	sand.u32 @!p1 $0x3FFFFFE0, s15  }
0x31: {  	_ =	swait.ge @!p1 [sflag:s18], s15;
	s20 =	ssub.s32 @!p1 $0x0, s15;
	s15 =	smov.u32 s10  }
0x32: {  	s14 =	sadd.s32 $0x1, s14;
	s10 =	smov.u32 s12;
	[sflag:s18] =	ssyncset.done @!p1 $0x0  }
0x33: {  	s12 =	smov.u32 s17;
	s13 =	smov.u32 s19;
	[sflag:s18] =	ssyncadd.s32 @!p1 s20  }
.LBB1_1:
0x34: {  	p1 =	sge.u32 s14, s6  }
0x35: {  	s17 =	sand.u32 @!p1 $0x1FFFFFF, s12  }
0x36: {  	s18 =	smulhi.u32 @!p1 $0x14E5E0B, s17;
	_ =	sdelay $0x1  }
0x37: {  	s18 =	sshrl.u32 @!p1 s18, $0x8  }
0x38: {  	s18 =	smul.u32 @!p1 $0xC400, s18  }
0x39: {  	s19 =	smul.u32 @!p1 $0xC4000, s13  }
0x3a: {  	s31 =	sadd.s32 $0xFFFFFFFF, s14;
	s17 =	ssub.s32 @!p1 s17, s18;
	s18 =	sxor.u32 @!p1 $0xFFFFFFFF, s14  }
0x3b: {  	s19 =	sadd.s32 @!p1 s7, s19;
	s18 =	sshll.u32 @!p1 s18, $0xE;
	s17 =	sshll.u32 @!p1 s17, $0x4  }
0x3c: {  	s18 =	sand.u32 @!p1 $0x4000, s18;
	s17 =	sadd.s32 @!p1 s17, s19;
	s19 =	simm.s32 @!p1 $0x0  }
0x3d: {  	[tilespmem:s18], [sflag:$0x1] =	stream.linear.gather @!p1 [hbm4b:s17+s19], $0x4000, $0x38;
	[tilespmem:$0x10100] =	vst v63  }
0x3e: {  	p1 =	sge.u32 s31, s6  }
.Ltmp2:
0x3f: {  	_ = 	snop;
	(pc) =	sbr.rel @p1 .LBB1_5-.Ltmp2, $1  }
0x40: {  	_ =	sdelay $0x3  }
0x41: {  	s17 =	simm.s32 $0x1  }
0x42: {  	_ =	swait.ge [sflag:s5], $0x4000;
	s17 =	simm.s32 @!p0 $0x0  }
0x43: {  	[sflag:s5] =	ssyncset.done $0x0;
	s18 =	sshll.u32 s17, $0xE  }
0x44: {  	[sflag:s5] =	ssyncadd.s32 $0xFFFFC000;
	s18 =	sor.u32 $0x40, s18  }
0x45: {  	s17 =	smul.u32 $0x10200, s17;
	v0 =	vld [tilespmem:s18+$0x30]  }
0x46: {  	v1 =	vld [tilespmem:s18+$0xFFFFFFD0]  }
0x47: {  	s17 =	sshrl.u32 s17, $0x2;
	v5 =	vld [tilespmem:s18+$0xFFFFFFE0]  }
0x48: {  	v6 =	vld [tilespmem:s18+$0xFFFFFFF0];
	s20 =	sor.u32 $0x8000, s17  }
0x49: {  	s31 =	sand.u32 $0x1, s14;
	v4 =	vld [tilespmem:s18+$0x0];
	s19 =	sadd.s32 $0x0, s20  }
0x4a: {  	v3 =	vld [tilespmem:s18+$0x10];
	s17 =	smul.u32 $0x10200, s31;
	[tilespmem:s19+$0x3870 ss:$0x81] =	vst.msk $0xffff, v0  }
0x4b: {  	v2 =	vld [tilespmem:s18+$0x20];
	[tilespmem:s19+$0x810 ss:$0x81] =	vst.msk $0xffff, v1  }
0x4c: {  	s17 =	sshrl.u32 s17, $0x2;
	v1 =	vld [tilespmem:s18+$0xFFFFFFC0];
	[tilespmem:s19+$0x1020 ss:$0x81] =	vst.msk $0xffff, v5;
	s18 =	sadd.s32 $0x80, s18  }
0x4d: {  	s21 =	simm.s32 $0x4;
	s22 =	simm.s32 $0x8;
	s17 =	sor.u32 $0x8000, s17;
	[tilespmem:s19+$0x1830 ss:$0x81] =	vst.msk $0xffff, v6;
	v0 =	vld [tilespmem:s18+$0x30]  }
.LBB1_3:
0x4e: {  	p1 =	sne.s32 s22, $0x1FC;
	v5 =	vld [tilespmem:s18+$0xFFFFFFD0];
	[tilespmem:s19+$0x2040 ss:$0x81] =	vst.msk $0xffff, v4  }
0x4f: {  	v6 =	vld [tilespmem:s18+$0xFFFFFFE0];
	[tilespmem:s19+$0x2850 ss:$0x81] =	vst.msk $0xffff, v3  }
0x50: {  	s23 =	sshra.s32 s21, $0x2;
	s21 =	smov.u32 s22;
	v7 =	vld [tilespmem:s18+$0xFFFFFFF0];
	[tilespmem:s19+$0x3060 ss:$0x81] =	vst.msk $0xffff, v2  }
.Ltmp3:
0x51: {  	v4 =	vld [tilespmem:s18+$0x0];
	[tilespmem:s19+$0x0 ss:$0x81] =	vst.msk $0xffff, v1;
	s19 =	sadd.s32 s23, s20;
	(pc) =	sbr.rel @p1 .LBB1_3-.Ltmp3, $4  }
0x52: {  	v3 =	vld [tilespmem:s18+$0x10];
	[tilespmem:s19+$0x3870 ss:$0x81] =	vst.msk $0xffff, v0  }
0x53: {  	[tilespmem:s19+$0x810 ss:$0x81] =	vst.msk $0xffff, v5;
	v2 =	vld [tilespmem:s18+$0x20]  }
0x54: {  	v1 =	vld [tilespmem:s18+$0xFFFFFFC0];
	[tilespmem:s19+$0x1020 ss:$0x81] =	vst.msk $0xffff, v6;
	s18 =	sadd.s32 $0x80, s18  }
0x55: {  	s22 =	sadd.s32 $0x4, s22;
	v0 =	vld [tilespmem:s18+$0x30];
	[tilespmem:s19+$0x1830 ss:$0x81] =	vst.msk $0xffff, v7  }
.Ltmp4:
0x56: {  	_ = 	snop;
	(pc) =	sbr.rel .LBB1_4-.Ltmp4, $1  }
0x57: {  	_ =	sdelay $0x3  }
.LBB1_6:
0x58: {  	_ =	sfence.sel $0x180000  }
0x59: {  	s1 =	simm.s32 $0x1;
	[bflag:$0x0] =	sbarrier.arrive $0xFFFF  }
0x5a: {  	s31 =	simm.s32 $0x2;
	[sflag:s1] =	ssyncpa.u1 $0x1  }
0x5b: {  	[sflag:s31] =	ssyncpa.u1 $0x1  }
0x5c: {  	p0 =	sne.s32 s0, $0x0;
	_ =	strace $0x90000047  }
0x5d: {  	s0 =	sadd.s32 @!p0 $0x100000, s3;
	[bflag:$0x2] =	sbarrier.arrive $0xFFFF  }
0x5e: {  	[sflag:s0] =	ssyncadd.tile.s32 @!p0 $0x1;
	_ =	shalt  }
.Lfunc_end1:
_tile_overlayer_lowered:
.L_overlay_start_2:
0x5f: {  	(tag) =	ssettag $0x2  }
0x60: {  	s0 =	rddreg [dreg:$0x0];
	s2 =	stileid.u32  }
0x61: {  	s1 =	rddreg [dreg:$0x1];
	p0 =	sne.s32 s2, $0x0  }
0x62: {  	s3 =	rddreg [dreg:$0x2];
	[bflag:$0x3] =	sbarrier.arrive $0xFFFF;
	s2 =	simm.s32 @!p0 $0x1C01  }
0x63: {  	[timem:s3], [sflag:s2] =	dma.local @!p0 [hbm:s0], s1  }
0x64: {  	s0 =	simm.s32 @!p0 $0x1  }
0x65: {  	_ =	swait.ge @!p0 [sflag:s0], s1  }
0x66: {  	s1 =	ssub.s32 @!p0 $0x0, s1;
	[sflag:s0] =	ssyncset.done @!p0 $0x0  }
0x67: {  	[sflag:s0] =	ssyncadd.s32 @!p0 s1  }
0x68: {  	[bflag:$0x3] =	sbarrier.arrive $0xFFFF  }
0x69: {  	_ =	shalt  }

</sc_bundles>
